<compile_context>
chip_gen: v7x
topology: tpu7x:2x2x1
jax: 0.10.2.dev20260603
libtpu: 0.0.44.dev20260713+nightly
codegen_flags: <defaults>
</compile_context>

<pallas_src>
import functools

import jax
import jax.numpy as jnp
from jax import lax
from jax.experimental import pallas as pl
from jax.experimental.pallas import tpu as pltpu
from jax.experimental.pallas import tpu_sc as plsc

NC = 2
NS = 16
NW = NC * NS
LANES = 16

CHUNK = 120
NBUF = 3
RING = 6
NBLK = 128
FRAC0 = 0.90


def _sc_mesh():
    return plsc.VectorSubcoreMesh(core_axis_name="c", subcore_axis_name="s")


def _deg_kernel_body(n_acc, ept, dst_hbm, hists_hbm, dstv, hist):
    c = lax.axis_index("c")
    s = lax.axis_index("s")
    wid = s * NC + c
    pltpu.sync_copy(dst_hbm.at[wid], dstv)

    zeros16 = jnp.zeros((LANES,), jnp.float32)

    def zero_body(i, carry):
        hist[pl.ds(i * LANES, LANES)] = zeros16
        return carry

    lax.fori_loop(0, n_acc // LANES, zero_body, 0)

    ones16 = jnp.ones((LANES,), jnp.float32)

    def body(i, carry):
        idx = dstv[pl.ds(i * LANES, LANES)]
        plsc.addupdate_scatter(hist, [idx], ones16)
        return carry

    lax.fori_loop(0, ept // LANES, body, 0)
    pltpu.sync_copy(hist, hists_hbm.at[wid])


def _g_kernel_body(x_ref, w_ref, hists_ref, g_ref):
    deg = jnp.sum(hists_ref[...], axis=0) + 1.0
    dinv = lax.rsqrt(deg)
    h = jnp.dot(x_ref[...], w_ref[...], preferred_element_type=jnp.float32)
    g_ref[...] = h * dinv[:, None]


def _edge_kernel_body(n_acc, k0, k1, src_hbm, dst_hbm, g_hbm, part_hbm,
                      srcv, dstv, rows, acc, sg0, sg1, sg2, si):
    cid = lax.axis_index("c")
    s = lax.axis_index("s")
    d = g_hbm.shape[1]
    nloc = jnp.where(cid == 0, k0, k1)
    base = jnp.where(cid == 0, s * k0, NS * k0 + s * k1)

    zeros16 = jnp.zeros((LANES,), jnp.float32)
    per_row = d // LANES

    def zb(i, carry):
        r = i // per_row
        j = i % per_row
        rows[0, r, pl.ds(j * LANES, LANES)] = zeros16
        return carry

    lax.fori_loop(0, CHUNK * per_row, zb, 0)

    r_t = n_acc // NS

    def zacc(j, carry):
        pltpu.sync_copy(rows.at[0], acc.at[pl.ds(s * r_t + j * CHUNK, CHUNK)])
        return carry

    lax.fori_loop(0, r_t // CHUNK, zacc, 0)
    rem = r_t % CHUNK
    if rem:
        pltpu.sync_copy(
            rows.at[0, pl.ds(0, rem)],
            acc.at[pl.ds(s * r_t + (r_t // CHUNK) * CHUNK, rem)])
    plsc.subcore_barrier()

    def stage(j):
        pltpu.async_copy(src_hbm.at[base + j], srcv.at[j % RING], si)
        pltpu.async_copy(dst_hbm.at[base + j], dstv.at[j % RING], si)

    def stage_wait():
        pltpu.make_async_copy(src_hbm.at[base], srcv.at[0], si).wait()
        pltpu.make_async_copy(dst_hbm.at[base], dstv.at[0], si).wait()

    sems = (sg0, sg1, sg2)
    for j in range(RING):
        stage(j)
    for b in range(NBUF):
        stage_wait()
        pltpu.async_copy(g_hbm.at[srcv.at[b]], rows.at[b], sems[b])

    def body(j3, carry):
        for b in range(NBUF):
            j = j3 * NBUF + b
            pltpu.make_async_copy(g_hbm.at[srcv.at[j % RING]], rows.at[b],
                                  sems[b]).wait()
            pltpu.sync_copy(rows.at[b], acc.at[dstv.at[j % RING]], add=True)

            @pl.when(j + RING < nloc)
            def _():
                stage(j + RING)

            @pl.when(j + NBUF < nloc)
            def _():
                stage_wait()
                pltpu.async_copy(g_hbm.at[srcv.at[(j + NBUF) % RING]],
                                 rows.at[b], sems[b])
        return carry

    lax.fori_loop(0, nloc // NBUF, body, 0)
    plsc.subcore_barrier()

    pltpu.sync_copy(acc.at[pl.ds(s * r_t, r_t)],
                    part_hbm.at[cid, pl.ds(s * r_t, r_t)])


def _out_kernel_body(p_ref, g_ref, hists_ref, b_ref, o_ref):
    deg = jnp.sum(hists_ref[...], axis=0) + 1.0
    dinv = lax.rsqrt(deg)
    tot = p_ref[0] + p_ref[1] + g_ref[...]
    o_ref[...] = tot * dinv[:, None] + b_ref[...]


def kernel(x, edge_index, W, b):
    n, d = x.shape
    e = edge_index.shape[1]

    kt = -(-e // (NS * CHUNK))
    kmin = max(RING, NBUF)
    kt = -(-kt // NBUF) * NBUF
    k0 = NBUF * round(kt * FRAC0 / NBUF)
    k0 = max(kmin, min(kt - kmin, k0))
    k1 = kt - k0
    t_chunks = NS * kt
    e_pad = t_chunks * CHUNK

    n_acc = -(-(n + 1) // (NS * NBLK)) * (NS * NBLK)

    src = edge_index[0].astype(jnp.int32)
    dst = edge_index[1].astype(jnp.int32)
    pad = e_pad - e
    src_p = jnp.concatenate([src, jnp.zeros((pad,), jnp.int32)])
    dst_p = jnp.concatenate([dst, jnp.full((pad,), n, jnp.int32)])
    src_r = src_p.reshape(t_chunks, CHUNK)
    dst_r = dst_p.reshape(t_chunks, CHUNK)
    ept = e_pad // NW
    dst_flat = dst_p.reshape(NW, ept)

    mesh = _sc_mesh()

    x_pad = jnp.concatenate([x, jnp.zeros((n_acc - n, d), x.dtype)])

    deg_kernel = functools.partial(
        pl.kernel,
        out_type=jax.ShapeDtypeStruct((NW, n_acc), jnp.float32),
        mesh=mesh,
        scratch_types=[
            pltpu.VMEM((ept,), jnp.int32),
            pltpu.VMEM((n_acc,), jnp.float32),
        ],
        compiler_params=pltpu.CompilerParams(needs_layout_passes=False),
    )(functools.partial(_deg_kernel_body, n_acc, ept))
    hists = deg_kernel(dst_flat)

    bn = NS * NBLK
    grid = n_acc // bn
    g_arr = pl.pallas_call(
        _g_kernel_body,
        grid=(grid,),
        in_specs=[
            pl.BlockSpec((bn, d), lambda i: (i, 0)),
            pl.BlockSpec((d, d), lambda i: (0, 0)),
            pl.BlockSpec((NW, bn), lambda i: (0, i)),
        ],
        out_specs=pl.BlockSpec((bn, d), lambda i: (i, 0)),
        out_shape=jax.ShapeDtypeStruct((n_acc, d), jnp.float32),
    )(x_pad, W, hists)

    edge_kernel = functools.partial(
        pl.kernel,
        out_type=jax.ShapeDtypeStruct((NC, n_acc, d), jnp.float32),
        mesh=mesh,
        scratch_types=[
            pltpu.VMEM((RING, CHUNK), jnp.int32),
            pltpu.VMEM((RING, CHUNK), jnp.int32),
            pltpu.VMEM((NBUF, CHUNK, d), jnp.float32),
            pltpu.VMEM_SHARED((n_acc, d), jnp.float32),
            pltpu.SemaphoreType.DMA,
            pltpu.SemaphoreType.DMA,
            pltpu.SemaphoreType.DMA,
            pltpu.SemaphoreType.DMA,
        ],
        compiler_params=pltpu.CompilerParams(needs_layout_passes=False),
    )(functools.partial(_edge_kernel_body, n_acc, k0, k1))
    parts = edge_kernel(src_r, dst_r, g_arr)

    out = pl.pallas_call(
        _out_kernel_body,
        grid=(grid,),
        in_specs=[
            pl.BlockSpec((NC, bn, d), lambda i: (0, i, 0)),
            pl.BlockSpec((bn, d), lambda i: (i, 0)),
            pl.BlockSpec((NW, bn), lambda i: (0, i)),
            pl.BlockSpec((1, d), lambda i: (0, 0)),
        ],
        out_specs=pl.BlockSpec((bn, d), lambda i: (i, 0)),
        out_shape=jax.ShapeDtypeStruct((n_acc, d), jnp.float32),
    )(parts, g_arr, hists, b.reshape(1, d))
    return out[:n]

# --- scband reference (transcript-rebuilt; emitter-appended) ---
"""Pipeline reference for scband-gnn-60679297958242 (READ-ONLY COPY).

The authoritative reference and input builder live on the scoring server;
editing this copy changes nothing except your own understanding.
"""

import jax, jax.numpy as jnp
import numpy as np

N_NODES = 10000
N_EDGES = 320000
D_IN = 128
D_OUT = 128


def setup_inputs(seed: int = 0) -> dict:
    key = jax.random.key(seed)
    k1, k2, k3 = jax.random.split(key, 3)
    x = jax.random.normal(k1, (N_NODES, D_IN), dtype=jnp.float32)
    edge_index = jax.random.randint(k2, (2, N_EDGES), 0, N_NODES, dtype=jnp.int64)
    W = jax.random.normal(k3, (D_IN, D_OUT), dtype=jnp.float32) * 0.05
    b = jnp.zeros((D_OUT,), dtype=jnp.float32)
    return {"x": x, "edge_index": edge_index, "W": W, "b": b}


def reference(x, edge_index, W, b):
    # Core GCNConv message passing (the workhorse inside this GNN's conv_layers
    # when opt['conv_type'] == 'GCN'), with self-loops as in opt['self_loops'].
    n = x.shape[0]
    loop = jnp.arange(n, dtype=edge_index.dtype)
    src = jnp.concatenate([edge_index[0], loop])
    dst = jnp.concatenate([edge_index[1], loop])
    # linear transform
    h = x @ W
    # symmetric normalization deg^{-1/2} A deg^{-1/2}
    ones = jnp.ones(src.shape[0], dtype=x.dtype)
    deg = jax.ops.segment_sum(ones, dst, num_segments=n)
    deg_inv_sqrt = jnp.where(deg > 0, jax.lax.rsqrt(jnp.maximum(deg, 1e-12)), 0.0)
    norm = deg_inv_sqrt[src] * deg_inv_sqrt[dst]
    # gather messages, scale, scatter-add to destination nodes
    msgs = jnp.take(h, src, axis=0) * norm[:, None]
    out = jax.ops.segment_sum(msgs, dst, num_segments=n)
    out = out + b
    return out

if __name__ == "__main__":
    import jax
    _d = setup_inputs()
    print(jax.jit(kernel)(*tuple(_d.values())))

</pallas_src>

<mosaic_0001>
#map = affine_map<(d0, d1) -> (0, 0)>
module attributes {stable_mosaic.version = 14 : i64} {
  func.func @_deg_kernel_body(%arg0: i32, %arg1: i32, %arg2: memref<32x10080xi32, #tpu.memory_space<hbm>>, %arg3: memref<32x10240xf32, #tpu.memory_space<hbm>>, %arg4: memref<10080xi32, #tpu.memory_space<vmem>>, %arg5: memref<10240xf32, #tpu.memory_space<vmem>>) attributes {dimension_semantics = [#tpu.dimension_semantics<core_parallel>, #tpu.dimension_semantics<subcore_parallel>], iteration_bounds = array<i64: 2, 16>, scalar_prefetch = 0 : i64, scratch_operands = 2 : i64, tpu.core_type = #tpu.core_type<sc_vector_subcore>, window_params = [{transform_indices = #map}, {transform_indices = #map}]} {
    %mul3A = arith.constant 2 : i32
    %mul3A_0 = arith.muli %arg1, %mul3A : i32
    %add3A = arith.addi %mul3A_0, %arg0 : i32
    "tpu.region"() ({
      %run_scoped3A = tpu.sem_alloc : memref<!tpu.dma_semaphore, #tpu.memory_space<semaphore_mem>>
      %dma_start3A = arith.constant 0 : i32
      %dma_start3A_15 = tpu.memref_slice %arg2[%add3A, %dma_start3A] : memref<32x10080xi32, #tpu.memory_space<hbm>> -> memref<1x10080xi32, #tpu.memory_space<hbm>>
      %dma_start3A_16 = tpu.memref_squeeze %dma_start3A_15 : memref<1x10080xi32, #tpu.memory_space<hbm>> -> memref<10080xi32, #tpu.memory_space<hbm>>
      %dma_start3A_17 = arith.constant 0 : i32
      %dma_start3A_18 = tpu.memref_slice %arg2[%add3A, %dma_start3A_17] : memref<32x10080xi32, #tpu.memory_space<hbm>> -> memref<1x10080xi32, #tpu.memory_space<hbm>>
      %dma_start3A_19 = tpu.memref_squeeze %dma_start3A_18 : memref<1x10080xi32, #tpu.memory_space<hbm>> -> memref<10080xi32, #tpu.memory_space<hbm>>
      tpu.enqueue_dma source(%dma_start3A_19 : memref<10080xi32, #tpu.memory_space<hbm>>) target(%arg4 : memref<10080xi32, #tpu.memory_space<vmem>>) target_semaphore(%run_scoped3A : memref<!tpu.dma_semaphore, #tpu.memory_space<semaphore_mem>>)
      %dma_wait3A = arith.constant 0 : i32
      %dma_wait3A_20 = tpu.memref_slice %arg2[%add3A, %dma_wait3A] : memref<32x10080xi32, #tpu.memory_space<hbm>> -> memref<1x10080xi32, #tpu.memory_space<hbm>>
      %dma_wait3A_21 = tpu.memref_squeeze %dma_wait3A_20 : memref<1x10080xi32, #tpu.memory_space<hbm>> -> memref<10080xi32, #tpu.memory_space<hbm>>
      %dma_wait3A_22 = arith.constant 0 : i32
      %dma_wait3A_23 = tpu.memref_slice %arg2[%add3A, %dma_wait3A_22] : memref<32x10080xi32, #tpu.memory_space<hbm>> -> memref<1x10080xi32, #tpu.memory_space<hbm>>
      %dma_wait3A_24 = tpu.memref_squeeze %dma_wait3A_23 : memref<1x10080xi32, #tpu.memory_space<hbm>> -> memref<10080xi32, #tpu.memory_space<hbm>>
      tpu.wait_dma2 semaphore(%run_scoped3A : memref<!tpu.dma_semaphore, #tpu.memory_space<semaphore_mem>>) src(%dma_wait3A_24 : memref<10080xi32, #tpu.memory_space<hbm>>) dst(%arg4 : memref<10080xi32, #tpu.memory_space<vmem>>)
      tpu.yield
    }) : () -> ()
    %broadcast_in_dim3A = arith.constant 0.000000e+00 : f32
    %broadcast_in_dim3A_1 = vector.broadcast %broadcast_in_dim3A : f32 to vector<16xf32>
    %scan3A = arith.constant 0 : i32
    %scan3A_2 = arith.constant 0 : i32
    %scan3A_3 = arith.constant 640 : i32
    %scan3A_4 = arith.addi %scan3A_2, %scan3A_3 : i32
    %scan3A_5 = arith.constant 1 : i32
    scf.for %scan3A_15 = %scan3A_2 to %scan3A_4 step %scan3A_5  : i32 {
      %mul3A_16 = arith.constant 16 : i32
      %mul3A_17 = arith.muli %scan3A_15, %mul3A_16 : i32
      %swap3A = arith.index_cast %mul3A_17 : i32 to index
      %swap3A_18 = tpu.vector_load %arg5[%swap3A] {strides = array<i32>} : memref<10240xf32, #tpu.memory_space<vmem>>, vector<16xf32>,
      tpu.vector_store %arg5[%swap3A], %broadcast_in_dim3A_1 {strides = array<i32>} : memref<10240xf32, #tpu.memory_space<vmem>>, vector<16xf32>,
    }
    %scan3A_6 = arith.constant 640 : i32
    %broadcast_in_dim3A_7 = arith.constant 1.000000e+00 : f32
    %broadcast_in_dim3A_8 = vector.broadcast %broadcast_in_dim3A_7 : f32 to vector<16xf32>
    %scan3A_9 = arith.constant 0 : i32
    %scan3A_10 = arith.constant 0 : i32
    %scan3A_11 = arith.constant 630 : i32
    %scan3A_12 = arith.addi %scan3A_10, %scan3A_11 : i32
    %scan3A_13 = arith.constant 1 : i32
    scf.for %scan3A_15 = %scan3A_10 to %scan3A_12 step %scan3A_13  : i32 {
      %mul3A_16 = arith.constant 16 : i32
      %mul3A_17 = arith.muli %scan3A_15, %mul3A_16 : i32
      %get3A = arith.index_cast %mul3A_17 : i32 to index
      %get3A_18 = tpu.vector_load %arg4[%get3A] {strides = array<i32>} : memref<10080xi32, #tpu.memory_space<vmem>>, vector<16xi32>,
      tpu.vector_store_idx %arg5[%get3A_18], %broadcast_in_dim3A_8 {add = true} : memref<10240xf32, #tpu.memory_space<vmem>>[vector<16xi32>], vector<16xf32>,
    }
    %scan3A_14 = arith.constant 630 : i32
    "tpu.region"() ({
      %run_scoped3A = tpu.sem_alloc : memref<!tpu.dma_semaphore, #tpu.memory_space<semaphore_mem>>
      %dma_start3A = arith.constant 0 : i32
      %dma_start3A_15 = tpu.memref_slice %arg3[%add3A, %dma_start3A] : memref<32x10240xf32, #tpu.memory_space<hbm>> -> memref<1x10240xf32, #tpu.memory_space<hbm>>
      %dma_start3A_16 = tpu.memref_squeeze %dma_start3A_15 : memref<1x10240xf32, #tpu.memory_space<hbm>> -> memref<10240xf32, #tpu.memory_space<hbm>>
      %dma_start3A_17 = arith.constant 0 : i32
      %dma_start3A_18 = tpu.memref_slice %arg3[%add3A, %dma_start3A_17] : memref<32x10240xf32, #tpu.memory_space<hbm>> -> memref<1x10240xf32, #tpu.memory_space<hbm>>
      %dma_start3A_19 = tpu.memref_squeeze %dma_start3A_18 : memref<1x10240xf32, #tpu.memory_space<hbm>> -> memref<10240xf32, #tpu.memory_space<hbm>>
      tpu.enqueue_dma source(%arg5 : memref<10240xf32, #tpu.memory_space<vmem>>) target(%dma_start3A_19 : memref<10240xf32, #tpu.memory_space<hbm>>) target_semaphore(%run_scoped3A : memref<!tpu.dma_semaphore, #tpu.memory_space<semaphore_mem>>)
      %dma_wait3A = arith.constant 0 : i32
      %dma_wait3A_20 = tpu.memref_slice %arg3[%add3A, %dma_wait3A] : memref<32x10240xf32, #tpu.memory_space<hbm>> -> memref<1x10240xf32, #tpu.memory_space<hbm>>
      %dma_wait3A_21 = tpu.memref_squeeze %dma_wait3A_20 : memref<1x10240xf32, #tpu.memory_space<hbm>> -> memref<10240xf32, #tpu.memory_space<hbm>>
      %dma_wait3A_22 = arith.constant 0 : i32
      %dma_wait3A_23 = tpu.memref_slice %arg3[%add3A, %dma_wait3A_22] : memref<32x10240xf32, #tpu.memory_space<hbm>> -> memref<1x10240xf32, #tpu.memory_space<hbm>>
      %dma_wait3A_24 = tpu.memref_squeeze %dma_wait3A_23 : memref<1x10240xf32, #tpu.memory_space<hbm>> -> memref<10240xf32, #tpu.memory_space<hbm>>
      tpu.wait_dma2 semaphore(%run_scoped3A : memref<!tpu.dma_semaphore, #tpu.memory_space<semaphore_mem>>) src(%arg5 : memref<10240xf32, #tpu.memory_space<vmem>>) dst(%dma_wait3A_24 : memref<10240xf32, #tpu.memory_space<hbm>>)
      tpu.yield
    }) : () -> ()
    return
  }
}

#map = affine_map<(d0, d1) -> (0, 0)>
#map1 = affine_map<(d0, d1) -> (0, 0, 0)>
module attributes {stable_mosaic.version = 14 : i64} {
  func.func @_edge_kernel_body(%arg0: i32, %arg1: i32, %arg2: memref<2688x120xi32, #tpu.memory_space<hbm>>, %arg3: memref<2688x120xi32, #tpu.memory_space<hbm>>, %arg4: memref<10240x128xf32, #tpu.memory_space<hbm>>, %arg5: memref<2x10240x128xf32, #tpu.memory_space<hbm>>, %arg6: memref<6x120xi32, #tpu.memory_space<vmem>>, %arg7: memref<6x120xi32, #tpu.memory_space<vmem>>, %arg8: memref<3x120x128xf32, #tpu.memory_space<vmem>>, %arg9: memref<10240x128xf32, #tpu.memory_space<vmem_shared>>, %arg10: memref<!tpu.dma_semaphore, #tpu.memory_space<semaphore_mem>>, %arg11: memref<!tpu.dma_semaphore, #tpu.memory_space<semaphore_mem>>, %arg12: memref<!tpu.dma_semaphore, #tpu.memory_space<semaphore_mem>>, %arg13: memref<!tpu.dma_semaphore, #tpu.memory_space<semaphore_mem>>) attributes {dimension_semantics = [#tpu.dimension_semantics<core_parallel>, #tpu.dimension_semantics<subcore_parallel>], iteration_bounds = array<i64: 2, 16>, scalar_prefetch = 0 : i64, scratch_operands = 8 : i64, tpu.core_type = #tpu.core_type<sc_vector_subcore>, window_params = [{transform_indices = #map}, {transform_indices = #map}, {transform_indices = #map}, {transform_indices = #map1}]} {
    %eq3A = arith.constant 0 : i32
    %eq3A_0 = arith.cmpi eq, %arg0, %eq3A : i32
    %jit3A = arith.constant 150 : i32
    %jit3A_1 = arith.constant 18 : i32
    %select_n3A = arith.select %eq3A_0, %jit3A, %jit3A_1 : i32
    %eq3A_2 = arith.constant 0 : i32
    %eq3A_3 = arith.cmpi eq, %arg0, %eq3A_2 : i32
    %mul3A = arith.constant 150 : i32
    %mul3A_4 = arith.muli %arg1, %mul3A : i32
    %mul3A_5 = arith.constant 18 : i32
    %mul3A_6 = arith.muli %arg1, %mul3A_5 : i32
    %add3A = arith.constant 2400 : i32
    %add3A_7 = arith.addi %add3A, %mul3A_6 : i32
    %select_n3A_8 = arith.select %eq3A_3, %mul3A_4, %add3A_7 : i32
    %broadcast_in_dim3A = arith.constant 0.000000e+00 : f32
    %broadcast_in_dim3A_9 = vector.broadcast %broadcast_in_dim3A : f32 to vector<16xf32>
    %scan3A = arith.constant 0 : i32
    %scan3A_10 = arith.constant 0 : i32
    %scan3A_11 = arith.constant 960 : i32
    %scan3A_12 = arith.addi %scan3A_10, %scan3A_11 : i32
    %scan3A_13 = arith.constant 1 : i32
    scf.for %scan3A_349 = %scan3A_10 to %scan3A_12 step %scan3A_13  : i32 {
      %jit3A_350 = arith.constant 8 : i32
      %div3A_351 = arith.divsi %scan3A_349, %jit3A_350 : i32
      %sign3A_352 = arith.constant 0 : i32
      %sign3A_353 = arith.cmpi sgt, %scan3A_349, %sign3A_352 : i32
      %sign3A_354 = arith.extui %sign3A_353 : i1 to i32
      %sign3A_355 = arith.constant 0 : i32
      %sign3A_356 = arith.cmpi slt, %scan3A_349, %sign3A_355 : i32
      %sign3A_357 = arith.extui %sign3A_356 : i1 to i32
      %sign3A_358 = arith.subi %sign3A_354, %sign3A_357 : i32
      %sign3A_359 = arith.constant 0 : i32
      %sign3A_360 = arith.cmpi sgt, %jit3A_350, %sign3A_359 : i32
      %sign3A_361 = arith.extui %sign3A_360 : i1 to i32
      %sign3A_362 = arith.constant 0 : i32
      %sign3A_363 = arith.cmpi slt, %jit3A_350, %sign3A_362 : i32
      %sign3A_364 = arith.extui %sign3A_363 : i1 to i32
      %sign3A_365 = arith.subi %sign3A_361, %sign3A_364 : i32
      %ne3A_366 = arith.cmpi ne, %sign3A_358, %sign3A_365 : i32
      %rem3A_367 = arith.remsi %scan3A_349, %jit3A_350 : i32
      %ne3A_368 = arith.constant 0 : i32
      %ne3A_369 = arith.cmpi ne, %rem3A_367, %ne3A_368 : i32
      %and3A_370 = arith.andi %ne3A_366, %ne3A_369 : i1
      %sub3A_371 = arith.constant 1 : i32
      %sub3A_372 = arith.subi %div3A_351, %sub3A_371 : i32
      %select_n3A_373 = arith.select %and3A_370, %sub3A_372, %div3A_351 : i32
      %jit3A_374 = arith.constant 8 : i32
      %eq3A_375 = arith.constant 0 : i32
      %eq3A_376 = arith.cmpi eq, %jit3A_374, %eq3A_375 : i32
      %jit3A_377 = arith.constant 1 : i32
      %select_n3A_378 = arith.select %eq3A_376, %jit3A_377, %jit3A_374 : i32
      %rem3A_379 = arith.remsi %scan3A_349, %select_n3A_378 : i32
      %ne3A_380 = arith.constant 0 : i32
      %ne3A_381 = arith.cmpi ne, %rem3A_379, %ne3A_380 : i32
      %lt3A = arith.constant 0 : i32
      %lt3A_382 = arith.cmpi slt, %rem3A_379, %lt3A : i32
      %lt3A_383 = arith.constant 0 : i32
      %lt3A_384 = arith.cmpi slt, %select_n3A_378, %lt3A_383 : i32
      %ne3A_385 = arith.xori %lt3A_382, %lt3A_384 : i1
      %and3A_386 = arith.andi %ne3A_385, %ne3A_381 : i1
      %add3A_387 = arith.addi %rem3A_379, %select_n3A_378 : i32
      %select_n3A_388 = arith.select %and3A_386, %add3A_387, %rem3A_379 : i32
      %mul3A_389 = arith.constant 16 : i32
      %mul3A_390 = arith.muli %select_n3A_388, %mul3A_389 : i32
      %swap3A = arith.constant 0 : i32
      %swap3A_391 = arith.index_cast %swap3A : i32 to index
      %swap3A_392 = arith.index_cast %select_n3A_373 : i32 to index
      %swap3A_393 = arith.index_cast %mul3A_390 : i32 to index
      %swap3A_394 = tpu.vector_load %arg8[%swap3A_391, %swap3A_392, %swap3A_393] {strides = array<i32>} : memref<3x120x128xf32, #tpu.memory_space<vmem>>, vector<16xf32>,
      tpu.vector_store %arg8[%swap3A_391, %swap3A_392, %swap3A_393], %broadcast_in_dim3A_9 {strides = array<i32>} : memref<3x120x128xf32, #tpu.memory_space<vmem>>, vector<16xf32>,
    }
    %scan3A_14 = arith.constant 960 : i32
    %scan3A_15 = arith.constant 0 : i32
    %scan3A_16 = arith.constant 0 : i32
    %scan3A_17 = arith.constant 5 : i32
    %scan3A_18 = arith.addi %scan3A_16, %scan3A_17 : i32
    %scan3A_19 = arith.constant 1 : i32
    scf.for %scan3A_349 = %scan3A_16 to %scan3A_18 step %scan3A_19  : i32 {
      %mul3A_350 = arith.constant 640 : i32
      %mul3A_351 = arith.muli %arg1, %mul3A_350 : i32
      %mul3A_352 = arith.constant 120 : i32
      %mul3A_353 = arith.muli %scan3A_349, %mul3A_352 : i32
      %add3A_354 = arith.addi %mul3A_351, %mul3A_353 : i32
      %run_scoped3A_355 = arith.constant 0 : i32
      "tpu.region"() ({
        %run_scoped3A_356 = tpu.sem_alloc : memref<!tpu.dma_semaphore, #tpu.memory_space<semaphore_mem>>
        %dma_start3A_357 = arith.constant 0 : i32
        %dma_start3A_358 = arith.constant 0 : i32
        %dma_start3A_359 = tpu.memref_slice %arg8[%run_scoped3A_355, %dma_start3A_357, %dma_start3A_358] : memref<3x120x128xf32, #tpu.memory_space<vmem>> -> memref<1x120x128xf32, #tpu.memory_space<vmem>>
        %dma_start3A_360 = tpu.memref_squeeze %dma_start3A_359 : memref<1x120x128xf32, #tpu.memory_space<vmem>> -> memref<120x128xf32, #tpu.memory_space<vmem>>
        %dma_start3A_361 = arith.constant 0 : i32
        %dma_start3A_362 = tpu.memref_slice %arg9[%add3A_354, %dma_start3A_361] : memref<10240x128xf32, #tpu.memory_space<vmem_shared>> -> memref<120x128xf32, #tpu.memory_space<vmem_shared>>
        %dma_start3A_363 = arith.constant 0 : i32
        %dma_start3A_364 = tpu.memref_slice %arg9[%add3A_354, %dma_start3A_363] : memref<10240x128xf32, #tpu.memory_space<vmem_shared>> -> memref<120x128xf32, #tpu.memory_space<vmem_shared>>
        %dma_start3A_365 = arith.constant 0 : i32
        %dma_start3A_366 = arith.constant 0 : i32
        %dma_start3A_367 = tpu.memref_slice %arg8[%run_scoped3A_355, %dma_start3A_365, %dma_start3A_366] : memref<3x120x128xf32, #tpu.memory_space<vmem>> -> memref<1x120x128xf32, #tpu.memory_space<vmem>>
        %dma_start3A_368 = tpu.memref_squeeze %dma_start3A_367 : memref<1x120x128xf32, #tpu.memory_space<vmem>> -> memref<120x128xf32, #tpu.memory_space<vmem>>
        tpu.enqueue_dma source(%dma_start3A_368 : memref<120x128xf32, #tpu.memory_space<vmem>>) target(%dma_start3A_364 : memref<120x128xf32, #tpu.memory_space<vmem_shared>>) target_semaphore(%run_scoped3A_356 : memref<!tpu.dma_semaphore, #tpu.memory_space<semaphore_mem>>)
        %dma_wait3A_369 = arith.constant 0 : i32
        %dma_wait3A_370 = arith.constant 0 : i32
        %dma_wait3A_371 = tpu.memref_slice %arg8[%run_scoped3A_355, %dma_wait3A_369, %dma_wait3A_370] : memref<3x120x128xf32, #tpu.memory_space<vmem>> -> memref<1x120x128xf32, #tpu.memory_space<vmem>>
        %dma_wait3A_372 = tpu.memref_squeeze %dma_wait3A_371 : memref<1x120x128xf32, #tpu.memory_space<vmem>> -> memref<120x128xf32, #tpu.memory_space<vmem>>
        %dma_wait3A_373 = arith.constant 0 : i32
        %dma_wait3A_374 = tpu.memref_slice %arg9[%add3A_354, %dma_wait3A_373] : memref<10240x128xf32, #tpu.memory_space<vmem_shared>> -> memref<120x128xf32, #tpu.memory_space<vmem_shared>>
        %dma_wait3A_375 = arith.constant 0 : i32
        %dma_wait3A_376 = tpu.memref_slice %arg9[%add3A_354, %dma_wait3A_375] : memref<10240x128xf32, #tpu.memory_space<vmem_shared>> -> memref<120x128xf32, #tpu.memory_space<vmem_shared>>
        %dma_wait3A_377 = arith.constant 0 : i32
        %dma_wait3A_378 = arith.constant 0 : i32
        %dma_wait3A_379 = tpu.memref_slice %arg8[%run_scoped3A_355, %dma_wait3A_377, %dma_wait3A_378] : memref<3x120x128xf32, #tpu.memory_space<vmem>> -> memref<1x120x128xf32, #tpu.memory_space<vmem>>
        %dma_wait3A_380 = tpu.memref_squeeze %dma_wait3A_379 : memref<1x120x128xf32, #tpu.memory_space<vmem>> -> memref<120x128xf32, #tpu.memory_space<vmem>>
        tpu.wait_dma2 semaphore(%run_scoped3A_356 : memref<!tpu.dma_semaphore, #tpu.memory_space<semaphore_mem>>) src(%dma_wait3A_380 : memref<120x128xf32, #tpu.memory_space<vmem>>) dst(%dma_wait3A_376 : memref<120x128xf32, #tpu.memory_space<vmem_shared>>)
        tpu.yield
      }) : () -> ()
    }
    %scan3A_20 = arith.constant 5 : i32
    %mul3A_21 = arith.constant 640 : i32
    %mul3A_22 = arith.muli %arg1, %mul3A_21 : i32
    %add3A_23 = arith.constant 600 : i32
    %add3A_24 = arith.addi %mul3A_22, %add3A_23 : i32
    %run_scoped3A = arith.constant 0 : i32
    "tpu.region"() ({
      %run_scoped3A_349 = tpu.sem_alloc : memref<!tpu.dma_semaphore, #tpu.memory_space<semaphore_mem>>
      %dma_start3A_350 = arith.constant 0 : i32
      %dma_start3A_351 = arith.constant 0 : i32
      %dma_start3A_352 = tpu.memref_slice %arg8[%run_scoped3A, %dma_start3A_350, %dma_start3A_351] : memref<3x120x128xf32, #tpu.memory_space<vmem>> -> memref<1x40x128xf32, #tpu.memory_space<vmem>>
      %dma_start3A_353 = tpu.memref_squeeze %dma_start3A_352 : memref<1x40x128xf32, #tpu.memory_space<vmem>> -> memref<40x128xf32, #tpu.memory_space<vmem>>
      %dma_start3A_354 = arith.constant 0 : i32
      %dma_start3A_355 = tpu.memref_slice %arg9[%add3A_24, %dma_start3A_354] : memref<10240x128xf32, #tpu.memory_space<vmem_shared>> -> memref<40x128xf32, #tpu.memory_space<vmem_shared>>
      %dma_start3A_356 = arith.constant 0 : i32
      %dma_start3A_357 = tpu.memref_slice %arg9[%add3A_24, %dma_start3A_356] : memref<10240x128xf32, #tpu.memory_space<vmem_shared>> -> memref<40x128xf32, #tpu.memory_space<vmem_shared>>
      %dma_start3A_358 = arith.constant 0 : i32
      %dma_start3A_359 = arith.constant 0 : i32
      %dma_start3A_360 = tpu.memref_slice %arg8[%run_scoped3A, %dma_start3A_358, %dma_start3A_359] : memref<3x120x128xf32, #tpu.memory_space<vmem>> -> memref<1x40x128xf32, #tpu.memory_space<vmem>>
      %dma_start3A_361 = tpu.memref_squeeze %dma_start3A_360 : memref<1x40x128xf32, #tpu.memory_space<vmem>> -> memref<40x128xf32, #tpu.memory_space<vmem>>
      tpu.enqueue_dma source(%dma_start3A_361 : memref<40x128xf32, #tpu.memory_space<vmem>>) target(%dma_start3A_357 : memref<40x128xf32, #tpu.memory_space<vmem_shared>>) target_semaphore(%run_scoped3A_349 : memref<!tpu.dma_semaphore, #tpu.memory_space<semaphore_mem>>)
      %dma_wait3A_362 = arith.constant 0 : i32
      %dma_wait3A_363 = arith.constant 0 : i32
      %dma_wait3A_364 = tpu.memref_slice %arg8[%run_scoped3A, %dma_wait3A_362, %dma_wait3A_363] : memref<3x120x128xf32, #tpu.memory_space<vmem>> -> memref<1x40x128xf32, #tpu.memory_space<vmem>>
      %dma_wait3A_365 = tpu.memref_squeeze %dma_wait3A_364 : memref<1x40x128xf32, #tpu.memory_space<vmem>> -> memref<40x128xf32, #tpu.memory_space<vmem>>
      %dma_wait3A_366 = arith.constant 0 : i32
      %dma_wait3A_367 = tpu.memref_slice %arg9[%add3A_24, %dma_wait3A_366] : memref<10240x128xf32, #tpu.memory_space<vmem_shared>> -> memref<40x128xf32, #tpu.memory_space<vmem_shared>>
      %dma_wait3A_368 = arith.constant 0 : i32
      %dma_wait3A_369 = tpu.memref_slice %arg9[%add3A_24, %dma_wait3A_368] : memref<10240x128xf32, #tpu.memory_space<vmem_shared>> -> memref<40x128xf32, #tpu.memory_space<vmem_shared>>
      %dma_wait3A_370 = arith.constant 0 : i32
      %dma_wait3A_371 = arith.constant 0 : i32
      %dma_wait3A_372 = tpu.memref_slice %arg8[%run_scoped3A, %dma_wait3A_370, %dma_wait3A_371] : memref<3x120x128xf32, #tpu.memory_space<vmem>> -> memref<1x40x128xf32, #tpu.memory_space<vmem>>
      %dma_wait3A_373 = tpu.memref_squeeze %dma_wait3A_372 : memref<1x40x128xf32, #tpu.memory_space<vmem>> -> memref<40x128xf32, #tpu.memory_space<vmem>>
      tpu.wait_dma2 semaphore(%run_scoped3A_349 : memref<!tpu.dma_semaphore, #tpu.memory_space<semaphore_mem>>) src(%dma_wait3A_373 : memref<40x128xf32, #tpu.memory_space<vmem>>) dst(%dma_wait3A_369 : memref<40x128xf32, #tpu.memory_space<vmem_shared>>)
      tpu.yield
    }) : () -> ()
    %barrier3A = arith.constant 0 : index
    tpu.barrier barrier_id(%barrier3A)
    %add3A_25 = arith.constant 0 : i32
    %add3A_26 = arith.addi %select_n3A_8, %add3A_25 : i32
    %dma_start3A = arith.constant 0 : i32
    %dma_start3A_27 = arith.constant 0 : i32
    %dma_start3A_28 = tpu.memref_slice %arg6[%dma_start3A, %dma_start3A_27] : memref<6x120xi32, #tpu.memory_space<vmem>> -> memref<1x120xi32, #tpu.memory_space<vmem>>
    %dma_start3A_29 = tpu.memref_squeeze %dma_start3A_28 : memref<1x120xi32, #tpu.memory_space<vmem>> -> memref<120xi32, #tpu.memory_space<vmem>>
    %dma_start3A_30 = arith.constant 0 : i32
    %dma_start3A_31 = tpu.memref_slice %arg2[%add3A_26, %dma_start3A_30] : memref<2688x120xi32, #tpu.memory_space<hbm>> -> memref<1x120xi32, #tpu.memory_space<hbm>>
    %dma_start3A_32 = tpu.memref_squeeze %dma_start3A_31 : memref<1x120xi32, #tpu.memory_space<hbm>> -> memref<120xi32, #tpu.memory_space<hbm>>
    %dma_start3A_33 = arith.constant 0 : i32
    %dma_start3A_34 = tpu.memref_slice %arg6[%dma_start3A, %dma_start3A_33] : memref<6x120xi32, #tpu.memory_space<vmem>> -> memref<1x120xi32, #tpu.memory_space<vmem>>
    %dma_start3A_35 = tpu.memref_squeeze %dma_start3A_34 : memref<1x120xi32, #tpu.memory_space<vmem>> -> memref<120xi32, #tpu.memory_space<vmem>>
    %dma_start3A_36 = arith.constant 0 : i32
    %dma_start3A_37 = tpu.memref_slice %arg2[%add3A_26, %dma_start3A_36] : memref<2688x120xi32, #tpu.memory_space<hbm>> -> memref<1x120xi32, #tpu.memory_space<hbm>>
    %dma_start3A_38 = tpu.memref_squeeze %dma_start3A_37 : memref<1x120xi32, #tpu.memory_space<hbm>> -> memref<120xi32, #tpu.memory_space<hbm>>
    tpu.enqueue_dma source(%dma_start3A_38 : memref<120xi32, #tpu.memory_space<hbm>>) target(%dma_start3A_35 : memref<120xi32, #tpu.memory_space<vmem>>) target_semaphore(%arg13 : memref<!tpu.dma_semaphore, #tpu.memory_space<semaphore_mem>>)
    %add3A_39 = arith.constant 0 : i32
    %add3A_40 = arith.addi %select_n3A_8, %add3A_39 : i32
    %dma_start3A_41 = arith.constant 0 : i32
    %dma_start3A_42 = arith.constant 0 : i32
    %dma_start3A_43 = tpu.memref_slice %arg7[%dma_start3A_41, %dma_start3A_42] : memref<6x120xi32, #tpu.memory_space<vmem>> -> memref<1x120xi32, #tpu.memory_space<vmem>>
    %dma_start3A_44 = tpu.memref_squeeze %dma_start3A_43 : memref<1x120xi32, #tpu.memory_space<vmem>> -> memref<120xi32, #tpu.memory_space<vmem>>
    %dma_start3A_45 = arith.constant 0 : i32
    %dma_start3A_46 = tpu.memref_slice %arg3[%add3A_40, %dma_start3A_45] : memref<2688x120xi32, #tpu.memory_space<hbm>> -> memref<1x120xi32, #tpu.memory_space<hbm>>
    %dma_start3A_47 = tpu.memref_squeeze %dma_start3A_46 : memref<1x120xi32, #tpu.memory_space<hbm>> -> memref<120xi32, #tpu.memory_space<hbm>>
    %dma_start3A_48 = arith.constant 0 : i32
    %dma_start3A_49 = tpu.memref_slice %arg7[%dma_start3A_41, %dma_start3A_48] : memref<6x120xi32, #tpu.memory_space<vmem>> -> memref<1x120xi32, #tpu.memory_space<vmem>>
    %dma_start3A_50 = tpu.memref_squeeze %dma_start3A_49 : memref<1x120xi32, #tpu.memory_space<vmem>> -> memref<120xi32, #tpu.memory_space<vmem>>
    %dma_start3A_51 = arith.constant 0 : i32
    %dma_start3A_52 = tpu.memref_slice %arg3[%add3A_40, %dma_start3A_51] : memref<2688x120xi32, #tpu.memory_space<hbm>> -> memref<1x120xi32, #tpu.memory_space<hbm>>
    %dma_start3A_53 = tpu.memref_squeeze %dma_start3A_52 : memref<1x120xi32, #tpu.memory_space<hbm>> -> memref<120xi32, #tpu.memory_space<hbm>>
    tpu.enqueue_dma source(%dma_start3A_53 : memref<120xi32, #tpu.memory_space<hbm>>) target(%dma_start3A_50 : memref<120xi32, #tpu.memory_space<vmem>>) target_semaphore(%arg13 : memref<!tpu.dma_semaphore, #tpu.memory_space<semaphore_mem>>)
    %add3A_54 = arith.constant 1 : i32
    %add3A_55 = arith.addi %select_n3A_8, %add3A_54 : i32
    %dma_start3A_56 = arith.constant 1 : i32
    %dma_start3A_57 = arith.constant 0 : i32
    %dma_start3A_58 = tpu.memref_slice %arg6[%dma_start3A_56, %dma_start3A_57] : memref<6x120xi32, #tpu.memory_space<vmem>> -> memref<1x120xi32, #tpu.memory_space<vmem>>
    %dma_start3A_59 = tpu.memref_squeeze %dma_start3A_58 : memref<1x120xi32, #tpu.memory_space<vmem>> -> memref<120xi32, #tpu.memory_space<vmem>>
    %dma_start3A_60 = arith.constant 0 : i32
    %dma_start3A_61 = tpu.memref_slice %arg2[%add3A_55, %dma_start3A_60] : memref<2688x120xi32, #tpu.memory_space<hbm>> -> memref<1x120xi32, #tpu.memory_space<hbm>>
    %dma_start3A_62 = tpu.memref_squeeze %dma_start3A_61 : memref<1x120xi32, #tpu.memory_space<hbm>> -> memref<120xi32, #tpu.memory_space<hbm>>
    %dma_start3A_63 = arith.constant 0 : i32
    %dma_start3A_64 = tpu.memref_slice %arg6[%dma_start3A_56, %dma_start3A_63] : memref<6x120xi32, #tpu.memory_space<vmem>> -> memref<1x120xi32, #tpu.memory_space<vmem>>
    %dma_start3A_65 = tpu.memref_squeeze %dma_start3A_64 : memref<1x120xi32, #tpu.memory_space<vmem>> -> memref<120xi32, #tpu.memory_space<vmem>>
    %dma_start3A_66 = arith.constant 0 : i32
    %dma_start3A_67 = tpu.memref_slice %arg2[%add3A_55, %dma_start3A_66] : memref<2688x120xi32, #tpu.memory_space<hbm>> -> memref<1x120xi32, #tpu.memory_space<hbm>>
    %dma_start3A_68 = tpu.memref_squeeze %dma_start3A_67 : memref<1x120xi32, #tpu.memory_space<hbm>> -> memref<120xi32, #tpu.memory_space<hbm>>
    tpu.enqueue_dma source(%dma_start3A_68 : memref<120xi32, #tpu.memory_space<hbm>>) target(%dma_start3A_65 : memref<120xi32, #tpu.memory_space<vmem>>) target_semaphore(%arg13 : memref<!tpu.dma_semaphore, #tpu.memory_space<semaphore_mem>>)
    %add3A_69 = arith.constant 1 : i32
    %add3A_70 = arith.addi %select_n3A_8, %add3A_69 : i32
    %dma_start3A_71 = arith.constant 1 : i32
    %dma_start3A_72 = arith.constant 0 : i32
    %dma_start3A_73 = tpu.memref_slice %arg7[%dma_start3A_71, %dma_start3A_72] : memref<6x120xi32, #tpu.memory_space<vmem>> -> memref<1x120xi32, #tpu.memory_space<vmem>>
    %dma_start3A_74 = tpu.memref_squeeze %dma_start3A_73 : memref<1x120xi32, #tpu.memory_space<vmem>> -> memref<120xi32, #tpu.memory_space<vmem>>
    %dma_start3A_75 = arith.constant 0 : i32
    %dma_start3A_76 = tpu.memref_slice %arg3[%add3A_70, %dma_start3A_75] : memref<2688x120xi32, #tpu.memory_space<hbm>> -> memref<1x120xi32, #tpu.memory_space<hbm>>
    %dma_start3A_77 = tpu.memref_squeeze %dma_start3A_76 : memref<1x120xi32, #tpu.memory_space<hbm>> -> memref<120xi32, #tpu.memory_space<hbm>>
    %dma_start3A_78 = arith.constant 0 : i32
    %dma_start3A_79 = tpu.memref_slice %arg7[%dma_start3A_71, %dma_start3A_78] : memref<6x120xi32, #tpu.memory_space<vmem>> -> memref<1x120xi32, #tpu.memory_space<vmem>>
    %dma_start3A_80 = tpu.memref_squeeze %dma_start3A_79 : memref<1x120xi32, #tpu.memory_space<vmem>> -> memref<120xi32, #tpu.memory_space<vmem>>
    %dma_start3A_81 = arith.constant 0 : i32
    %dma_start3A_82 = tpu.memref_slice %arg3[%add3A_70, %dma_start3A_81] : memref<2688x120xi32, #tpu.memory_space<hbm>> -> memref<1x120xi32, #tpu.memory_space<hbm>>
    %dma_start3A_83 = tpu.memref_squeeze %dma_start3A_82 : memref<1x120xi32, #tpu.memory_space<hbm>> -> memref<120xi32, #tpu.memory_space<hbm>>
    tpu.enqueue_dma source(%dma_start3A_83 : memref<120xi32, #tpu.memory_space<hbm>>) target(%dma_start3A_80 : memref<120xi32, #tpu.memory_space<vmem>>) target_semaphore(%arg13 : memref<!tpu.dma_semaphore, #tpu.memory_space<semaphore_mem>>)
    %add3A_84 = arith.constant 2 : i32
    %add3A_85 = arith.addi %select_n3A_8, %add3A_84 : i32
    %dma_start3A_86 = arith.constant 2 : i32
    %dma_start3A_87 = arith.constant 0 : i32
    %dma_start3A_88 = tpu.memref_slice %arg6[%dma_start3A_86, %dma_start3A_87] : memref<6x120xi32, #tpu.memory_space<vmem>> -> memref<1x120xi32, #tpu.memory_space<vmem>>
    %dma_start3A_89 = tpu.memref_squeeze %dma_start3A_88 : memref<1x120xi32, #tpu.memory_space<vmem>> -> memref<120xi32, #tpu.memory_space<vmem>>
    %dma_start3A_90 = arith.constant 0 : i32
    %dma_start3A_91 = tpu.memref_slice %arg2[%add3A_85, %dma_start3A_90] : memref<2688x120xi32, #tpu.memory_space<hbm>> -> memref<1x120xi32, #tpu.memory_space<hbm>>
    %dma_start3A_92 = tpu.memref_squeeze %dma_start3A_91 : memref<1x120xi32, #tpu.memory_space<hbm>> -> memref<120xi32, #tpu.memory_space<hbm>>
    %dma_start3A_93 = arith.constant 0 : i32
    %dma_start3A_94 = tpu.memref_slice %arg6[%dma_start3A_86, %dma_start3A_93] : memref<6x120xi32, #tpu.memory_space<vmem>> -> memref<1x120xi32, #tpu.memory_space<vmem>>
    %dma_start3A_95 = tpu.memref_squeeze %dma_start3A_94 : memref<1x120xi32, #tpu.memory_space<vmem>> -> memref<120xi32, #tpu.memory_space<vmem>>
    %dma_start3A_96 = arith.constant 0 : i32
    %dma_start3A_97 = tpu.memref_slice %arg2[%add3A_85, %dma_start3A_96] : memref<2688x120xi32, #tpu.memory_space<hbm>> -> memref<1x120xi32, #tpu.memory_space<hbm>>
    %dma_start3A_98 = tpu.memref_squeeze %dma_start3A_97 : memref<1x120xi32, #tpu.memory_space<hbm>> -> memref<120xi32, #tpu.memory_space<hbm>>
    tpu.enqueue_dma source(%dma_start3A_98 : memref<120xi32, #tpu.memory_space<hbm>>) target(%dma_start3A_95 : memref<120xi32, #tpu.memory_space<vmem>>) target_semaphore(%arg13 : memref<!tpu.dma_semaphore, #tpu.memory_space<semaphore_mem>>)
    %add3A_99 = arith.constant 2 : i32
    %add3A_100 = arith.addi %select_n3A_8, %add3A_99 : i32
    %dma_start3A_101 = arith.constant 2 : i32
    %dma_start3A_102 = arith.constant 0 : i32
    %dma_start3A_103 = tpu.memref_slice %arg7[%dma_start3A_101, %dma_start3A_102] : memref<6x120xi32, #tpu.memory_space<vmem>> -> memref<1x120xi32, #tpu.memory_space<vmem>>
    %dma_start3A_104 = tpu.memref_squeeze %dma_start3A_103 : memref<1x120xi32, #tpu.memory_space<vmem>> -> memref<120xi32, #tpu.memory_space<vmem>>
    %dma_start3A_105 = arith.constant 0 : i32
    %dma_start3A_106 = tpu.memref_slice %arg3[%add3A_100, %dma_start3A_105] : memref<2688x120xi32, #tpu.memory_space<hbm>> -> memref<1x120xi32, #tpu.memory_space<hbm>>
    %dma_start3A_107 = tpu.memref_squeeze %dma_start3A_106 : memref<1x120xi32, #tpu.memory_space<hbm>> -> memref<120xi32, #tpu.memory_space<hbm>>
    %dma_start3A_108 = arith.constant 0 : i32
    %dma_start3A_109 = tpu.memref_slice %arg7[%dma_start3A_101, %dma_start3A_108] : memref<6x120xi32, #tpu.memory_space<vmem>> -> memref<1x120xi32, #tpu.memory_space<vmem>>
    %dma_start3A_110 = tpu.memref_squeeze %dma_start3A_109 : memref<1x120xi32, #tpu.memory_space<vmem>> -> memref<120xi32, #tpu.memory_space<vmem>>
    %dma_start3A_111 = arith.constant 0 : i32
    %dma_start3A_112 = tpu.memref_slice %arg3[%add3A_100, %dma_start3A_111] : memref<2688x120xi32, #tpu.memory_space<hbm>> -> memref<1x120xi32, #tpu.memory_space<hbm>>
    %dma_start3A_113 = tpu.memref_squeeze %dma_start3A_112 : memref<1x120xi32, #tpu.memory_space<hbm>> -> memref<120xi32, #tpu.memory_space<hbm>>
    tpu.enqueue_dma source(%dma_start3A_113 : memref<120xi32, #tpu.memory_space<hbm>>) target(%dma_start3A_110 : memref<120xi32, #tpu.memory_space<vmem>>) target_semaphore(%arg13 : memref<!tpu.dma_semaphore, #tpu.memory_space<semaphore_mem>>)
    %add3A_114 = arith.constant 3 : i32
    %add3A_115 = arith.addi %select_n3A_8, %add3A_114 : i32
    %dma_start3A_116 = arith.constant 3 : i32
    %dma_start3A_117 = arith.constant 0 : i32
    %dma_start3A_118 = tpu.memref_slice %arg6[%dma_start3A_116, %dma_start3A_117] : memref<6x120xi32, #tpu.memory_space<vmem>> -> memref<1x120xi32, #tpu.memory_space<vmem>>
    %dma_start3A_119 = tpu.memref_squeeze %dma_start3A_118 : memref<1x120xi32, #tpu.memory_space<vmem>> -> memref<120xi32, #tpu.memory_space<vmem>>
    %dma_start3A_120 = arith.constant 0 : i32
    %dma_start3A_121 = tpu.memref_slice %arg2[%add3A_115, %dma_start3A_120] : memref<2688x120xi32, #tpu.memory_space<hbm>> -> memref<1x120xi32, #tpu.memory_space<hbm>>
    %dma_start3A_122 = tpu.memref_squeeze %dma_start3A_121 : memref<1x120xi32, #tpu.memory_space<hbm>> -> memref<120xi32, #tpu.memory_space<hbm>>
    %dma_start3A_123 = arith.constant 0 : i32
    %dma_start3A_124 = tpu.memref_slice %arg6[%dma_start3A_116, %dma_start3A_123] : memref<6x120xi32, #tpu.memory_space<vmem>> -> memref<1x120xi32, #tpu.memory_space<vmem>>
    %dma_start3A_125 = tpu.memref_squeeze %dma_start3A_124 : memref<1x120xi32, #tpu.memory_space<vmem>> -> memref<120xi32, #tpu.memory_space<vmem>>
    %dma_start3A_126 = arith.constant 0 : i32
    %dma_start3A_127 = tpu.memref_slice %arg2[%add3A_115, %dma_start3A_126] : memref<2688x120xi32, #tpu.memory_space<hbm>> -> memref<1x120xi32, #tpu.memory_space<hbm>>
    %dma_start3A_128 = tpu.memref_squeeze %dma_start3A_127 : memref<1x120xi32, #tpu.memory_space<hbm>> -> memref<120xi32, #tpu.memory_space<hbm>>
    tpu.enqueue_dma source(%dma_start3A_128 : memref<120xi32, #tpu.memory_space<hbm>>) target(%dma_start3A_125 : memref<120xi32, #tpu.memory_space<vmem>>) target_semaphore(%arg13 : memref<!tpu.dma_semaphore, #tpu.memory_space<semaphore_mem>>)
    %add3A_129 = arith.constant 3 : i32
    %add3A_130 = arith.addi %select_n3A_8, %add3A_129 : i32
    %dma_start3A_131 = arith.constant 3 : i32
    %dma_start3A_132 = arith.constant 0 : i32
    %dma_start3A_133 = tpu.memref_slice %arg7[%dma_start3A_131, %dma_start3A_132] : memref<6x120xi32, #tpu.memory_space<vmem>> -> memref<1x120xi32, #tpu.memory_space<vmem>>
    %dma_start3A_134 = tpu.memref_squeeze %dma_start3A_133 : memref<1x120xi32, #tpu.memory_space<vmem>> -> memref<120xi32, #tpu.memory_space<vmem>>
    %dma_start3A_135 = arith.constant 0 : i32
    %dma_start3A_136 = tpu.memref_slice %arg3[%add3A_130, %dma_start3A_135] : memref<2688x120xi32, #tpu.memory_space<hbm>> -> memref<1x120xi32, #tpu.memory_space<hbm>>
    %dma_start3A_137 = tpu.memref_squeeze %dma_start3A_136 : memref<1x120xi32, #tpu.memory_space<hbm>> -> memref<120xi32, #tpu.memory_space<hbm>>
    %dma_start3A_138 = arith.constant 0 : i32
    %dma_start3A_139 = tpu.memref_slice %arg7[%dma_start3A_131, %dma_start3A_138] : memref<6x120xi32, #tpu.memory_space<vmem>> -> memref<1x120xi32, #tpu.memory_space<vmem>>
    %dma_start3A_140 = tpu.memref_squeeze %dma_start3A_139 : memref<1x120xi32, #tpu.memory_space<vmem>> -> memref<120xi32, #tpu.memory_space<vmem>>
    %dma_start3A_141 = arith.constant 0 : i32
    %dma_start3A_142 = tpu.memref_slice %arg3[%add3A_130, %dma_start3A_141] : memref<2688x120xi32, #tpu.memory_space<hbm>> -> memref<1x120xi32, #tpu.memory_space<hbm>>
    %dma_start3A_143 = tpu.memref_squeeze %dma_start3A_142 : memref<1x120xi32, #tpu.memory_space<hbm>> -> memref<120xi32, #tpu.memory_space<hbm>>
    tpu.enqueue_dma source(%dma_start3A_143 : memref<120xi32, #tpu.memory_space<hbm>>) target(%dma_start3A_140 : memref<120xi32, #tpu.memory_space<vmem>>) target_semaphore(%arg13 : memref<!tpu.dma_semaphore, #tpu.memory_space<semaphore_mem>>)
    %add3A_144 = arith.constant 4 : i32
    %add3A_145 = arith.addi %select_n3A_8, %add3A_144 : i32
    %dma_start3A_146 = arith.constant 4 : i32
    %dma_start3A_147 = arith.constant 0 : i32
    %dma_start3A_148 = tpu.memref_slice %arg6[%dma_start3A_146, %dma_start3A_147] : memref<6x120xi32, #tpu.memory_space<vmem>> -> memref<1x120xi32, #tpu.memory_space<vmem>>
    %dma_start3A_149 = tpu.memref_squeeze %dma_start3A_148 : memref<1x120xi32, #tpu.memory_space<vmem>> -> memref<120xi32, #tpu.memory_space<vmem>>
    %dma_start3A_150 = arith.constant 0 : i32
    %dma_start3A_151 = tpu.memref_slice %arg2[%add3A_145, %dma_start3A_150] : memref<2688x120xi32, #tpu.memory_space<hbm>> -> memref<1x120xi32, #tpu.memory_space<hbm>>
    %dma_start3A_152 = tpu.memref_squeeze %dma_start3A_151 : memref<1x120xi32, #tpu.memory_space<hbm>> -> memref<120xi32, #tpu.memory_space<hbm>>
    %dma_start3A_153 = arith.constant 0 : i32
    %dma_start3A_154 = tpu.memref_slice %arg6[%dma_start3A_146, %dma_start3A_153] : memref<6x120xi32, #tpu.memory_space<vmem>> -> memref<1x120xi32, #tpu.memory_space<vmem>>
    %dma_start3A_155 = tpu.memref_squeeze %dma_start3A_154 : memref<1x120xi32, #tpu.memory_space<vmem>> -> memref<120xi32, #tpu.memory_space<vmem>>
    %dma_start3A_156 = arith.constant 0 : i32
    %dma_start3A_157 = tpu.memref_slice %arg2[%add3A_145, %dma_start3A_156] : memref<2688x120xi32, #tpu.memory_space<hbm>> -> memref<1x120xi32, #tpu.memory_space<hbm>>
    %dma_start3A_158 = tpu.memref_squeeze %dma_start3A_157 : memref<1x120xi32, #tpu.memory_space<hbm>> -> memref<120xi32, #tpu.memory_space<hbm>>
    tpu.enqueue_dma source(%dma_start3A_158 : memref<120xi32, #tpu.memory_space<hbm>>) target(%dma_start3A_155 : memref<120xi32, #tpu.memory_space<vmem>>) target_semaphore(%arg13 : memref<!tpu.dma_semaphore, #tpu.memory_space<semaphore_mem>>)
    %add3A_159 = arith.constant 4 : i32
    %add3A_160 = arith.addi %select_n3A_8, %add3A_159 : i32
    %dma_start3A_161 = arith.constant 4 : i32
    %dma_start3A_162 = arith.constant 0 : i32
    %dma_start3A_163 = tpu.memref_slice %arg7[%dma_start3A_161, %dma_start3A_162] : memref<6x120xi32, #tpu.memory_space<vmem>> -> memref<1x120xi32, #tpu.memory_space<vmem>>
    %dma_start3A_164 = tpu.memref_squeeze %dma_start3A_163 : memref<1x120xi32, #tpu.memory_space<vmem>> -> memref<120xi32, #tpu.memory_space<vmem>>
    %dma_start3A_165 = arith.constant 0 : i32
    %dma_start3A_166 = tpu.memref_slice %arg3[%add3A_160, %dma_start3A_165] : memref<2688x120xi32, #tpu.memory_space<hbm>> -> memref<1x120xi32, #tpu.memory_space<hbm>>
    %dma_start3A_167 = tpu.memref_squeeze %dma_start3A_166 : memref<1x120xi32, #tpu.memory_space<hbm>> -> memref<120xi32, #tpu.memory_space<hbm>>
    %dma_start3A_168 = arith.constant 0 : i32
    %dma_start3A_169 = tpu.memref_slice %arg7[%dma_start3A_161, %dma_start3A_168] : memref<6x120xi32, #tpu.memory_space<vmem>> -> memref<1x120xi32, #tpu.memory_space<vmem>>
    %dma_start3A_170 = tpu.memref_squeeze %dma_start3A_169 : memref<1x120xi32, #tpu.memory_space<vmem>> -> memref<120xi32, #tpu.memory_space<vmem>>
    %dma_start3A_171 = arith.constant 0 : i32
    %dma_start3A_172 = tpu.memref_slice %arg3[%add3A_160, %dma_start3A_171] : memref<2688x120xi32, #tpu.memory_space<hbm>> -> memref<1x120xi32, #tpu.memory_space<hbm>>
    %dma_start3A_173 = tpu.memref_squeeze %dma_start3A_172 : memref<1x120xi32, #tpu.memory_space<hbm>> -> memref<120xi32, #tpu.memory_space<hbm>>
    tpu.enqueue_dma source(%dma_start3A_173 : memref<120xi32, #tpu.memory_space<hbm>>) target(%dma_start3A_170 : memref<120xi32, #tpu.memory_space<vmem>>) target_semaphore(%arg13 : memref<!tpu.dma_semaphore, #tpu.memory_space<semaphore_mem>>)
    %add3A_174 = arith.constant 5 : i32
    %add3A_175 = arith.addi %select_n3A_8, %add3A_174 : i32
    %dma_start3A_176 = arith.constant 5 : i32
    %dma_start3A_177 = arith.constant 0 : i32
    %dma_start3A_178 = tpu.memref_slice %arg6[%dma_start3A_176, %dma_start3A_177] : memref<6x120xi32, #tpu.memory_space<vmem>> -> memref<1x120xi32, #tpu.memory_space<vmem>>
    %dma_start3A_179 = tpu.memref_squeeze %dma_start3A_178 : memref<1x120xi32, #tpu.memory_space<vmem>> -> memref<120xi32, #tpu.memory_space<vmem>>
    %dma_start3A_180 = arith.constant 0 : i32
    %dma_start3A_181 = tpu.memref_slice %arg2[%add3A_175, %dma_start3A_180] : memref<2688x120xi32, #tpu.memory_space<hbm>> -> memref<1x120xi32, #tpu.memory_space<hbm>>
    %dma_start3A_182 = tpu.memref_squeeze %dma_start3A_181 : memref<1x120xi32, #tpu.memory_space<hbm>> -> memref<120xi32, #tpu.memory_space<hbm>>
    %dma_start3A_183 = arith.constant 0 : i32
    %dma_start3A_184 = tpu.memref_slice %arg6[%dma_start3A_176, %dma_start3A_183] : memref<6x120xi32, #tpu.memory_space<vmem>> -> memref<1x120xi32, #tpu.memory_space<vmem>>
    %dma_start3A_185 = tpu.memref_squeeze %dma_start3A_184 : memref<1x120xi32, #tpu.memory_space<vmem>> -> memref<120xi32, #tpu.memory_space<vmem>>
    %dma_start3A_186 = arith.constant 0 : i32
    %dma_start3A_187 = tpu.memref_slice %arg2[%add3A_175, %dma_start3A_186] : memref<2688x120xi32, #tpu.memory_space<hbm>> -> memref<1x120xi32, #tpu.memory_space<hbm>>
    %dma_start3A_188 = tpu.memref_squeeze %dma_start3A_187 : memref<1x120xi32, #tpu.memory_space<hbm>> -> memref<120xi32, #tpu.memory_space<hbm>>
    tpu.enqueue_dma source(%dma_start3A_188 : memref<120xi32, #tpu.memory_space<hbm>>) target(%dma_start3A_185 : memref<120xi32, #tpu.memory_space<vmem>>) target_semaphore(%arg13 : memref<!tpu.dma_semaphore, #tpu.memory_space<semaphore_mem>>)
    %add3A_189 = arith.constant 5 : i32
    %add3A_190 = arith.addi %select_n3A_8, %add3A_189 : i32
    %dma_start3A_191 = arith.constant 5 : i32
    %dma_start3A_192 = arith.constant 0 : i32
    %dma_start3A_193 = tpu.memref_slice %arg7[%dma_start3A_191, %dma_start3A_192] : memref<6x120xi32, #tpu.memory_space<vmem>> -> memref<1x120xi32, #tpu.memory_space<vmem>>
    %dma_start3A_194 = tpu.memref_squeeze %dma_start3A_193 : memref<1x120xi32, #tpu.memory_space<vmem>> -> memref<120xi32, #tpu.memory_space<vmem>>
    %dma_start3A_195 = arith.constant 0 : i32
    %dma_start3A_196 = tpu.memref_slice %arg3[%add3A_190, %dma_start3A_195] : memref<2688x120xi32, #tpu.memory_space<hbm>> -> memref<1x120xi32, #tpu.memory_space<hbm>>
    %dma_start3A_197 = tpu.memref_squeeze %dma_start3A_196 : memref<1x120xi32, #tpu.memory_space<hbm>> -> memref<120xi32, #tpu.memory_space<hbm>>
    %dma_start3A_198 = arith.constant 0 : i32
    %dma_start3A_199 = tpu.memref_slice %arg7[%dma_start3A_191, %dma_start3A_198] : memref<6x120xi32, #tpu.memory_space<vmem>> -> memref<1x120xi32, #tpu.memory_space<vmem>>
    %dma_start3A_200 = tpu.memref_squeeze %dma_start3A_199 : memref<1x120xi32, #tpu.memory_space<vmem>> -> memref<120xi32, #tpu.memory_space<vmem>>
    %dma_start3A_201 = arith.constant 0 : i32
    %dma_start3A_202 = tpu.memref_slice %arg3[%add3A_190, %dma_start3A_201] : memref<2688x120xi32, #tpu.memory_space<hbm>> -> memref<1x120xi32, #tpu.memory_space<hbm>>
    %dma_start3A_203 = tpu.memref_squeeze %dma_start3A_202 : memref<1x120xi32, #tpu.memory_space<hbm>> -> memref<120xi32, #tpu.memory_space<hbm>>
    tpu.enqueue_dma source(%dma_start3A_203 : memref<120xi32, #tpu.memory_space<hbm>>) target(%dma_start3A_200 : memref<120xi32, #tpu.memory_space<vmem>>) target_semaphore(%arg13 : memref<!tpu.dma_semaphore, #tpu.memory_space<semaphore_mem>>)
    %dma_wait3A = arith.constant 0 : i32
    %dma_wait3A_204 = arith.constant 0 : i32
    %dma_wait3A_205 = tpu.memref_slice %arg6[%dma_wait3A, %dma_wait3A_204] : memref<6x120xi32, #tpu.memory_space<vmem>> -> memref<1x120xi32, #tpu.memory_space<vmem>>
    %dma_wait3A_206 = tpu.memref_squeeze %dma_wait3A_205 : memref<1x120xi32, #tpu.memory_space<vmem>> -> memref<120xi32, #tpu.memory_space<vmem>>
    %dma_wait3A_207 = arith.constant 0 : i32
    %dma_wait3A_208 = tpu.memref_slice %arg2[%select_n3A_8, %dma_wait3A_207] : memref<2688x120xi32, #tpu.memory_space<hbm>> -> memref<1x120xi32, #tpu.memory_space<hbm>>
    %dma_wait3A_209 = tpu.memref_squeeze %dma_wait3A_208 : memref<1x120xi32, #tpu.memory_space<hbm>> -> memref<120xi32, #tpu.memory_space<hbm>>
    %dma_wait3A_210 = arith.constant 0 : i32
    %dma_wait3A_211 = tpu.memref_slice %arg6[%dma_wait3A, %dma_wait3A_210] : memref<6x120xi32, #tpu.memory_space<vmem>> -> memref<1x120xi32, #tpu.memory_space<vmem>>
    %dma_wait3A_212 = tpu.memref_squeeze %dma_wait3A_211 : memref<1x120xi32, #tpu.memory_space<vmem>> -> memref<120xi32, #tpu.memory_space<vmem>>
    %dma_wait3A_213 = arith.constant 0 : i32
    %dma_wait3A_214 = tpu.memref_slice %arg2[%select_n3A_8, %dma_wait3A_213] : memref<2688x120xi32, #tpu.memory_space<hbm>> -> memref<1x120xi32, #tpu.memory_space<hbm>>
    %dma_wait3A_215 = tpu.memref_squeeze %dma_wait3A_214 : memref<1x120xi32, #tpu.memory_space<hbm>> -> memref<120xi32, #tpu.memory_space<hbm>>
    tpu.wait_dma2 semaphore(%arg13 : memref<!tpu.dma_semaphore, #tpu.memory_space<semaphore_mem>>) src(%dma_wait3A_215 : memref<120xi32, #tpu.memory_space<hbm>>) dst(%dma_wait3A_212 : memref<120xi32, #tpu.memory_space<vmem>>)
    %dma_wait3A_216 = arith.constant 0 : i32
    %dma_wait3A_217 = arith.constant 0 : i32
    %dma_wait3A_218 = tpu.memref_slice %arg7[%dma_wait3A_216, %dma_wait3A_217] : memref<6x120xi32, #tpu.memory_space<vmem>> -> memref<1x120xi32, #tpu.memory_space<vmem>>
    %dma_wait3A_219 = tpu.memref_squeeze %dma_wait3A_218 : memref<1x120xi32, #tpu.memory_space<vmem>> -> memref<120xi32, #tpu.memory_space<vmem>>
    %dma_wait3A_220 = arith.constant 0 : i32
    %dma_wait3A_221 = tpu.memref_slice %arg3[%select_n3A_8, %dma_wait3A_220] : memref<2688x120xi32, #tpu.memory_space<hbm>> -> memref<1x120xi32, #tpu.memory_space<hbm>>
    %dma_wait3A_222 = tpu.memref_squeeze %dma_wait3A_221 : memref<1x120xi32, #tpu.memory_space<hbm>> -> memref<120xi32, #tpu.memory_space<hbm>>
    %dma_wait3A_223 = arith.constant 0 : i32
    %dma_wait3A_224 = tpu.memref_slice %arg7[%dma_wait3A_216, %dma_wait3A_223] : memref<6x120xi32, #tpu.memory_space<vmem>> -> memref<1x120xi32, #tpu.memory_space<vmem>>
    %dma_wait3A_225 = tpu.memref_squeeze %dma_wait3A_224 : memref<1x120xi32, #tpu.memory_space<vmem>> -> memref<120xi32, #tpu.memory_space<vmem>>
    %dma_wait3A_226 = arith.constant 0 : i32
    %dma_wait3A_227 = tpu.memref_slice %arg3[%select_n3A_8, %dma_wait3A_226] : memref<2688x120xi32, #tpu.memory_space<hbm>> -> memref<1x120xi32, #tpu.memory_space<hbm>>
    %dma_wait3A_228 = tpu.memref_squeeze %dma_wait3A_227 : memref<1x120xi32, #tpu.memory_space<hbm>> -> memref<120xi32, #tpu.memory_space<hbm>>
    tpu.wait_dma2 semaphore(%arg13 : memref<!tpu.dma_semaphore, #tpu.memory_space<semaphore_mem>>) src(%dma_wait3A_228 : memref<120xi32, #tpu.memory_space<hbm>>) dst(%dma_wait3A_225 : memref<120xi32, #tpu.memory_space<vmem>>)
    %dma_start3A_229 = arith.constant 0 : i32
    %dma_start3A_230 = arith.constant 0 : i32
    %dma_start3A_231 = arith.constant 0 : i32
    %dma_start3A_232 = arith.constant 0 : i32
    %dma_start3A_233 = tpu.memref_slice %arg8[%dma_start3A_230, %dma_start3A_231, %dma_start3A_232] : memref<3x120x128xf32, #tpu.memory_space<vmem>> -> memref<1x120x128xf32, #tpu.memory_space<vmem>>
    %dma_start3A_234 = tpu.memref_squeeze %dma_start3A_233 : memref<1x120x128xf32, #tpu.memory_space<vmem>> -> memref<120x128xf32, #tpu.memory_space<vmem>>
    %dma_start3A_235 = arith.constant 0 : i32
    %dma_start3A_236 = tpu.memref_slice %arg6[%dma_start3A_229, %dma_start3A_235] : memref<6x120xi32, #tpu.memory_space<vmem>> -> memref<1x120xi32, #tpu.memory_space<vmem>>
    %dma_start3A_237 = tpu.memref_squeeze %dma_start3A_236 : memref<1x120xi32, #tpu.memory_space<vmem>> -> memref<120xi32, #tpu.memory_space<vmem>>
    %dma_start3A_238 = arith.constant 0 : i32
    %dma_start3A_239 = arith.constant 0 : i32
    %dma_start3A_240 = tpu.memref_slice %arg4[%dma_start3A_238, %dma_start3A_239] : memref<10240x128xf32, #tpu.memory_space<hbm>> -> memref<10240x128xf32, #tpu.memory_space<hbm>>
    tpu.enqueue_indirect_dma source(%dma_start3A_240 : memref<10240x128xf32, #tpu.memory_space<hbm>>) target(%dma_start3A_234 : memref<120x128xf32, #tpu.memory_space<vmem>>) offsets(%dma_start3A_237 : memref<120xi32, #tpu.memory_space<vmem>>) semaphore(%arg10 : memref<!tpu.dma_semaphore, #tpu.memory_space<semaphore_mem>>)
    %dma_wait3A_241 = arith.constant 0 : i32
    %dma_wait3A_242 = arith.constant 0 : i32
    %dma_wait3A_243 = tpu.memref_slice %arg6[%dma_wait3A_241, %dma_wait3A_242] : memref<6x120xi32, #tpu.memory_space<vmem>> -> memref<1x120xi32, #tpu.memory_space<vmem>>
    %dma_wait3A_244 = tpu.memref_squeeze %dma_wait3A_243 : memref<1x120xi32, #tpu.memory_space<vmem>> -> memref<120xi32, #tpu.memory_space<vmem>>
    %dma_wait3A_245 = arith.constant 0 : i32
    %dma_wait3A_246 = tpu.memref_slice %arg2[%select_n3A_8, %dma_wait3A_245] : memref<2688x120xi32, #tpu.memory_space<hbm>> -> memref<1x120xi32, #tpu.memory_space<hbm>>
    %dma_wait3A_247 = tpu.memref_squeeze %dma_wait3A_246 : memref<1x120xi32, #tpu.memory_space<hbm>> -> memref<120xi32, #tpu.memory_space<hbm>>
    %dma_wait3A_248 = arith.constant 0 : i32
    %dma_wait3A_249 = tpu.memref_slice %arg6[%dma_wait3A_241, %dma_wait3A_248] : memref<6x120xi32, #tpu.memory_space<vmem>> -> memref<1x120xi32, #tpu.memory_space<vmem>>
    %dma_wait3A_250 = tpu.memref_squeeze %dma_wait3A_249 : memref<1x120xi32, #tpu.memory_space<vmem>> -> memref<120xi32, #tpu.memory_space<vmem>>
    %dma_wait3A_251 = arith.constant 0 : i32
    %dma_wait3A_252 = tpu.memref_slice %arg2[%select_n3A_8, %dma_wait3A_251] : memref<2688x120xi32, #tpu.memory_space<hbm>> -> memref<1x120xi32, #tpu.memory_space<hbm>>
    %dma_wait3A_253 = tpu.memref_squeeze %dma_wait3A_252 : memref<1x120xi32, #tpu.memory_space<hbm>> -> memref<120xi32, #tpu.memory_space<hbm>>
    tpu.wait_dma2 semaphore(%arg13 : memref<!tpu.dma_semaphore, #tpu.memory_space<semaphore_mem>>) src(%dma_wait3A_253 : memref<120xi32, #tpu.memory_space<hbm>>) dst(%dma_wait3A_250 : memref<120xi32, #tpu.memory_space<vmem>>)
    %dma_wait3A_254 = arith.constant 0 : i32
    %dma_wait3A_255 = arith.constant 0 : i32
    %dma_wait3A_256 = tpu.memref_slice %arg7[%dma_wait3A_254, %dma_wait3A_255] : memref<6x120xi32, #tpu.memory_space<vmem>> -> memref<1x120xi32, #tpu.memory_space<vmem>>
    %dma_wait3A_257 = tpu.memref_squeeze %dma_wait3A_256 : memref<1x120xi32, #tpu.memory_space<vmem>> -> memref<120xi32, #tpu.memory_space<vmem>>
    %dma_wait3A_258 = arith.constant 0 : i32
    %dma_wait3A_259 = tpu.memref_slice %arg3[%select_n3A_8, %dma_wait3A_258] : memref<2688x120xi32, #tpu.memory_space<hbm>> -> memref<1x120xi32, #tpu.memory_space<hbm>>
    %dma_wait3A_260 = tpu.memref_squeeze %dma_wait3A_259 : memref<1x120xi32, #tpu.memory_space<hbm>> -> memref<120xi32, #tpu.memory_space<hbm>>
    %dma_wait3A_261 = arith.constant 0 : i32
    %dma_wait3A_262 = tpu.memref_slice %arg7[%dma_wait3A_254, %dma_wait3A_261] : memref<6x120xi32, #tpu.memory_space<vmem>> -> memref<1x120xi32, #tpu.memory_space<vmem>>
    %dma_wait3A_263 = tpu.memref_squeeze %dma_wait3A_262 : memref<1x120xi32, #tpu.memory_space<vmem>> -> memref<120xi32, #tpu.memory_space<vmem>>
    %dma_wait3A_264 = arith.constant 0 : i32
    %dma_wait3A_265 = tpu.memref_slice %arg3[%select_n3A_8, %dma_wait3A_264] : memref<2688x120xi32, #tpu.memory_space<hbm>> -> memref<1x120xi32, #tpu.memory_space<hbm>>
    %dma_wait3A_266 = tpu.memref_squeeze %dma_wait3A_265 : memref<1x120xi32, #tpu.memory_space<hbm>> -> memref<120xi32, #tpu.memory_space<hbm>>
    tpu.wait_dma2 semaphore(%arg13 : memref<!tpu.dma_semaphore, #tpu.memory_space<semaphore_mem>>) src(%dma_wait3A_266 : memref<120xi32, #tpu.memory_space<hbm>>) dst(%dma_wait3A_263 : memref<120xi32, #tpu.memory_space<vmem>>)
    %dma_start3A_267 = arith.constant 1 : i32
    %dma_start3A_268 = arith.constant 1 : i32
    %dma_start3A_269 = arith.constant 0 : i32
    %dma_start3A_270 = arith.constant 0 : i32
    %dma_start3A_271 = tpu.memref_slice %arg8[%dma_start3A_268, %dma_start3A_269, %dma_start3A_270] : memref<3x120x128xf32, #tpu.memory_space<vmem>> -> memref<1x120x128xf32, #tpu.memory_space<vmem>>
    %dma_start3A_272 = tpu.memref_squeeze %dma_start3A_271 : memref<1x120x128xf32, #tpu.memory_space<vmem>> -> memref<120x128xf32, #tpu.memory_space<vmem>>
    %dma_start3A_273 = arith.constant 0 : i32
    %dma_start3A_274 = tpu.memref_slice %arg6[%dma_start3A_267, %dma_start3A_273] : memref<6x120xi32, #tpu.memory_space<vmem>> -> memref<1x120xi32, #tpu.memory_space<vmem>>
    %dma_start3A_275 = tpu.memref_squeeze %dma_start3A_274 : memref<1x120xi32, #tpu.memory_space<vmem>> -> memref<120xi32, #tpu.memory_space<vmem>>
    %dma_start3A_276 = arith.constant 0 : i32
    %dma_start3A_277 = arith.constant 0 : i32
    %dma_start3A_278 = tpu.memref_slice %arg4[%dma_start3A_276, %dma_start3A_277] : memref<10240x128xf32, #tpu.memory_space<hbm>> -> memref<10240x128xf32, #tpu.memory_space<hbm>>
    tpu.enqueue_indirect_dma source(%dma_start3A_278 : memref<10240x128xf32, #tpu.memory_space<hbm>>) target(%dma_start3A_272 : memref<120x128xf32, #tpu.memory_space<vmem>>) offsets(%dma_start3A_275 : memref<120xi32, #tpu.memory_space<vmem>>) semaphore(%arg11 : memref<!tpu.dma_semaphore, #tpu.memory_space<semaphore_mem>>)
    %dma_wait3A_279 = arith.constant 0 : i32
    %dma_wait3A_280 = arith.constant 0 : i32
    %dma_wait3A_281 = tpu.memref_slice %arg6[%dma_wait3A_279, %dma_wait3A_280] : memref<6x120xi32, #tpu.memory_space<vmem>> -> memref<1x120xi32, #tpu.memory_space<vmem>>
    %dma_wait3A_282 = tpu.memref_squeeze %dma_wait3A_281 : memref<1x120xi32, #tpu.memory_space<vmem>> -> memref<120xi32, #tpu.memory_space<vmem>>
    %dma_wait3A_283 = arith.constant 0 : i32
    %dma_wait3A_284 = tpu.memref_slice %arg2[%select_n3A_8, %dma_wait3A_283] : memref<2688x120xi32, #tpu.memory_space<hbm>> -> memref<1x120xi32, #tpu.memory_space<hbm>>
    %dma_wait3A_285 = tpu.memref_squeeze %dma_wait3A_284 : memref<1x120xi32, #tpu.memory_space<hbm>> -> memref<120xi32, #tpu.memory_space<hbm>>
    %dma_wait3A_286 = arith.constant 0 : i32
    %dma_wait3A_287 = tpu.memref_slice %arg6[%dma_wait3A_279, %dma_wait3A_286] : memref<6x120xi32, #tpu.memory_space<vmem>> -> memref<1x120xi32, #tpu.memory_space<vmem>>
    %dma_wait3A_288 = tpu.memref_squeeze %dma_wait3A_287 : memref<1x120xi32, #tpu.memory_space<vmem>> -> memref<120xi32, #tpu.memory_space<vmem>>
    %dma_wait3A_289 = arith.constant 0 : i32
    %dma_wait3A_290 = tpu.memref_slice %arg2[%select_n3A_8, %dma_wait3A_289] : memref<2688x120xi32, #tpu.memory_space<hbm>> -> memref<1x120xi32, #tpu.memory_space<hbm>>
    %dma_wait3A_291 = tpu.memref_squeeze %dma_wait3A_290 : memref<1x120xi32, #tpu.memory_space<hbm>> -> memref<120xi32, #tpu.memory_space<hbm>>
    tpu.wait_dma2 semaphore(%arg13 : memref<!tpu.dma_semaphore, #tpu.memory_space<semaphore_mem>>) src(%dma_wait3A_291 : memref<120xi32, #tpu.memory_space<hbm>>) dst(%dma_wait3A_288 : memref<120xi32, #tpu.memory_space<vmem>>)
    %dma_wait3A_292 = arith.constant 0 : i32
    %dma_wait3A_293 = arith.constant 0 : i32
    %dma_wait3A_294 = tpu.memref_slice %arg7[%dma_wait3A_292, %dma_wait3A_293] : memref<6x120xi32, #tpu.memory_space<vmem>> -> memref<1x120xi32, #tpu.memory_space<vmem>>
    %dma_wait3A_295 = tpu.memref_squeeze %dma_wait3A_294 : memref<1x120xi32, #tpu.memory_space<vmem>> -> memref<120xi32, #tpu.memory_space<vmem>>
    %dma_wait3A_296 = arith.constant 0 : i32
    %dma_wait3A_297 = tpu.memref_slice %arg3[%select_n3A_8, %dma_wait3A_296] : memref<2688x120xi32, #tpu.memory_space<hbm>> -> memref<1x120xi32, #tpu.memory_space<hbm>>
    %dma_wait3A_298 = tpu.memref_squeeze %dma_wait3A_297 : memref<1x120xi32, #tpu.memory_space<hbm>> -> memref<120xi32, #tpu.memory_space<hbm>>
    %dma_wait3A_299 = arith.constant 0 : i32
    %dma_wait3A_300 = tpu.memref_slice %arg7[%dma_wait3A_292, %dma_wait3A_299] : memref<6x120xi32, #tpu.memory_space<vmem>> -> memref<1x120xi32, #tpu.memory_space<vmem>>
    %dma_wait3A_301 = tpu.memref_squeeze %dma_wait3A_300 : memref<1x120xi32, #tpu.memory_space<vmem>> -> memref<120xi32, #tpu.memory_space<vmem>>
    %dma_wait3A_302 = arith.constant 0 : i32
    %dma_wait3A_303 = tpu.memref_slice %arg3[%select_n3A_8, %dma_wait3A_302] : memref<2688x120xi32, #tpu.memory_space<hbm>> -> memref<1x120xi32, #tpu.memory_space<hbm>>
    %dma_wait3A_304 = tpu.memref_squeeze %dma_wait3A_303 : memref<1x120xi32, #tpu.memory_space<hbm>> -> memref<120xi32, #tpu.memory_space<hbm>>
    tpu.wait_dma2 semaphore(%arg13 : memref<!tpu.dma_semaphore, #tpu.memory_space<semaphore_mem>>) src(%dma_wait3A_304 : memref<120xi32, #tpu.memory_space<hbm>>) dst(%dma_wait3A_301 : memref<120xi32, #tpu.memory_space<vmem>>)
    %dma_start3A_305 = arith.constant 2 : i32
    %dma_start3A_306 = arith.constant 2 : i32
    %dma_start3A_307 = arith.constant 0 : i32
    %dma_start3A_308 = arith.constant 0 : i32
    %dma_start3A_309 = tpu.memref_slice %arg8[%dma_start3A_306, %dma_start3A_307, %dma_start3A_308] : memref<3x120x128xf32, #tpu.memory_space<vmem>> -> memref<1x120x128xf32, #tpu.memory_space<vmem>>
    %dma_start3A_310 = tpu.memref_squeeze %dma_start3A_309 : memref<1x120x128xf32, #tpu.memory_space<vmem>> -> memref<120x128xf32, #tpu.memory_space<vmem>>
    %dma_start3A_311 = arith.constant 0 : i32
    %dma_start3A_312 = tpu.memref_slice %arg6[%dma_start3A_305, %dma_start3A_311] : memref<6x120xi32, #tpu.memory_space<vmem>> -> memref<1x120xi32, #tpu.memory_space<vmem>>
    %dma_start3A_313 = tpu.memref_squeeze %dma_start3A_312 : memref<1x120xi32, #tpu.memory_space<vmem>> -> memref<120xi32, #tpu.memory_space<vmem>>
    %dma_start3A_314 = arith.constant 0 : i32
    %dma_start3A_315 = arith.constant 0 : i32
    %dma_start3A_316 = tpu.memref_slice %arg4[%dma_start3A_314, %dma_start3A_315] : memref<10240x128xf32, #tpu.memory_space<hbm>> -> memref<10240x128xf32, #tpu.memory_space<hbm>>
    tpu.enqueue_indirect_dma source(%dma_start3A_316 : memref<10240x128xf32, #tpu.memory_space<hbm>>) target(%dma_start3A_310 : memref<120x128xf32, #tpu.memory_space<vmem>>) offsets(%dma_start3A_313 : memref<120xi32, #tpu.memory_space<vmem>>) semaphore(%arg12 : memref<!tpu.dma_semaphore, #tpu.memory_space<semaphore_mem>>)
    %jit3A_317 = arith.constant 3 : i32
    %div3A = arith.divsi %select_n3A, %jit3A_317 : i32
    %sign3A = arith.constant 0 : i32
    %sign3A_318 = arith.cmpi sgt, %select_n3A, %sign3A : i32
    %sign3A_319 = arith.extui %sign3A_318 : i1 to i32
    %sign3A_320 = arith.constant 0 : i32
    %sign3A_321 = arith.cmpi slt, %select_n3A, %sign3A_320 : i32
    %sign3A_322 = arith.extui %sign3A_321 : i1 to i32
    %sign3A_323 = arith.subi %sign3A_319, %sign3A_322 : i32
    %sign3A_324 = arith.constant 0 : i32
    %sign3A_325 = arith.cmpi sgt, %jit3A_317, %sign3A_324 : i32
    %sign3A_326 = arith.extui %sign3A_325 : i1 to i32
    %sign3A_327 = arith.constant 0 : i32
    %sign3A_328 = arith.cmpi slt, %jit3A_317, %sign3A_327 : i32
    %sign3A_329 = arith.extui %sign3A_328 : i1 to i32
    %sign3A_330 = arith.subi %sign3A_326, %sign3A_329 : i32
    %ne3A = arith.cmpi ne, %sign3A_323, %sign3A_330 : i32
    %rem3A = arith.remsi %select_n3A, %jit3A_317 : i32
    %ne3A_331 = arith.constant 0 : i32
    %ne3A_332 = arith.cmpi ne, %rem3A, %ne3A_331 : i32
    %and3A = arith.andi %ne3A, %ne3A_332 : i1
    %sub3A = arith.constant 1 : i32
    %sub3A_333 = arith.subi %div3A, %sub3A : i32
    %select_n3A_334 = arith.select %and3A, %sub3A_333, %div3A : i32
    %while3A = arith.constant 0 : i32
    %while3A_335 = arith.constant 0 : i32
    %while3A_336 = arith.subi %select_n3A_334, %while3A_335 : i32
    %while3A_337 = arith.addi %while3A_335, %while3A_336 : i32
    %while3A_338 = arith.constant 1 : i32
    %while3A_339 = arith.divsi %while3A_336, %while3A_338 : i32
    %while3A_340 = arith.muli %while3A_339, %while3A_338 : i32
    %while3A_341 = arith.addi %while3A_335, %while3A_340 : i32
    %while3A_342 = arith.constant 1 : i32
    scf.for %while3A_349 = %while3A_335 to %while3A_341 step %while3A_342  : i32 {
      %mul3A_350 = arith.constant 3 : i32
      %mul3A_351 = arith.muli %while3A_349, %mul3A_350 : i32
      %add3A_352 = arith.constant 0 : i32
      %add3A_353 = arith.addi %mul3A_351, %add3A_352 : i32
      %jit3A_354 = arith.constant 6 : i32
      %eq3A_355 = arith.constant 0 : i32
      %eq3A_356 = arith.cmpi eq, %jit3A_354, %eq3A_355 : i32
      %jit3A_357 = arith.constant 1 : i32
      %select_n3A_358 = arith.select %eq3A_356, %jit3A_357, %jit3A_354 : i32
      %rem3A_359 = arith.remsi %add3A_353, %select_n3A_358 : i32
      %ne3A_360 = arith.constant 0 : i32
      %ne3A_361 = arith.cmpi ne, %rem3A_359, %ne3A_360 : i32
      %lt3A = arith.constant 0 : i32
      %lt3A_362 = arith.cmpi slt, %rem3A_359, %lt3A : i32
      %lt3A_363 = arith.constant 0 : i32
      %lt3A_364 = arith.cmpi slt, %select_n3A_358, %lt3A_363 : i32
      %ne3A_365 = arith.xori %lt3A_362, %lt3A_364 : i1
      %and3A_366 = arith.andi %ne3A_365, %ne3A_361 : i1
      %add3A_367 = arith.addi %rem3A_359, %select_n3A_358 : i32
      %select_n3A_368 = arith.select %and3A_366, %add3A_367, %rem3A_359 : i32
      %dma_wait3A_369 = arith.constant 0 : i32
      %dma_wait3A_370 = arith.constant 0 : i32
      %dma_wait3A_371 = arith.constant 0 : i32
      %dma_wait3A_372 = tpu.memref_slice %arg8[%dma_wait3A_369, %dma_wait3A_370, %dma_wait3A_371] : memref<3x120x128xf32, #tpu.memory_space<vmem>> -> memref<1x120x128xf32, #tpu.memory_space<vmem>>
      %dma_wait3A_373 = tpu.memref_squeeze %dma_wait3A_372 : memref<1x120x128xf32, #tpu.memory_space<vmem>> -> memref<120x128xf32, #tpu.memory_space<vmem>>
      %dma_wait3A_374 = arith.constant 0 : i32
      %dma_wait3A_375 = tpu.memref_slice %arg6[%select_n3A_368, %dma_wait3A_374] : memref<6x120xi32, #tpu.memory_space<vmem>> -> memref<1x120xi32, #tpu.memory_space<vmem>>
      %dma_wait3A_376 = tpu.memref_squeeze %dma_wait3A_375 : memref<1x120xi32, #tpu.memory_space<vmem>> -> memref<120xi32, #tpu.memory_space<vmem>>
      %dma_wait3A_377 = arith.constant 0 : i32
      %dma_wait3A_378 = arith.constant 0 : i32
      %dma_wait3A_379 = tpu.memref_slice %arg4[%dma_wait3A_377, %dma_wait3A_378] : memref<10240x128xf32, #tpu.memory_space<hbm>> -> memref<10240x128xf32, #tpu.memory_space<hbm>>
      tpu.wait_indirect_dma semaphore(%arg10 : memref<!tpu.dma_semaphore, #tpu.memory_space<semaphore_mem>>) src(%dma_wait3A_379 : memref<10240x128xf32, #tpu.memory_space<hbm>>) dst(%dma_wait3A_373 : memref<120x128xf32, #tpu.memory_space<vmem>>)
      %jit3A_380 = arith.constant 6 : i32
      %eq3A_381 = arith.constant 0 : i32
      %eq3A_382 = arith.cmpi eq, %jit3A_380, %eq3A_381 : i32
      %jit3A_383 = arith.constant 1 : i32
      %select_n3A_384 = arith.select %eq3A_382, %jit3A_383, %jit3A_380 : i32
      %rem3A_385 = arith.remsi %add3A_353, %select_n3A_384 : i32
      %ne3A_386 = arith.constant 0 : i32
      %ne3A_387 = arith.cmpi ne, %rem3A_385, %ne3A_386 : i32
      %lt3A_388 = arith.constant 0 : i32
      %lt3A_389 = arith.cmpi slt, %rem3A_385, %lt3A_388 : i32
      %lt3A_390 = arith.constant 0 : i32
      %lt3A_391 = arith.cmpi slt, %select_n3A_384, %lt3A_390 : i32
      %ne3A_392 = arith.xori %lt3A_389, %lt3A_391 : i1
      %and3A_393 = arith.andi %ne3A_392, %ne3A_387 : i1
      %add3A_394 = arith.addi %rem3A_385, %select_n3A_384 : i32
      %select_n3A_395 = arith.select %and3A_393, %add3A_394, %rem3A_385 : i32
      %run_scoped3A_396 = arith.constant 0 : i32
      "tpu.region"() ({
        %run_scoped3A_527 = tpu.sem_alloc : memref<!tpu.dma_semaphore, #tpu.memory_space<semaphore_mem>>
        %dma_start3A_528 = arith.constant 0 : i32
        %dma_start3A_529 = arith.constant 0 : i32
        %dma_start3A_530 = tpu.memref_slice %arg8[%run_scoped3A_396, %dma_start3A_528, %dma_start3A_529] : memref<3x120x128xf32, #tpu.memory_space<vmem>> -> memref<1x120x128xf32, #tpu.memory_space<vmem>>
        %dma_start3A_531 = tpu.memref_squeeze %dma_start3A_530 : memref<1x120x128xf32, #tpu.memory_space<vmem>> -> memref<120x128xf32, #tpu.memory_space<vmem>>
        %dma_start3A_532 = arith.constant 0 : i32
        %dma_start3A_533 = tpu.memref_slice %arg7[%select_n3A_395, %dma_start3A_532] : memref<6x120xi32, #tpu.memory_space<vmem>> -> memref<1x120xi32, #tpu.memory_space<vmem>>
        %dma_start3A_534 = tpu.memref_squeeze %dma_start3A_533 : memref<1x120xi32, #tpu.memory_space<vmem>> -> memref<120xi32, #tpu.memory_space<vmem>>
        %dma_start3A_535 = arith.constant 0 : i32
        %dma_start3A_536 = arith.constant 0 : i32
        %dma_start3A_537 = tpu.memref_slice %arg9[%dma_start3A_535, %dma_start3A_536] : memref<10240x128xf32, #tpu.memory_space<vmem_shared>> -> memref<10240x128xf32, #tpu.memory_space<vmem_shared>>
        tpu.enqueue_indirect_dma source(%dma_start3A_531 : memref<120x128xf32, #tpu.memory_space<vmem>>) target(%dma_start3A_537 : memref<10240x128xf32, #tpu.memory_space<vmem_shared>>) offsets(%dma_start3A_534 : memref<120xi32, #tpu.memory_space<vmem>>) semaphore(%run_scoped3A_527 : memref<!tpu.dma_semaphore, #tpu.memory_space<semaphore_mem>>) {add = true}
        %dma_wait3A_538 = arith.constant 0 : i32
        %dma_wait3A_539 = arith.constant 0 : i32
        %dma_wait3A_540 = tpu.memref_slice %arg8[%run_scoped3A_396, %dma_wait3A_538, %dma_wait3A_539] : memref<3x120x128xf32, #tpu.memory_space<vmem>> -> memref<1x120x128xf32, #tpu.memory_space<vmem>>
        %dma_wait3A_541 = tpu.memref_squeeze %dma_wait3A_540 : memref<1x120x128xf32, #tpu.memory_space<vmem>> -> memref<120x128xf32, #tpu.memory_space<vmem>>
        %dma_wait3A_542 = arith.constant 0 : i32
        %dma_wait3A_543 = tpu.memref_slice %arg7[%select_n3A_395, %dma_wait3A_542] : memref<6x120xi32, #tpu.memory_space<vmem>> -> memref<1x120xi32, #tpu.memory_space<vmem>>
        %dma_wait3A_544 = tpu.memref_squeeze %dma_wait3A_543 : memref<1x120xi32, #tpu.memory_space<vmem>> -> memref<120xi32, #tpu.memory_space<vmem>>
        %dma_wait3A_545 = arith.constant 0 : i32
        %dma_wait3A_546 = arith.constant 0 : i32
        %dma_wait3A_547 = tpu.memref_slice %arg9[%dma_wait3A_545, %dma_wait3A_546] : memref<10240x128xf32, #tpu.memory_space<vmem_shared>> -> memref<10240x128xf32, #tpu.memory_space<vmem_shared>>
        tpu.wait_indirect_dma semaphore(%run_scoped3A_527 : memref<!tpu.dma_semaphore, #tpu.memory_space<semaphore_mem>>) src(%dma_wait3A_541 : memref<120x128xf32, #tpu.memory_space<vmem>>) dst(%dma_wait3A_547 : memref<10240x128xf32, #tpu.memory_space<vmem_shared>>)
        tpu.yield
      }) : () -> ()
      %add3A_397 = arith.constant 6 : i32
      %add3A_398 = arith.addi %add3A_353, %add3A_397 : i32
      %lt3A_399 = arith.cmpi slt, %add3A_398, %select_n3A : i32
      %convert_element_type3A = arith.extui %lt3A_399 : i1 to i32
      %cond3A = arith.constant 0 : i32
      %cond3A_400 = arith.cmpi ne, %convert_element_type3A, %cond3A : i32
      scf.if %cond3A_400 {
        %add3A_527 = arith.constant 6 : i32
        %add3A_528 = arith.addi %add3A_353, %add3A_527 : i32
        %add3A_529 = arith.addi %select_n3A_8, %add3A_528 : i32
        %jit3A_530 = arith.constant 6 : i32
        %eq3A_531 = arith.constant 0 : i32
        %eq3A_532 = arith.cmpi eq, %jit3A_530, %eq3A_531 : i32
        %jit3A_533 = arith.constant 1 : i32
        %select_n3A_534 = arith.select %eq3A_532, %jit3A_533, %jit3A_530 : i32
        %rem3A_535 = arith.remsi %add3A_528, %select_n3A_534 : i32
        %ne3A_536 = arith.constant 0 : i32
        %ne3A_537 = arith.cmpi ne, %rem3A_535, %ne3A_536 : i32
        %lt3A_538 = arith.constant 0 : i32
        %lt3A_539 = arith.cmpi slt, %rem3A_535, %lt3A_538 : i32
        %lt3A_540 = arith.constant 0 : i32
        %lt3A_541 = arith.cmpi slt, %select_n3A_534, %lt3A_540 : i32
        %ne3A_542 = arith.xori %lt3A_539, %lt3A_541 : i1
        %and3A_543 = arith.andi %ne3A_542, %ne3A_537 : i1
        %add3A_544 = arith.addi %rem3A_535, %select_n3A_534 : i32
        %select_n3A_545 = arith.select %and3A_543, %add3A_544, %rem3A_535 : i32
        %dma_start3A_546 = arith.constant 0 : i32
        %dma_start3A_547 = tpu.memref_slice %arg6[%select_n3A_545, %dma_start3A_546] : memref<6x120xi32, #tpu.memory_space<vmem>> -> memref<1x120xi32, #tpu.memory_space<vmem>>
        %dma_start3A_548 = tpu.memref_squeeze %dma_start3A_547 : memref<1x120xi32, #tpu.memory_space<vmem>> -> memref<120xi32, #tpu.memory_space<vmem>>
        %dma_start3A_549 = arith.constant 0 : i32
        %dma_start3A_550 = tpu.memref_slice %arg2[%add3A_529, %dma_start3A_549] : memref<2688x120xi32, #tpu.memory_space<hbm>> -> memref<1x120xi32, #tpu.memory_space<hbm>>
        %dma_start3A_551 = tpu.memref_squeeze %dma_start3A_550 : memref<1x120xi32, #tpu.memory_space<hbm>> -> memref<120xi32, #tpu.memory_space<hbm>>
        %dma_start3A_552 = arith.constant 0 : i32
        %dma_start3A_553 = tpu.memref_slice %arg6[%select_n3A_545, %dma_start3A_552] : memref<6x120xi32, #tpu.memory_space<vmem>> -> memref<1x120xi32, #tpu.memory_space<vmem>>
        %dma_start3A_554 = tpu.memref_squeeze %dma_start3A_553 : memref<1x120xi32, #tpu.memory_space<vmem>> -> memref<120xi32, #tpu.memory_space<vmem>>
        %dma_start3A_555 = arith.constant 0 : i32
        %dma_start3A_556 = tpu.memref_slice %arg2[%add3A_529, %dma_start3A_555] : memref<2688x120xi32, #tpu.memory_space<hbm>> -> memref<1x120xi32, #tpu.memory_space<hbm>>
        %dma_start3A_557 = tpu.memref_squeeze %dma_start3A_556 : memref<1x120xi32, #tpu.memory_space<hbm>> -> memref<120xi32, #tpu.memory_space<hbm>>
        tpu.enqueue_dma source(%dma_start3A_557 : memref<120xi32, #tpu.memory_space<hbm>>) target(%dma_start3A_554 : memref<120xi32, #tpu.memory_space<vmem>>) target_semaphore(%arg13 : memref<!tpu.dma_semaphore, #tpu.memory_space<semaphore_mem>>)
        %add3A_558 = arith.addi %select_n3A_8, %add3A_528 : i32
        %jit3A_559 = arith.constant 6 : i32
        %eq3A_560 = arith.constant 0 : i32
        %eq3A_561 = arith.cmpi eq, %jit3A_559, %eq3A_560 : i32
        %jit3A_562 = arith.constant 1 : i32
        %select_n3A_563 = arith.select %eq3A_561, %jit3A_562, %jit3A_559 : i32
        %rem3A_564 = arith.remsi %add3A_528, %select_n3A_563 : i32
        %ne3A_565 = arith.constant 0 : i32
        %ne3A_566 = arith.cmpi ne, %rem3A_564, %ne3A_565 : i32
        %lt3A_567 = arith.constant 0 : i32
        %lt3A_568 = arith.cmpi slt, %rem3A_564, %lt3A_567 : i32
        %lt3A_569 = arith.constant 0 : i32
        %lt3A_570 = arith.cmpi slt, %select_n3A_563, %lt3A_569 : i32
        %ne3A_571 = arith.xori %lt3A_568, %lt3A_570 : i1
        %and3A_572 = arith.andi %ne3A_571, %ne3A_566 : i1
        %add3A_573 = arith.addi %rem3A_564, %select_n3A_563 : i32
        %select_n3A_574 = arith.select %and3A_572, %add3A_573, %rem3A_564 : i32
        %dma_start3A_575 = arith.constant 0 : i32
        %dma_start3A_576 = tpu.memref_slice %arg7[%select_n3A_574, %dma_start3A_575] : memref<6x120xi32, #tpu.memory_space<vmem>> -> memref<1x120xi32, #tpu.memory_space<vmem>>
        %dma_start3A_577 = tpu.memref_squeeze %dma_start3A_576 : memref<1x120xi32, #tpu.memory_space<vmem>> -> memref<120xi32, #tpu.memory_space<vmem>>
        %dma_start3A_578 = arith.constant 0 : i32
        %dma_start3A_579 = tpu.memref_slice %arg3[%add3A_558, %dma_start3A_578] : memref<2688x120xi32, #tpu.memory_space<hbm>> -> memref<1x120xi32, #tpu.memory_space<hbm>>
        %dma_start3A_580 = tpu.memref_squeeze %dma_start3A_579 : memref<1x120xi32, #tpu.memory_space<hbm>> -> memref<120xi32, #tpu.memory_space<hbm>>
        %dma_start3A_581 = arith.constant 0 : i32
        %dma_start3A_582 = tpu.memref_slice %arg7[%select_n3A_574, %dma_start3A_581] : memref<6x120xi32, #tpu.memory_space<vmem>> -> memref<1x120xi32, #tpu.memory_space<vmem>>
        %dma_start3A_583 = tpu.memref_squeeze %dma_start3A_582 : memref<1x120xi32, #tpu.memory_space<vmem>> -> memref<120xi32, #tpu.memory_space<vmem>>
        %dma_start3A_584 = arith.constant 0 : i32
        %dma_start3A_585 = tpu.memref_slice %arg3[%add3A_558, %dma_start3A_584] : memref<2688x120xi32, #tpu.memory_space<hbm>> -> memref<1x120xi32, #tpu.memory_space<hbm>>
        %dma_start3A_586 = tpu.memref_squeeze %dma_start3A_585 : memref<1x120xi32, #tpu.memory_space<hbm>> -> memref<120xi32, #tpu.memory_space<hbm>>
        tpu.enqueue_dma source(%dma_start3A_586 : memref<120xi32, #tpu.memory_space<hbm>>) target(%dma_start3A_583 : memref<120xi32, #tpu.memory_space<vmem>>) target_semaphore(%arg13 : memref<!tpu.dma_semaphore, #tpu.memory_space<semaphore_mem>>)
      } else {
      }
      %add3A_401 = arith.constant 3 : i32
      %add3A_402 = arith.addi %add3A_353, %add3A_401 : i32
      %lt3A_403 = arith.cmpi slt, %add3A_402, %select_n3A : i32
      %convert_element_type3A_404 = arith.extui %lt3A_403 : i1 to i32
      %cond3A_405 = arith.constant 0 : i32
      %cond3A_406 = arith.cmpi ne, %convert_element_type3A_404, %cond3A_405 : i32
      scf.if %cond3A_406 {
        %dma_wait3A_527 = arith.constant 0 : i32
        %dma_wait3A_528 = arith.constant 0 : i32
        %dma_wait3A_529 = tpu.memref_slice %arg6[%dma_wait3A_527, %dma_wait3A_528] : memref<6x120xi32, #tpu.memory_space<vmem>> -> memref<1x120xi32, #tpu.memory_space<vmem>>
        %dma_wait3A_530 = tpu.memref_squeeze %dma_wait3A_529 : memref<1x120xi32, #tpu.memory_space<vmem>> -> memref<120xi32, #tpu.memory_space<vmem>>
        %dma_wait3A_531 = arith.constant 0 : i32
        %dma_wait3A_532 = tpu.memref_slice %arg2[%select_n3A_8, %dma_wait3A_531] : memref<2688x120xi32, #tpu.memory_space<hbm>> -> memref<1x120xi32, #tpu.memory_space<hbm>>
        %dma_wait3A_533 = tpu.memref_squeeze %dma_wait3A_532 : memref<1x120xi32, #tpu.memory_space<hbm>> -> memref<120xi32, #tpu.memory_space<hbm>>
        %dma_wait3A_534 = arith.constant 0 : i32
        %dma_wait3A_535 = tpu.memref_slice %arg6[%dma_wait3A_527, %dma_wait3A_534] : memref<6x120xi32, #tpu.memory_space<vmem>> -> memref<1x120xi32, #tpu.memory_space<vmem>>
        %dma_wait3A_536 = tpu.memref_squeeze %dma_wait3A_535 : memref<1x120xi32, #tpu.memory_space<vmem>> -> memref<120xi32, #tpu.memory_space<vmem>>
        %dma_wait3A_537 = arith.constant 0 : i32
        %dma_wait3A_538 = tpu.memref_slice %arg2[%select_n3A_8, %dma_wait3A_537] : memref<2688x120xi32, #tpu.memory_space<hbm>> -> memref<1x120xi32, #tpu.memory_space<hbm>>
        %dma_wait3A_539 = tpu.memref_squeeze %dma_wait3A_538 : memref<1x120xi32, #tpu.memory_space<hbm>> -> memref<120xi32, #tpu.memory_space<hbm>>
        tpu.wait_dma2 semaphore(%arg13 : memref<!tpu.dma_semaphore, #tpu.memory_space<semaphore_mem>>) src(%dma_wait3A_539 : memref<120xi32, #tpu.memory_space<hbm>>) dst(%dma_wait3A_536 : memref<120xi32, #tpu.memory_space<vmem>>)
        %dma_wait3A_540 = arith.constant 0 : i32
        %dma_wait3A_541 = arith.constant 0 : i32
        %dma_wait3A_542 = tpu.memref_slice %arg7[%dma_wait3A_540, %dma_wait3A_541] : memref<6x120xi32, #tpu.memory_space<vmem>> -> memref<1x120xi32, #tpu.memory_space<vmem>>
        %dma_wait3A_543 = tpu.memref_squeeze %dma_wait3A_542 : memref<1x120xi32, #tpu.memory_space<vmem>> -> memref<120xi32, #tpu.memory_space<vmem>>
        %dma_wait3A_544 = arith.constant 0 : i32
        %dma_wait3A_545 = tpu.memref_slice %arg3[%select_n3A_8, %dma_wait3A_544] : memref<2688x120xi32, #tpu.memory_space<hbm>> -> memref<1x120xi32, #tpu.memory_space<hbm>>
        %dma_wait3A_546 = tpu.memref_squeeze %dma_wait3A_545 : memref<1x120xi32, #tpu.memory_space<hbm>> -> memref<120xi32, #tpu.memory_space<hbm>>
        %dma_wait3A_547 = arith.constant 0 : i32
        %dma_wait3A_548 = tpu.memref_slice %arg7[%dma_wait3A_540, %dma_wait3A_547] : memref<6x120xi32, #tpu.memory_space<vmem>> -> memref<1x120xi32, #tpu.memory_space<vmem>>
        %dma_wait3A_549 = tpu.memref_squeeze %dma_wait3A_548 : memref<1x120xi32, #tpu.memory_space<vmem>> -> memref<120xi32, #tpu.memory_space<vmem>>
        %dma_wait3A_550 = arith.constant 0 : i32
        %dma_wait3A_551 = tpu.memref_slice %arg3[%select_n3A_8, %dma_wait3A_550] : memref<2688x120xi32, #tpu.memory_space<hbm>> -> memref<1x120xi32, #tpu.memory_space<hbm>>
        %dma_wait3A_552 = tpu.memref_squeeze %dma_wait3A_551 : memref<1x120xi32, #tpu.memory_space<hbm>> -> memref<120xi32, #tpu.memory_space<hbm>>
        tpu.wait_dma2 semaphore(%arg13 : memref<!tpu.dma_semaphore, #tpu.memory_space<semaphore_mem>>) src(%dma_wait3A_552 : memref<120xi32, #tpu.memory_space<hbm>>) dst(%dma_wait3A_549 : memref<120xi32, #tpu.memory_space<vmem>>)
        %add3A_553 = arith.constant 3 : i32
        %add3A_554 = arith.addi %add3A_353, %add3A_553 : i32
        %jit3A_555 = arith.constant 6 : i32
        %eq3A_556 = arith.constant 0 : i32
        %eq3A_557 = arith.cmpi eq, %jit3A_555, %eq3A_556 : i32
        %jit3A_558 = arith.constant 1 : i32
        %select_n3A_559 = arith.select %eq3A_557, %jit3A_558, %jit3A_555 : i32
        %rem3A_560 = arith.remsi %add3A_554, %select_n3A_559 : i32
        %ne3A_561 = arith.constant 0 : i32
        %ne3A_562 = arith.cmpi ne, %rem3A_560, %ne3A_561 : i32
        %lt3A_563 = arith.constant 0 : i32
        %lt3A_564 = arith.cmpi slt, %rem3A_560, %lt3A_563 : i32
        %lt3A_565 = arith.constant 0 : i32
        %lt3A_566 = arith.cmpi slt, %select_n3A_559, %lt3A_565 : i32
        %ne3A_567 = arith.xori %lt3A_564, %lt3A_566 : i1
        %and3A_568 = arith.andi %ne3A_567, %ne3A_562 : i1
        %add3A_569 = arith.addi %rem3A_560, %select_n3A_559 : i32
        %select_n3A_570 = arith.select %and3A_568, %add3A_569, %rem3A_560 : i32
        %dma_start3A_571 = arith.constant 0 : i32
        %dma_start3A_572 = arith.constant 0 : i32
        %dma_start3A_573 = arith.constant 0 : i32
        %dma_start3A_574 = tpu.memref_slice %arg8[%dma_start3A_571, %dma_start3A_572, %dma_start3A_573] : memref<3x120x128xf32, #tpu.memory_space<vmem>> -> memref<1x120x128xf32, #tpu.memory_space<vmem>>
        %dma_start3A_575 = tpu.memref_squeeze %dma_start3A_574 : memref<1x120x128xf32, #tpu.memory_space<vmem>> -> memref<120x128xf32, #tpu.memory_space<vmem>>
        %dma_start3A_576 = arith.constant 0 : i32
        %dma_start3A_577 = tpu.memref_slice %arg6[%select_n3A_570, %dma_start3A_576] : memref<6x120xi32, #tpu.memory_space<vmem>> -> memref<1x120xi32, #tpu.memory_space<vmem>>
        %dma_start3A_578 = tpu.memref_squeeze %dma_start3A_577 : memref<1x120xi32, #tpu.memory_space<vmem>> -> memref<120xi32, #tpu.memory_space<vmem>>
        %dma_start3A_579 = arith.constant 0 : i32
        %dma_start3A_580 = arith.constant 0 : i32
        %dma_start3A_581 = tpu.memref_slice %arg4[%dma_start3A_579, %dma_start3A_580] : memref<10240x128xf32, #tpu.memory_space<hbm>> -> memref<10240x128xf32, #tpu.memory_space<hbm>>
        tpu.enqueue_indirect_dma source(%dma_start3A_581 : memref<10240x128xf32, #tpu.memory_space<hbm>>) target(%dma_start3A_575 : memref<120x128xf32, #tpu.memory_space<vmem>>) offsets(%dma_start3A_578 : memref<120xi32, #tpu.memory_space<vmem>>) semaphore(%arg10 : memref<!tpu.dma_semaphore, #tpu.memory_space<semaphore_mem>>)
      } else {
      }
      %mul3A_407 = arith.constant 3 : i32
      %mul3A_408 = arith.muli %while3A_349, %mul3A_407 : i32
      %add3A_409 = arith.constant 1 : i32
      %add3A_410 = arith.addi %mul3A_408, %add3A_409 : i32
      %jit3A_411 = arith.constant 6 : i32
      %eq3A_412 = arith.constant 0 : i32
      %eq3A_413 = arith.cmpi eq, %jit3A_411, %eq3A_412 : i32
      %jit3A_414 = arith.constant 1 : i32
      %select_n3A_415 = arith.select %eq3A_413, %jit3A_414, %jit3A_411 : i32
      %rem3A_416 = arith.remsi %add3A_410, %select_n3A_415 : i32
      %ne3A_417 = arith.constant 0 : i32
      %ne3A_418 = arith.cmpi ne, %rem3A_416, %ne3A_417 : i32
      %lt3A_419 = arith.constant 0 : i32
      %lt3A_420 = arith.cmpi slt, %rem3A_416, %lt3A_419 : i32
      %lt3A_421 = arith.constant 0 : i32
      %lt3A_422 = arith.cmpi slt, %select_n3A_415, %lt3A_421 : i32
      %ne3A_423 = arith.xori %lt3A_420, %lt3A_422 : i1
      %and3A_424 = arith.andi %ne3A_423, %ne3A_418 : i1
      %add3A_425 = arith.addi %rem3A_416, %select_n3A_415 : i32
      %select_n3A_426 = arith.select %and3A_424, %add3A_425, %rem3A_416 : i32
      %dma_wait3A_427 = arith.constant 1 : i32
      %dma_wait3A_428 = arith.constant 0 : i32
      %dma_wait3A_429 = arith.constant 0 : i32
      %dma_wait3A_430 = tpu.memref_slice %arg8[%dma_wait3A_427, %dma_wait3A_428, %dma_wait3A_429] : memref<3x120x128xf32, #tpu.memory_space<vmem>> -> memref<1x120x128xf32, #tpu.memory_space<vmem>>
      %dma_wait3A_431 = tpu.memref_squeeze %dma_wait3A_430 : memref<1x120x128xf32, #tpu.memory_space<vmem>> -> memref<120x128xf32, #tpu.memory_space<vmem>>
      %dma_wait3A_432 = arith.constant 0 : i32
      %dma_wait3A_433 = tpu.memref_slice %arg6[%select_n3A_426, %dma_wait3A_432] : memref<6x120xi32, #tpu.memory_space<vmem>> -> memref<1x120xi32, #tpu.memory_space<vmem>>
      %dma_wait3A_434 = tpu.memref_squeeze %dma_wait3A_433 : memref<1x120xi32, #tpu.memory_space<vmem>> -> memref<120xi32, #tpu.memory_space<vmem>>
      %dma_wait3A_435 = arith.constant 0 : i32
      %dma_wait3A_436 = arith.constant 0 : i32
      %dma_wait3A_437 = tpu.memref_slice %arg4[%dma_wait3A_435, %dma_wait3A_436] : memref<10240x128xf32, #tpu.memory_space<hbm>> -> memref<10240x128xf32, #tpu.memory_space<hbm>>
      tpu.wait_indirect_dma semaphore(%arg11 : memref<!tpu.dma_semaphore, #tpu.memory_space<semaphore_mem>>) src(%dma_wait3A_437 : memref<10240x128xf32, #tpu.memory_space<hbm>>) dst(%dma_wait3A_431 : memref<120x128xf32, #tpu.memory_space<vmem>>)
      %jit3A_438 = arith.constant 6 : i32
      %eq3A_439 = arith.constant 0 : i32
      %eq3A_440 = arith.cmpi eq, %jit3A_438, %eq3A_439 : i32
      %jit3A_441 = arith.constant 1 : i32
      %select_n3A_442 = arith.select %eq3A_440, %jit3A_441, %jit3A_438 : i32
      %rem3A_443 = arith.remsi %add3A_410, %select_n3A_442 : i32
      %ne3A_444 = arith.constant 0 : i32
      %ne3A_445 = arith.cmpi ne, %rem3A_443, %ne3A_444 : i32
      %lt3A_446 = arith.constant 0 : i32
      %lt3A_447 = arith.cmpi slt, %rem3A_443, %lt3A_446 : i32
      %lt3A_448 = arith.constant 0 : i32
      %lt3A_449 = arith.cmpi slt, %select_n3A_442, %lt3A_448 : i32
      %ne3A_450 = arith.xori %lt3A_447, %lt3A_449 : i1
      %and3A_451 = arith.andi %ne3A_450, %ne3A_445 : i1
      %add3A_452 = arith.addi %rem3A_443, %select_n3A_442 : i32
      %select_n3A_453 = arith.select %and3A_451, %add3A_452, %rem3A_443 : i32
      %run_scoped3A_454 = arith.constant 1 : i32
      "tpu.region"() ({
        %run_scoped3A_527 = tpu.sem_alloc : memref<!tpu.dma_semaphore, #tpu.memory_space<semaphore_mem>>
        %dma_start3A_528 = arith.constant 0 : i32
        %dma_start3A_529 = arith.constant 0 : i32
        %dma_start3A_530 = tpu.memref_slice %arg8[%run_scoped3A_454, %dma_start3A_528, %dma_start3A_529] : memref<3x120x128xf32, #tpu.memory_space<vmem>> -> memref<1x120x128xf32, #tpu.memory_space<vmem>>
        %dma_start3A_531 = tpu.memref_squeeze %dma_start3A_530 : memref<1x120x128xf32, #tpu.memory_space<vmem>> -> memref<120x128xf32, #tpu.memory_space<vmem>>
        %dma_start3A_532 = arith.constant 0 : i32
        %dma_start3A_533 = tpu.memref_slice %arg7[%select_n3A_453, %dma_start3A_532] : memref<6x120xi32, #tpu.memory_space<vmem>> -> memref<1x120xi32, #tpu.memory_space<vmem>>
        %dma_start3A_534 = tpu.memref_squeeze %dma_start3A_533 : memref<1x120xi32, #tpu.memory_space<vmem>> -> memref<120xi32, #tpu.memory_space<vmem>>
        %dma_start3A_535 = arith.constant 0 : i32
        %dma_start3A_536 = arith.constant 0 : i32
        %dma_start3A_537 = tpu.memref_slice %arg9[%dma_start3A_535, %dma_start3A_536] : memref<10240x128xf32, #tpu.memory_space<vmem_shared>> -> memref<10240x128xf32, #tpu.memory_space<vmem_shared>>
        tpu.enqueue_indirect_dma source(%dma_start3A_531 : memref<120x128xf32, #tpu.memory_space<vmem>>) target(%dma_start3A_537 : memref<10240x128xf32, #tpu.memory_space<vmem_shared>>) offsets(%dma_start3A_534 : memref<120xi32, #tpu.memory_space<vmem>>) semaphore(%run_scoped3A_527 : memref<!tpu.dma_semaphore, #tpu.memory_space<semaphore_mem>>) {add = true}
        %dma_wait3A_538 = arith.constant 0 : i32
        %dma_wait3A_539 = arith.constant 0 : i32
        %dma_wait3A_540 = tpu.memref_slice %arg8[%run_scoped3A_454, %dma_wait3A_538, %dma_wait3A_539] : memref<3x120x128xf32, #tpu.memory_space<vmem>> -> memref<1x120x128xf32, #tpu.memory_space<vmem>>
        %dma_wait3A_541 = tpu.memref_squeeze %dma_wait3A_540 : memref<1x120x128xf32, #tpu.memory_space<vmem>> -> memref<120x128xf32, #tpu.memory_space<vmem>>
        %dma_wait3A_542 = arith.constant 0 : i32
        %dma_wait3A_543 = tpu.memref_slice %arg7[%select_n3A_453, %dma_wait3A_542] : memref<6x120xi32, #tpu.memory_space<vmem>> -> memref<1x120xi32, #tpu.memory_space<vmem>>
        %dma_wait3A_544 = tpu.memref_squeeze %dma_wait3A_543 : memref<1x120xi32, #tpu.memory_space<vmem>> -> memref<120xi32, #tpu.memory_space<vmem>>
        %dma_wait3A_545 = arith.constant 0 : i32
        %dma_wait3A_546 = arith.constant 0 : i32
        %dma_wait3A_547 = tpu.memref_slice %arg9[%dma_wait3A_545, %dma_wait3A_546] : memref<10240x128xf32, #tpu.memory_space<vmem_shared>> -> memref<10240x128xf32, #tpu.memory_space<vmem_shared>>
        tpu.wait_indirect_dma semaphore(%run_scoped3A_527 : memref<!tpu.dma_semaphore, #tpu.memory_space<semaphore_mem>>) src(%dma_wait3A_541 : memref<120x128xf32, #tpu.memory_space<vmem>>) dst(%dma_wait3A_547 : memref<10240x128xf32, #tpu.memory_space<vmem_shared>>)
        tpu.yield
      }) : () -> ()
      %add3A_455 = arith.constant 6 : i32
      %add3A_456 = arith.addi %add3A_410, %add3A_455 : i32
      %lt3A_457 = arith.cmpi slt, %add3A_456, %select_n3A : i32
      %convert_element_type3A_458 = arith.extui %lt3A_457 : i1 to i32
      %cond3A_459 = arith.constant 0 : i32
      %cond3A_460 = arith.cmpi ne, %convert_element_type3A_458, %cond3A_459 : i32
      scf.if %cond3A_460 {
        %add3A_527 = arith.constant 6 : i32
        %add3A_528 = arith.addi %add3A_410, %add3A_527 : i32
        %add3A_529 = arith.addi %select_n3A_8, %add3A_528 : i32
        %jit3A_530 = arith.constant 6 : i32
        %eq3A_531 = arith.constant 0 : i32
        %eq3A_532 = arith.cmpi eq, %jit3A_530, %eq3A_531 : i32
        %jit3A_533 = arith.constant 1 : i32
        %select_n3A_534 = arith.select %eq3A_532, %jit3A_533, %jit3A_530 : i32
        %rem3A_535 = arith.remsi %add3A_528, %select_n3A_534 : i32
        %ne3A_536 = arith.constant 0 : i32
        %ne3A_537 = arith.cmpi ne, %rem3A_535, %ne3A_536 : i32
        %lt3A_538 = arith.constant 0 : i32
        %lt3A_539 = arith.cmpi slt, %rem3A_535, %lt3A_538 : i32
        %lt3A_540 = arith.constant 0 : i32
        %lt3A_541 = arith.cmpi slt, %select_n3A_534, %lt3A_540 : i32
        %ne3A_542 = arith.xori %lt3A_539, %lt3A_541 : i1
        %and3A_543 = arith.andi %ne3A_542, %ne3A_537 : i1
        %add3A_544 = arith.addi %rem3A_535, %select_n3A_534 : i32
        %select_n3A_545 = arith.select %and3A_543, %add3A_544, %rem3A_535 : i32
        %dma_start3A_546 = arith.constant 0 : i32
        %dma_start3A_547 = tpu.memref_slice %arg6[%select_n3A_545, %dma_start3A_546] : memref<6x120xi32, #tpu.memory_space<vmem>> -> memref<1x120xi32, #tpu.memory_space<vmem>>
        %dma_start3A_548 = tpu.memref_squeeze %dma_start3A_547 : memref<1x120xi32, #tpu.memory_space<vmem>> -> memref<120xi32, #tpu.memory_space<vmem>>
        %dma_start3A_549 = arith.constant 0 : i32
        %dma_start3A_550 = tpu.memref_slice %arg2[%add3A_529, %dma_start3A_549] : memref<2688x120xi32, #tpu.memory_space<hbm>> -> memref<1x120xi32, #tpu.memory_space<hbm>>
        %dma_start3A_551 = tpu.memref_squeeze %dma_start3A_550 : memref<1x120xi32, #tpu.memory_space<hbm>> -> memref<120xi32, #tpu.memory_space<hbm>>
        %dma_start3A_552 = arith.constant 0 : i32
        %dma_start3A_553 = tpu.memref_slice %arg6[%select_n3A_545, %dma_start3A_552] : memref<6x120xi32, #tpu.memory_space<vmem>> -> memref<1x120xi32, #tpu.memory_space<vmem>>
        %dma_start3A_554 = tpu.memref_squeeze %dma_start3A_553 : memref<1x120xi32, #tpu.memory_space<vmem>> -> memref<120xi32, #tpu.memory_space<vmem>>
        %dma_start3A_555 = arith.constant 0 : i32
        %dma_start3A_556 = tpu.memref_slice %arg2[%add3A_529, %dma_start3A_555] : memref<2688x120xi32, #tpu.memory_space<hbm>> -> memref<1x120xi32, #tpu.memory_space<hbm>>
        %dma_start3A_557 = tpu.memref_squeeze %dma_start3A_556 : memref<1x120xi32, #tpu.memory_space<hbm>> -> memref<120xi32, #tpu.memory_space<hbm>>
        tpu.enqueue_dma source(%dma_start3A_557 : memref<120xi32, #tpu.memory_space<hbm>>) target(%dma_start3A_554 : memref<120xi32, #tpu.memory_space<vmem>>) target_semaphore(%arg13 : memref<!tpu.dma_semaphore, #tpu.memory_space<semaphore_mem>>)
        %add3A_558 = arith.addi %select_n3A_8, %add3A_528 : i32
        %jit3A_559 = arith.constant 6 : i32
        %eq3A_560 = arith.constant 0 : i32
        %eq3A_561 = arith.cmpi eq, %jit3A_559, %eq3A_560 : i32
        %jit3A_562 = arith.constant 1 : i32
        %select_n3A_563 = arith.select %eq3A_561, %jit3A_562, %jit3A_559 : i32
        %rem3A_564 = arith.remsi %add3A_528, %select_n3A_563 : i32
        %ne3A_565 = arith.constant 0 : i32
        %ne3A_566 = arith.cmpi ne, %rem3A_564, %ne3A_565 : i32
        %lt3A_567 = arith.constant 0 : i32
        %lt3A_568 = arith.cmpi slt, %rem3A_564, %lt3A_567 : i32
        %lt3A_569 = arith.constant 0 : i32
        %lt3A_570 = arith.cmpi slt, %select_n3A_563, %lt3A_569 : i32
        %ne3A_571 = arith.xori %lt3A_568, %lt3A_570 : i1
        %and3A_572 = arith.andi %ne3A_571, %ne3A_566 : i1
        %add3A_573 = arith.addi %rem3A_564, %select_n3A_563 : i32
        %select_n3A_574 = arith.select %and3A_572, %add3A_573, %rem3A_564 : i32
        %dma_start3A_575 = arith.constant 0 : i32
        %dma_start3A_576 = tpu.memref_slice %arg7[%select_n3A_574, %dma_start3A_575] : memref<6x120xi32, #tpu.memory_space<vmem>> -> memref<1x120xi32, #tpu.memory_space<vmem>>
        %dma_start3A_577 = tpu.memref_squeeze %dma_start3A_576 : memref<1x120xi32, #tpu.memory_space<vmem>> -> memref<120xi32, #tpu.memory_space<vmem>>
        %dma_start3A_578 = arith.constant 0 : i32
        %dma_start3A_579 = tpu.memref_slice %arg3[%add3A_558, %dma_start3A_578] : memref<2688x120xi32, #tpu.memory_space<hbm>> -> memref<1x120xi32, #tpu.memory_space<hbm>>
        %dma_start3A_580 = tpu.memref_squeeze %dma_start3A_579 : memref<1x120xi32, #tpu.memory_space<hbm>> -> memref<120xi32, #tpu.memory_space<hbm>>
        %dma_start3A_581 = arith.constant 0 : i32
        %dma_start3A_582 = tpu.memref_slice %arg7[%select_n3A_574, %dma_start3A_581] : memref<6x120xi32, #tpu.memory_space<vmem>> -> memref<1x120xi32, #tpu.memory_space<vmem>>
        %dma_start3A_583 = tpu.memref_squeeze %dma_start3A_582 : memref<1x120xi32, #tpu.memory_space<vmem>> -> memref<120xi32, #tpu.memory_space<vmem>>
        %dma_start3A_584 = arith.constant 0 : i32
        %dma_start3A_585 = tpu.memref_slice %arg3[%add3A_558, %dma_start3A_584] : memref<2688x120xi32, #tpu.memory_space<hbm>> -> memref<1x120xi32, #tpu.memory_space<hbm>>
        %dma_start3A_586 = tpu.memref_squeeze %dma_start3A_585 : memref<1x120xi32, #tpu.memory_space<hbm>> -> memref<120xi32, #tpu.memory_space<hbm>>
        tpu.enqueue_dma source(%dma_start3A_586 : memref<120xi32, #tpu.memory_space<hbm>>) target(%dma_start3A_583 : memref<120xi32, #tpu.memory_space<vmem>>) target_semaphore(%arg13 : memref<!tpu.dma_semaphore, #tpu.memory_space<semaphore_mem>>)
      } else {
      }
      %add3A_461 = arith.constant 3 : i32
      %add3A_462 = arith.addi %add3A_410, %add3A_461 : i32
      %lt3A_463 = arith.cmpi slt, %add3A_462, %select_n3A : i32
      %convert_element_type3A_464 = arith.extui %lt3A_463 : i1 to i32
      %cond3A_465 = arith.constant 0 : i32
      %cond3A_466 = arith.cmpi ne, %convert_element_type3A_464, %cond3A_465 : i32
      scf.if %cond3A_466 {
        %dma_wait3A_527 = arith.constant 0 : i32
        %dma_wait3A_528 = arith.constant 0 : i32
        %dma_wait3A_529 = tpu.memref_slice %arg6[%dma_wait3A_527, %dma_wait3A_528] : memref<6x120xi32, #tpu.memory_space<vmem>> -> memref<1x120xi32, #tpu.memory_space<vmem>>
        %dma_wait3A_530 = tpu.memref_squeeze %dma_wait3A_529 : memref<1x120xi32, #tpu.memory_space<vmem>> -> memref<120xi32, #tpu.memory_space<vmem>>
        %dma_wait3A_531 = arith.constant 0 : i32
        %dma_wait3A_532 = tpu.memref_slice %arg2[%select_n3A_8, %dma_wait3A_531] : memref<2688x120xi32, #tpu.memory_space<hbm>> -> memref<1x120xi32, #tpu.memory_space<hbm>>
        %dma_wait3A_533 = tpu.memref_squeeze %dma_wait3A_532 : memref<1x120xi32, #tpu.memory_space<hbm>> -> memref<120xi32, #tpu.memory_space<hbm>>
        %dma_wait3A_534 = arith.constant 0 : i32
        %dma_wait3A_535 = tpu.memref_slice %arg6[%dma_wait3A_527, %dma_wait3A_534] : memref<6x120xi32, #tpu.memory_space<vmem>> -> memref<1x120xi32, #tpu.memory_space<vmem>>
        %dma_wait3A_536 = tpu.memref_squeeze %dma_wait3A_535 : memref<1x120xi32, #tpu.memory_space<vmem>> -> memref<120xi32, #tpu.memory_space<vmem>>
        %dma_wait3A_537 = arith.constant 0 : i32
        %dma_wait3A_538 = tpu.memref_slice %arg2[%select_n3A_8, %dma_wait3A_537] : memref<2688x120xi32, #tpu.memory_space<hbm>> -> memref<1x120xi32, #tpu.memory_space<hbm>>
        %dma_wait3A_539 = tpu.memref_squeeze %dma_wait3A_538 : memref<1x120xi32, #tpu.memory_space<hbm>> -> memref<120xi32, #tpu.memory_space<hbm>>
        tpu.wait_dma2 semaphore(%arg13 : memref<!tpu.dma_semaphore, #tpu.memory_space<semaphore_mem>>) src(%dma_wait3A_539 : memref<120xi32, #tpu.memory_space<hbm>>) dst(%dma_wait3A_536 : memref<120xi32, #tpu.memory_space<vmem>>)
        %dma_wait3A_540 = arith.constant 0 : i32
        %dma_wait3A_541 = arith.constant 0 : i32
        %dma_wait3A_542 = tpu.memref_slice %arg7[%dma_wait3A_540, %dma_wait3A_541] : memref<6x120xi32, #tpu.memory_space<vmem>> -> memref<1x120xi32, #tpu.memory_space<vmem>>
        %dma_wait3A_543 = tpu.memref_squeeze %dma_wait3A_542 : memref<1x120xi32, #tpu.memory_space<vmem>> -> memref<120xi32, #tpu.memory_space<vmem>>
        %dma_wait3A_544 = arith.constant 0 : i32
        %dma_wait3A_545 = tpu.memref_slice %arg3[%select_n3A_8, %dma_wait3A_544] : memref<2688x120xi32, #tpu.memory_space<hbm>> -> memref<1x120xi32, #tpu.memory_space<hbm>>
        %dma_wait3A_546 = tpu.memref_squeeze %dma_wait3A_545 : memref<1x120xi32, #tpu.memory_space<hbm>> -> memref<120xi32, #tpu.memory_space<hbm>>
        %dma_wait3A_547 = arith.constant 0 : i32
        %dma_wait3A_548 = tpu.memref_slice %arg7[%dma_wait3A_540, %dma_wait3A_547] : memref<6x120xi32, #tpu.memory_space<vmem>> -> memref<1x120xi32, #tpu.memory_space<vmem>>
        %dma_wait3A_549 = tpu.memref_squeeze %dma_wait3A_548 : memref<1x120xi32, #tpu.memory_space<vmem>> -> memref<120xi32, #tpu.memory_space<vmem>>
        %dma_wait3A_550 = arith.constant 0 : i32
        %dma_wait3A_551 = tpu.memref_slice %arg3[%select_n3A_8, %dma_wait3A_550] : memref<2688x120xi32, #tpu.memory_space<hbm>> -> memref<1x120xi32, #tpu.memory_space<hbm>>
        %dma_wait3A_552 = tpu.memref_squeeze %dma_wait3A_551 : memref<1x120xi32, #tpu.memory_space<hbm>> -> memref<120xi32, #tpu.memory_space<hbm>>
        tpu.wait_dma2 semaphore(%arg13 : memref<!tpu.dma_semaphore, #tpu.memory_space<semaphore_mem>>) src(%dma_wait3A_552 : memref<120xi32, #tpu.memory_space<hbm>>) dst(%dma_wait3A_549 : memref<120xi32, #tpu.memory_space<vmem>>)
        %add3A_553 = arith.constant 3 : i32
        %add3A_554 = arith.addi %add3A_410, %add3A_553 : i32
        %jit3A_555 = arith.constant 6 : i32
        %eq3A_556 = arith.constant 0 : i32
        %eq3A_557 = arith.cmpi eq, %jit3A_555, %eq3A_556 : i32
        %jit3A_558 = arith.constant 1 : i32
        %select_n3A_559 = arith.select %eq3A_557, %jit3A_558, %jit3A_555 : i32
        %rem3A_560 = arith.remsi %add3A_554, %select_n3A_559 : i32
        %ne3A_561 = arith.constant 0 : i32
        %ne3A_562 = arith.cmpi ne, %rem3A_560, %ne3A_561 : i32
        %lt3A_563 = arith.constant 0 : i32
        %lt3A_564 = arith.cmpi slt, %rem3A_560, %lt3A_563 : i32
        %lt3A_565 = arith.constant 0 : i32
        %lt3A_566 = arith.cmpi slt, %select_n3A_559, %lt3A_565 : i32
        %ne3A_567 = arith.xori %lt3A_564, %lt3A_566 : i1
        %and3A_568 = arith.andi %ne3A_567, %ne3A_562 : i1
        %add3A_569 = arith.addi %rem3A_560, %select_n3A_559 : i32
        %select_n3A_570 = arith.select %and3A_568, %add3A_569, %rem3A_560 : i32
        %dma_start3A_571 = arith.constant 1 : i32
        %dma_start3A_572 = arith.constant 0 : i32
        %dma_start3A_573 = arith.constant 0 : i32
        %dma_start3A_574 = tpu.memref_slice %arg8[%dma_start3A_571, %dma_start3A_572, %dma_start3A_573] : memref<3x120x128xf32, #tpu.memory_space<vmem>> -> memref<1x120x128xf32, #tpu.memory_space<vmem>>
        %dma_start3A_575 = tpu.memref_squeeze %dma_start3A_574 : memref<1x120x128xf32, #tpu.memory_space<vmem>> -> memref<120x128xf32, #tpu.memory_space<vmem>>
        %dma_start3A_576 = arith.constant 0 : i32
        %dma_start3A_577 = tpu.memref_slice %arg6[%select_n3A_570, %dma_start3A_576] : memref<6x120xi32, #tpu.memory_space<vmem>> -> memref<1x120xi32, #tpu.memory_space<vmem>>
        %dma_start3A_578 = tpu.memref_squeeze %dma_start3A_577 : memref<1x120xi32, #tpu.memory_space<vmem>> -> memref<120xi32, #tpu.memory_space<vmem>>
        %dma_start3A_579 = arith.constant 0 : i32
        %dma_start3A_580 = arith.constant 0 : i32
        %dma_start3A_581 = tpu.memref_slice %arg4[%dma_start3A_579, %dma_start3A_580] : memref<10240x128xf32, #tpu.memory_space<hbm>> -> memref<10240x128xf32, #tpu.memory_space<hbm>>
        tpu.enqueue_indirect_dma source(%dma_start3A_581 : memref<10240x128xf32, #tpu.memory_space<hbm>>) target(%dma_start3A_575 : memref<120x128xf32, #tpu.memory_space<vmem>>) offsets(%dma_start3A_578 : memref<120xi32, #tpu.memory_space<vmem>>) semaphore(%arg11 : memref<!tpu.dma_semaphore, #tpu.memory_space<semaphore_mem>>)
      } else {
      }
      %mul3A_467 = arith.constant 3 : i32
      %mul3A_468 = arith.muli %while3A_349, %mul3A_467 : i32
      %add3A_469 = arith.constant 2 : i32
      %add3A_470 = arith.addi %mul3A_468, %add3A_469 : i32
      %jit3A_471 = arith.constant 6 : i32
      %eq3A_472 = arith.constant 0 : i32
      %eq3A_473 = arith.cmpi eq, %jit3A_471, %eq3A_472 : i32
      %jit3A_474 = arith.constant 1 : i32
      %select_n3A_475 = arith.select %eq3A_473, %jit3A_474, %jit3A_471 : i32
      %rem3A_476 = arith.remsi %add3A_470, %select_n3A_475 : i32
      %ne3A_477 = arith.constant 0 : i32
      %ne3A_478 = arith.cmpi ne, %rem3A_476, %ne3A_477 : i32
      %lt3A_479 = arith.constant 0 : i32
      %lt3A_480 = arith.cmpi slt, %rem3A_476, %lt3A_479 : i32
      %lt3A_481 = arith.constant 0 : i32
      %lt3A_482 = arith.cmpi slt, %select_n3A_475, %lt3A_481 : i32
      %ne3A_483 = arith.xori %lt3A_480, %lt3A_482 : i1
      %and3A_484 = arith.andi %ne3A_483, %ne3A_478 : i1
      %add3A_485 = arith.addi %rem3A_476, %select_n3A_475 : i32
      %select_n3A_486 = arith.select %and3A_484, %add3A_485, %rem3A_476 : i32
      %dma_wait3A_487 = arith.constant 2 : i32
      %dma_wait3A_488 = arith.constant 0 : i32
      %dma_wait3A_489 = arith.constant 0 : i32
      %dma_wait3A_490 = tpu.memref_slice %arg8[%dma_wait3A_487, %dma_wait3A_488, %dma_wait3A_489] : memref<3x120x128xf32, #tpu.memory_space<vmem>> -> memref<1x120x128xf32, #tpu.memory_space<vmem>>
      %dma_wait3A_491 = tpu.memref_squeeze %dma_wait3A_490 : memref<1x120x128xf32, #tpu.memory_space<vmem>> -> memref<120x128xf32, #tpu.memory_space<vmem>>
      %dma_wait3A_492 = arith.constant 0 : i32
      %dma_wait3A_493 = tpu.memref_slice %arg6[%select_n3A_486, %dma_wait3A_492] : memref<6x120xi32, #tpu.memory_space<vmem>> -> memref<1x120xi32, #tpu.memory_space<vmem>>
      %dma_wait3A_494 = tpu.memref_squeeze %dma_wait3A_493 : memref<1x120xi32, #tpu.memory_space<vmem>> -> memref<120xi32, #tpu.memory_space<vmem>>
      %dma_wait3A_495 = arith.constant 0 : i32
      %dma_wait3A_496 = arith.constant 0 : i32
      %dma_wait3A_497 = tpu.memref_slice %arg4[%dma_wait3A_495, %dma_wait3A_496] : memref<10240x128xf32, #tpu.memory_space<hbm>> -> memref<10240x128xf32, #tpu.memory_space<hbm>>
      tpu.wait_indirect_dma semaphore(%arg12 : memref<!tpu.dma_semaphore, #tpu.memory_space<semaphore_mem>>) src(%dma_wait3A_497 : memref<10240x128xf32, #tpu.memory_space<hbm>>) dst(%dma_wait3A_491 : memref<120x128xf32, #tpu.memory_space<vmem>>)
      %jit3A_498 = arith.constant 6 : i32
      %eq3A_499 = arith.constant 0 : i32
      %eq3A_500 = arith.cmpi eq, %jit3A_498, %eq3A_499 : i32
      %jit3A_501 = arith.constant 1 : i32
      %select_n3A_502 = arith.select %eq3A_500, %jit3A_501, %jit3A_498 : i32
      %rem3A_503 = arith.remsi %add3A_470, %select_n3A_502 : i32
      %ne3A_504 = arith.constant 0 : i32
      %ne3A_505 = arith.cmpi ne, %rem3A_503, %ne3A_504 : i32
      %lt3A_506 = arith.constant 0 : i32
      %lt3A_507 = arith.cmpi slt, %rem3A_503, %lt3A_506 : i32
      %lt3A_508 = arith.constant 0 : i32
      %lt3A_509 = arith.cmpi slt, %select_n3A_502, %lt3A_508 : i32
      %ne3A_510 = arith.xori %lt3A_507, %lt3A_509 : i1
      %and3A_511 = arith.andi %ne3A_510, %ne3A_505 : i1
      %add3A_512 = arith.addi %rem3A_503, %select_n3A_502 : i32
      %select_n3A_513 = arith.select %and3A_511, %add3A_512, %rem3A_503 : i32
      %run_scoped3A_514 = arith.constant 2 : i32
      "tpu.region"() ({
        %run_scoped3A_527 = tpu.sem_alloc : memref<!tpu.dma_semaphore, #tpu.memory_space<semaphore_mem>>
        %dma_start3A_528 = arith.constant 0 : i32
        %dma_start3A_529 = arith.constant 0 : i32
        %dma_start3A_530 = tpu.memref_slice %arg8[%run_scoped3A_514, %dma_start3A_528, %dma_start3A_529] : memref<3x120x128xf32, #tpu.memory_space<vmem>> -> memref<1x120x128xf32, #tpu.memory_space<vmem>>
        %dma_start3A_531 = tpu.memref_squeeze %dma_start3A_530 : memref<1x120x128xf32, #tpu.memory_space<vmem>> -> memref<120x128xf32, #tpu.memory_space<vmem>>
        %dma_start3A_532 = arith.constant 0 : i32
        %dma_start3A_533 = tpu.memref_slice %arg7[%select_n3A_513, %dma_start3A_532] : memref<6x120xi32, #tpu.memory_space<vmem>> -> memref<1x120xi32, #tpu.memory_space<vmem>>
        %dma_start3A_534 = tpu.memref_squeeze %dma_start3A_533 : memref<1x120xi32, #tpu.memory_space<vmem>> -> memref<120xi32, #tpu.memory_space<vmem>>
        %dma_start3A_535 = arith.constant 0 : i32
        %dma_start3A_536 = arith.constant 0 : i32
        %dma_start3A_537 = tpu.memref_slice %arg9[%dma_start3A_535, %dma_start3A_536] : memref<10240x128xf32, #tpu.memory_space<vmem_shared>> -> memref<10240x128xf32, #tpu.memory_space<vmem_shared>>
        tpu.enqueue_indirect_dma source(%dma_start3A_531 : memref<120x128xf32, #tpu.memory_space<vmem>>) target(%dma_start3A_537 : memref<10240x128xf32, #tpu.memory_space<vmem_shared>>) offsets(%dma_start3A_534 : memref<120xi32, #tpu.memory_space<vmem>>) semaphore(%run_scoped3A_527 : memref<!tpu.dma_semaphore, #tpu.memory_space<semaphore_mem>>) {add = true}
        %dma_wait3A_538 = arith.constant 0 : i32
        %dma_wait3A_539 = arith.constant 0 : i32
        %dma_wait3A_540 = tpu.memref_slice %arg8[%run_scoped3A_514, %dma_wait3A_538, %dma_wait3A_539] : memref<3x120x128xf32, #tpu.memory_space<vmem>> -> memref<1x120x128xf32, #tpu.memory_space<vmem>>
        %dma_wait3A_541 = tpu.memref_squeeze %dma_wait3A_540 : memref<1x120x128xf32, #tpu.memory_space<vmem>> -> memref<120x128xf32, #tpu.memory_space<vmem>>
        %dma_wait3A_542 = arith.constant 0 : i32
        %dma_wait3A_543 = tpu.memref_slice %arg7[%select_n3A_513, %dma_wait3A_542] : memref<6x120xi32, #tpu.memory_space<vmem>> -> memref<1x120xi32, #tpu.memory_space<vmem>>
        %dma_wait3A_544 = tpu.memref_squeeze %dma_wait3A_543 : memref<1x120xi32, #tpu.memory_space<vmem>> -> memref<120xi32, #tpu.memory_space<vmem>>
        %dma_wait3A_545 = arith.constant 0 : i32
        %dma_wait3A_546 = arith.constant 0 : i32
        %dma_wait3A_547 = tpu.memref_slice %arg9[%dma_wait3A_545, %dma_wait3A_546] : memref<10240x128xf32, #tpu.memory_space<vmem_shared>> -> memref<10240x128xf32, #tpu.memory_space<vmem_shared>>
        tpu.wait_indirect_dma semaphore(%run_scoped3A_527 : memref<!tpu.dma_semaphore, #tpu.memory_space<semaphore_mem>>) src(%dma_wait3A_541 : memref<120x128xf32, #tpu.memory_space<vmem>>) dst(%dma_wait3A_547 : memref<10240x128xf32, #tpu.memory_space<vmem_shared>>)
        tpu.yield
      }) : () -> ()
      %add3A_515 = arith.constant 6 : i32
      %add3A_516 = arith.addi %add3A_470, %add3A_515 : i32
      %lt3A_517 = arith.cmpi slt, %add3A_516, %select_n3A : i32
      %convert_element_type3A_518 = arith.extui %lt3A_517 : i1 to i32
      %cond3A_519 = arith.constant 0 : i32
      %cond3A_520 = arith.cmpi ne, %convert_element_type3A_518, %cond3A_519 : i32
      scf.if %cond3A_520 {
        %add3A_527 = arith.constant 6 : i32
        %add3A_528 = arith.addi %add3A_470, %add3A_527 : i32
        %add3A_529 = arith.addi %select_n3A_8, %add3A_528 : i32
        %jit3A_530 = arith.constant 6 : i32
        %eq3A_531 = arith.constant 0 : i32
        %eq3A_532 = arith.cmpi eq, %jit3A_530, %eq3A_531 : i32
        %jit3A_533 = arith.constant 1 : i32
        %select_n3A_534 = arith.select %eq3A_532, %jit3A_533, %jit3A_530 : i32
        %rem3A_535 = arith.remsi %add3A_528, %select_n3A_534 : i32
        %ne3A_536 = arith.constant 0 : i32
        %ne3A_537 = arith.cmpi ne, %rem3A_535, %ne3A_536 : i32
        %lt3A_538 = arith.constant 0 : i32
        %lt3A_539 = arith.cmpi slt, %rem3A_535, %lt3A_538 : i32
        %lt3A_540 = arith.constant 0 : i32
        %lt3A_541 = arith.cmpi slt, %select_n3A_534, %lt3A_540 : i32
        %ne3A_542 = arith.xori %lt3A_539, %lt3A_541 : i1
        %and3A_543 = arith.andi %ne3A_542, %ne3A_537 : i1
        %add3A_544 = arith.addi %rem3A_535, %select_n3A_534 : i32
        %select_n3A_545 = arith.select %and3A_543, %add3A_544, %rem3A_535 : i32
        %dma_start3A_546 = arith.constant 0 : i32
        %dma_start3A_547 = tpu.memref_slice %arg6[%select_n3A_545, %dma_start3A_546] : memref<6x120xi32, #tpu.memory_space<vmem>> -> memref<1x120xi32, #tpu.memory_space<vmem>>
        %dma_start3A_548 = tpu.memref_squeeze %dma_start3A_547 : memref<1x120xi32, #tpu.memory_space<vmem>> -> memref<120xi32, #tpu.memory_space<vmem>>
        %dma_start3A_549 = arith.constant 0 : i32
        %dma_start3A_550 = tpu.memref_slice %arg2[%add3A_529, %dma_start3A_549] : memref<2688x120xi32, #tpu.memory_space<hbm>> -> memref<1x120xi32, #tpu.memory_space<hbm>>
        %dma_start3A_551 = tpu.memref_squeeze %dma_start3A_550 : memref<1x120xi32, #tpu.memory_space<hbm>> -> memref<120xi32, #tpu.memory_space<hbm>>
        %dma_start3A_552 = arith.constant 0 : i32
        %dma_start3A_553 = tpu.memref_slice %arg6[%select_n3A_545, %dma_start3A_552] : memref<6x120xi32, #tpu.memory_space<vmem>> -> memref<1x120xi32, #tpu.memory_space<vmem>>
        %dma_start3A_554 = tpu.memref_squeeze %dma_start3A_553 : memref<1x120xi32, #tpu.memory_space<vmem>> -> memref<120xi32, #tpu.memory_space<vmem>>
        %dma_start3A_555 = arith.constant 0 : i32
        %dma_start3A_556 = tpu.memref_slice %arg2[%add3A_529, %dma_start3A_555] : memref<2688x120xi32, #tpu.memory_space<hbm>> -> memref<1x120xi32, #tpu.memory_space<hbm>>
        %dma_start3A_557 = tpu.memref_squeeze %dma_start3A_556 : memref<1x120xi32, #tpu.memory_space<hbm>> -> memref<120xi32, #tpu.memory_space<hbm>>
        tpu.enqueue_dma source(%dma_start3A_557 : memref<120xi32, #tpu.memory_space<hbm>>) target(%dma_start3A_554 : memref<120xi32, #tpu.memory_space<vmem>>) target_semaphore(%arg13 : memref<!tpu.dma_semaphore, #tpu.memory_space<semaphore_mem>>)
        %add3A_558 = arith.addi %select_n3A_8, %add3A_528 : i32
        %jit3A_559 = arith.constant 6 : i32
        %eq3A_560 = arith.constant 0 : i32
        %eq3A_561 = arith.cmpi eq, %jit3A_559, %eq3A_560 : i32
        %jit3A_562 = arith.constant 1 : i32
        %select_n3A_563 = arith.select %eq3A_561, %jit3A_562, %jit3A_559 : i32
        %rem3A_564 = arith.remsi %add3A_528, %select_n3A_563 : i32
        %ne3A_565 = arith.constant 0 : i32
        %ne3A_566 = arith.cmpi ne, %rem3A_564, %ne3A_565 : i32
        %lt3A_567 = arith.constant 0 : i32
        %lt3A_568 = arith.cmpi slt, %rem3A_564, %lt3A_567 : i32
        %lt3A_569 = arith.constant 0 : i32
        %lt3A_570 = arith.cmpi slt, %select_n3A_563, %lt3A_569 : i32
        %ne3A_571 = arith.xori %lt3A_568, %lt3A_570 : i1
        %and3A_572 = arith.andi %ne3A_571, %ne3A_566 : i1
        %add3A_573 = arith.addi %rem3A_564, %select_n3A_563 : i32
        %select_n3A_574 = arith.select %and3A_572, %add3A_573, %rem3A_564 : i32
        %dma_start3A_575 = arith.constant 0 : i32
        %dma_start3A_576 = tpu.memref_slice %arg7[%select_n3A_574, %dma_start3A_575] : memref<6x120xi32, #tpu.memory_space<vmem>> -> memref<1x120xi32, #tpu.memory_space<vmem>>
        %dma_start3A_577 = tpu.memref_squeeze %dma_start3A_576 : memref<1x120xi32, #tpu.memory_space<vmem>> -> memref<120xi32, #tpu.memory_space<vmem>>
        %dma_start3A_578 = arith.constant 0 : i32
        %dma_start3A_579 = tpu.memref_slice %arg3[%add3A_558, %dma_start3A_578] : memref<2688x120xi32, #tpu.memory_space<hbm>> -> memref<1x120xi32, #tpu.memory_space<hbm>>
        %dma_start3A_580 = tpu.memref_squeeze %dma_start3A_579 : memref<1x120xi32, #tpu.memory_space<hbm>> -> memref<120xi32, #tpu.memory_space<hbm>>
        %dma_start3A_581 = arith.constant 0 : i32
        %dma_start3A_582 = tpu.memref_slice %arg7[%select_n3A_574, %dma_start3A_581] : memref<6x120xi32, #tpu.memory_space<vmem>> -> memref<1x120xi32, #tpu.memory_space<vmem>>
        %dma_start3A_583 = tpu.memref_squeeze %dma_start3A_582 : memref<1x120xi32, #tpu.memory_space<vmem>> -> memref<120xi32, #tpu.memory_space<vmem>>
        %dma_start3A_584 = arith.constant 0 : i32
        %dma_start3A_585 = tpu.memref_slice %arg3[%add3A_558, %dma_start3A_584] : memref<2688x120xi32, #tpu.memory_space<hbm>> -> memref<1x120xi32, #tpu.memory_space<hbm>>
        %dma_start3A_586 = tpu.memref_squeeze %dma_start3A_585 : memref<1x120xi32, #tpu.memory_space<hbm>> -> memref<120xi32, #tpu.memory_space<hbm>>
        tpu.enqueue_dma source(%dma_start3A_586 : memref<120xi32, #tpu.memory_space<hbm>>) target(%dma_start3A_583 : memref<120xi32, #tpu.memory_space<vmem>>) target_semaphore(%arg13 : memref<!tpu.dma_semaphore, #tpu.memory_space<semaphore_mem>>)
      } else {
      }
      %add3A_521 = arith.constant 3 : i32
      %add3A_522 = arith.addi %add3A_470, %add3A_521 : i32
      %lt3A_523 = arith.cmpi slt, %add3A_522, %select_n3A : i32
      %convert_element_type3A_524 = arith.extui %lt3A_523 : i1 to i32
      %cond3A_525 = arith.constant 0 : i32
      %cond3A_526 = arith.cmpi ne, %convert_element_type3A_524, %cond3A_525 : i32
      scf.if %cond3A_526 {
        %dma_wait3A_527 = arith.constant 0 : i32
        %dma_wait3A_528 = arith.constant 0 : i32
        %dma_wait3A_529 = tpu.memref_slice %arg6[%dma_wait3A_527, %dma_wait3A_528] : memref<6x120xi32, #tpu.memory_space<vmem>> -> memref<1x120xi32, #tpu.memory_space<vmem>>
        %dma_wait3A_530 = tpu.memref_squeeze %dma_wait3A_529 : memref<1x120xi32, #tpu.memory_space<vmem>> -> memref<120xi32, #tpu.memory_space<vmem>>
        %dma_wait3A_531 = arith.constant 0 : i32
        %dma_wait3A_532 = tpu.memref_slice %arg2[%select_n3A_8, %dma_wait3A_531] : memref<2688x120xi32, #tpu.memory_space<hbm>> -> memref<1x120xi32, #tpu.memory_space<hbm>>
        %dma_wait3A_533 = tpu.memref_squeeze %dma_wait3A_532 : memref<1x120xi32, #tpu.memory_space<hbm>> -> memref<120xi32, #tpu.memory_space<hbm>>
        %dma_wait3A_534 = arith.constant 0 : i32
        %dma_wait3A_535 = tpu.memref_slice %arg6[%dma_wait3A_527, %dma_wait3A_534] : memref<6x120xi32, #tpu.memory_space<vmem>> -> memref<1x120xi32, #tpu.memory_space<vmem>>
        %dma_wait3A_536 = tpu.memref_squeeze %dma_wait3A_535 : memref<1x120xi32, #tpu.memory_space<vmem>> -> memref<120xi32, #tpu.memory_space<vmem>>
        %dma_wait3A_537 = arith.constant 0 : i32
        %dma_wait3A_538 = tpu.memref_slice %arg2[%select_n3A_8, %dma_wait3A_537] : memref<2688x120xi32, #tpu.memory_space<hbm>> -> memref<1x120xi32, #tpu.memory_space<hbm>>
        %dma_wait3A_539 = tpu.memref_squeeze %dma_wait3A_538 : memref<1x120xi32, #tpu.memory_space<hbm>> -> memref<120xi32, #tpu.memory_space<hbm>>
        tpu.wait_dma2 semaphore(%arg13 : memref<!tpu.dma_semaphore, #tpu.memory_space<semaphore_mem>>) src(%dma_wait3A_539 : memref<120xi32, #tpu.memory_space<hbm>>) dst(%dma_wait3A_536 : memref<120xi32, #tpu.memory_space<vmem>>)
        %dma_wait3A_540 = arith.constant 0 : i32
        %dma_wait3A_541 = arith.constant 0 : i32
        %dma_wait3A_542 = tpu.memref_slice %arg7[%dma_wait3A_540, %dma_wait3A_541] : memref<6x120xi32, #tpu.memory_space<vmem>> -> memref<1x120xi32, #tpu.memory_space<vmem>>
        %dma_wait3A_543 = tpu.memref_squeeze %dma_wait3A_542 : memref<1x120xi32, #tpu.memory_space<vmem>> -> memref<120xi32, #tpu.memory_space<vmem>>
        %dma_wait3A_544 = arith.constant 0 : i32
        %dma_wait3A_545 = tpu.memref_slice %arg3[%select_n3A_8, %dma_wait3A_544] : memref<2688x120xi32, #tpu.memory_space<hbm>> -> memref<1x120xi32, #tpu.memory_space<hbm>>
        %dma_wait3A_546 = tpu.memref_squeeze %dma_wait3A_545 : memref<1x120xi32, #tpu.memory_space<hbm>> -> memref<120xi32, #tpu.memory_space<hbm>>
        %dma_wait3A_547 = arith.constant 0 : i32
        %dma_wait3A_548 = tpu.memref_slice %arg7[%dma_wait3A_540, %dma_wait3A_547] : memref<6x120xi32, #tpu.memory_space<vmem>> -> memref<1x120xi32, #tpu.memory_space<vmem>>
        %dma_wait3A_549 = tpu.memref_squeeze %dma_wait3A_548 : memref<1x120xi32, #tpu.memory_space<vmem>> -> memref<120xi32, #tpu.memory_space<vmem>>
        %dma_wait3A_550 = arith.constant 0 : i32
        %dma_wait3A_551 = tpu.memref_slice %arg3[%select_n3A_8, %dma_wait3A_550] : memref<2688x120xi32, #tpu.memory_space<hbm>> -> memref<1x120xi32, #tpu.memory_space<hbm>>
        %dma_wait3A_552 = tpu.memref_squeeze %dma_wait3A_551 : memref<1x120xi32, #tpu.memory_space<hbm>> -> memref<120xi32, #tpu.memory_space<hbm>>
        tpu.wait_dma2 semaphore(%arg13 : memref<!tpu.dma_semaphore, #tpu.memory_space<semaphore_mem>>) src(%dma_wait3A_552 : memref<120xi32, #tpu.memory_space<hbm>>) dst(%dma_wait3A_549 : memref<120xi32, #tpu.memory_space<vmem>>)
        %add3A_553 = arith.constant 3 : i32
        %add3A_554 = arith.addi %add3A_470, %add3A_553 : i32
        %jit3A_555 = arith.constant 6 : i32
        %eq3A_556 = arith.constant 0 : i32
        %eq3A_557 = arith.cmpi eq, %jit3A_555, %eq3A_556 : i32
        %jit3A_558 = arith.constant 1 : i32
        %select_n3A_559 = arith.select %eq3A_557, %jit3A_558, %jit3A_555 : i32
        %rem3A_560 = arith.remsi %add3A_554, %select_n3A_559 : i32
        %ne3A_561 = arith.constant 0 : i32
        %ne3A_562 = arith.cmpi ne, %rem3A_560, %ne3A_561 : i32
        %lt3A_563 = arith.constant 0 : i32
        %lt3A_564 = arith.cmpi slt, %rem3A_560, %lt3A_563 : i32
        %lt3A_565 = arith.constant 0 : i32
        %lt3A_566 = arith.cmpi slt, %select_n3A_559, %lt3A_565 : i32
        %ne3A_567 = arith.xori %lt3A_564, %lt3A_566 : i1
        %and3A_568 = arith.andi %ne3A_567, %ne3A_562 : i1
        %add3A_569 = arith.addi %rem3A_560, %select_n3A_559 : i32
        %select_n3A_570 = arith.select %and3A_568, %add3A_569, %rem3A_560 : i32
        %dma_start3A_571 = arith.constant 2 : i32
        %dma_start3A_572 = arith.constant 0 : i32
        %dma_start3A_573 = arith.constant 0 : i32
        %dma_start3A_574 = tpu.memref_slice %arg8[%dma_start3A_571, %dma_start3A_572, %dma_start3A_573] : memref<3x120x128xf32, #tpu.memory_space<vmem>> -> memref<1x120x128xf32, #tpu.memory_space<vmem>>
        %dma_start3A_575 = tpu.memref_squeeze %dma_start3A_574 : memref<1x120x128xf32, #tpu.memory_space<vmem>> -> memref<120x128xf32, #tpu.memory_space<vmem>>
        %dma_start3A_576 = arith.constant 0 : i32
        %dma_start3A_577 = tpu.memref_slice %arg6[%select_n3A_570, %dma_start3A_576] : memref<6x120xi32, #tpu.memory_space<vmem>> -> memref<1x120xi32, #tpu.memory_space<vmem>>
        %dma_start3A_578 = tpu.memref_squeeze %dma_start3A_577 : memref<1x120xi32, #tpu.memory_space<vmem>> -> memref<120xi32, #tpu.memory_space<vmem>>
        %dma_start3A_579 = arith.constant 0 : i32
        %dma_start3A_580 = arith.constant 0 : i32
        %dma_start3A_581 = tpu.memref_slice %arg4[%dma_start3A_579, %dma_start3A_580] : memref<10240x128xf32, #tpu.memory_space<hbm>> -> memref<10240x128xf32, #tpu.memory_space<hbm>>
        tpu.enqueue_indirect_dma source(%dma_start3A_581 : memref<10240x128xf32, #tpu.memory_space<hbm>>) target(%dma_start3A_575 : memref<120x128xf32, #tpu.memory_space<vmem>>) offsets(%dma_start3A_578 : memref<120xi32, #tpu.memory_space<vmem>>) semaphore(%arg12 : memref<!tpu.dma_semaphore, #tpu.memory_space<semaphore_mem>>)
      } else {
      }
    }
    %while3A_343 = arith.constant 1 : i32
    scf.for %while3A_349 = %while3A_341 to %while3A_337 step %while3A_343  : i32 {
      %mul3A_350 = arith.constant 3 : i32
      %mul3A_351 = arith.muli %while3A_349, %mul3A_350 : i32
      %add3A_352 = arith.constant 0 : i32
      %add3A_353 = arith.addi %mul3A_351, %add3A_352 : i32
      %jit3A_354 = arith.constant 6 : i32
      %eq3A_355 = arith.constant 0 : i32
      %eq3A_356 = arith.cmpi eq, %jit3A_354, %eq3A_355 : i32
      %jit3A_357 = arith.constant 1 : i32
      %select_n3A_358 = arith.select %eq3A_356, %jit3A_357, %jit3A_354 : i32
      %rem3A_359 = arith.remsi %add3A_353, %select_n3A_358 : i32
      %ne3A_360 = arith.constant 0 : i32
      %ne3A_361 = arith.cmpi ne, %rem3A_359, %ne3A_360 : i32
      %lt3A = arith.constant 0 : i32
      %lt3A_362 = arith.cmpi slt, %rem3A_359, %lt3A : i32
      %lt3A_363 = arith.constant 0 : i32
      %lt3A_364 = arith.cmpi slt, %select_n3A_358, %lt3A_363 : i32
      %ne3A_365 = arith.xori %lt3A_362, %lt3A_364 : i1
      %and3A_366 = arith.andi %ne3A_365, %ne3A_361 : i1
      %add3A_367 = arith.addi %rem3A_359, %select_n3A_358 : i32
      %select_n3A_368 = arith.select %and3A_366, %add3A_367, %rem3A_359 : i32
      %dma_wait3A_369 = arith.constant 0 : i32
      %dma_wait3A_370 = arith.constant 0 : i32
      %dma_wait3A_371 = arith.constant 0 : i32
      %dma_wait3A_372 = tpu.memref_slice %arg8[%dma_wait3A_369, %dma_wait3A_370, %dma_wait3A_371] : memref<3x120x128xf32, #tpu.memory_space<vmem>> -> memref<1x120x128xf32, #tpu.memory_space<vmem>>
      %dma_wait3A_373 = tpu.memref_squeeze %dma_wait3A_372 : memref<1x120x128xf32, #tpu.memory_space<vmem>> -> memref<120x128xf32, #tpu.memory_space<vmem>>
      %dma_wait3A_374 = arith.constant 0 : i32
      %dma_wait3A_375 = tpu.memref_slice %arg6[%select_n3A_368, %dma_wait3A_374] : memref<6x120xi32, #tpu.memory_space<vmem>> -> memref<1x120xi32, #tpu.memory_space<vmem>>
      %dma_wait3A_376 = tpu.memref_squeeze %dma_wait3A_375 : memref<1x120xi32, #tpu.memory_space<vmem>> -> memref<120xi32, #tpu.memory_space<vmem>>
      %dma_wait3A_377 = arith.constant 0 : i32
      %dma_wait3A_378 = arith.constant 0 : i32
      %dma_wait3A_379 = tpu.memref_slice %arg4[%dma_wait3A_377, %dma_wait3A_378] : memref<10240x128xf32, #tpu.memory_space<hbm>> -> memref<10240x128xf32, #tpu.memory_space<hbm>>
      tpu.wait_indirect_dma semaphore(%arg10 : memref<!tpu.dma_semaphore, #tpu.memory_space<semaphore_mem>>) src(%dma_wait3A_379 : memref<10240x128xf32, #tpu.memory_space<hbm>>) dst(%dma_wait3A_373 : memref<120x128xf32, #tpu.memory_space<vmem>>)
      %jit3A_380 = arith.constant 6 : i32
      %eq3A_381 = arith.constant 0 : i32
      %eq3A_382 = arith.cmpi eq, %jit3A_380, %eq3A_381 : i32
      %jit3A_383 = arith.constant 1 : i32
      %select_n3A_384 = arith.select %eq3A_382, %jit3A_383, %jit3A_380 : i32
      %rem3A_385 = arith.remsi %add3A_353, %select_n3A_384 : i32
      %ne3A_386 = arith.constant 0 : i32
      %ne3A_387 = arith.cmpi ne, %rem3A_385, %ne3A_386 : i32
      %lt3A_388 = arith.constant 0 : i32
      %lt3A_389 = arith.cmpi slt, %rem3A_385, %lt3A_388 : i32
      %lt3A_390 = arith.constant 0 : i32
      %lt3A_391 = arith.cmpi slt, %select_n3A_384, %lt3A_390 : i32
      %ne3A_392 = arith.xori %lt3A_389, %lt3A_391 : i1
      %and3A_393 = arith.andi %ne3A_392, %ne3A_387 : i1
      %add3A_394 = arith.addi %rem3A_385, %select_n3A_384 : i32
      %select_n3A_395 = arith.select %and3A_393, %add3A_394, %rem3A_385 : i32
      %run_scoped3A_396 = arith.constant 0 : i32
      "tpu.region"() ({
        %run_scoped3A_527 = tpu.sem_alloc : memref<!tpu.dma_semaphore, #tpu.memory_space<semaphore_mem>>
        %dma_start3A_528 = arith.constant 0 : i32
        %dma_start3A_529 = arith.constant 0 : i32
        %dma_start3A_530 = tpu.memref_slice %arg8[%run_scoped3A_396, %dma_start3A_528, %dma_start3A_529] : memref<3x120x128xf32, #tpu.memory_space<vmem>> -> memref<1x120x128xf32, #tpu.memory_space<vmem>>
        %dma_start3A_531 = tpu.memref_squeeze %dma_start3A_530 : memref<1x120x128xf32, #tpu.memory_space<vmem>> -> memref<120x128xf32, #tpu.memory_space<vmem>>
        %dma_start3A_532 = arith.constant 0 : i32
        %dma_start3A_533 = tpu.memref_slice %arg7[%select_n3A_395, %dma_start3A_532] : memref<6x120xi32, #tpu.memory_space<vmem>> -> memref<1x120xi32, #tpu.memory_space<vmem>>
        %dma_start3A_534 = tpu.memref_squeeze %dma_start3A_533 : memref<1x120xi32, #tpu.memory_space<vmem>> -> memref<120xi32, #tpu.memory_space<vmem>>
        %dma_start3A_535 = arith.constant 0 : i32
        %dma_start3A_536 = arith.constant 0 : i32
        %dma_start3A_537 = tpu.memref_slice %arg9[%dma_start3A_535, %dma_start3A_536] : memref<10240x128xf32, #tpu.memory_space<vmem_shared>> -> memref<10240x128xf32, #tpu.memory_space<vmem_shared>>
        tpu.enqueue_indirect_dma source(%dma_start3A_531 : memref<120x128xf32, #tpu.memory_space<vmem>>) target(%dma_start3A_537 : memref<10240x128xf32, #tpu.memory_space<vmem_shared>>) offsets(%dma_start3A_534 : memref<120xi32, #tpu.memory_space<vmem>>) semaphore(%run_scoped3A_527 : memref<!tpu.dma_semaphore, #tpu.memory_space<semaphore_mem>>) {add = true}
        %dma_wait3A_538 = arith.constant 0 : i32
        %dma_wait3A_539 = arith.constant 0 : i32
        %dma_wait3A_540 = tpu.memref_slice %arg8[%run_scoped3A_396, %dma_wait3A_538, %dma_wait3A_539] : memref<3x120x128xf32, #tpu.memory_space<vmem>> -> memref<1x120x128xf32, #tpu.memory_space<vmem>>
        %dma_wait3A_541 = tpu.memref_squeeze %dma_wait3A_540 : memref<1x120x128xf32, #tpu.memory_space<vmem>> -> memref<120x128xf32, #tpu.memory_space<vmem>>
        %dma_wait3A_542 = arith.constant 0 : i32
        %dma_wait3A_543 = tpu.memref_slice %arg7[%select_n3A_395, %dma_wait3A_542] : memref<6x120xi32, #tpu.memory_space<vmem>> -> memref<1x120xi32, #tpu.memory_space<vmem>>
        %dma_wait3A_544 = tpu.memref_squeeze %dma_wait3A_543 : memref<1x120xi32, #tpu.memory_space<vmem>> -> memref<120xi32, #tpu.memory_space<vmem>>
        %dma_wait3A_545 = arith.constant 0 : i32
        %dma_wait3A_546 = arith.constant 0 : i32
        %dma_wait3A_547 = tpu.memref_slice %arg9[%dma_wait3A_545, %dma_wait3A_546] : memref<10240x128xf32, #tpu.memory_space<vmem_shared>> -> memref<10240x128xf32, #tpu.memory_space<vmem_shared>>
        tpu.wait_indirect_dma semaphore(%run_scoped3A_527 : memref<!tpu.dma_semaphore, #tpu.memory_space<semaphore_mem>>) src(%dma_wait3A_541 : memref<120x128xf32, #tpu.memory_space<vmem>>) dst(%dma_wait3A_547 : memref<10240x128xf32, #tpu.memory_space<vmem_shared>>)
        tpu.yield
      }) : () -> ()
      %add3A_397 = arith.constant 6 : i32
      %add3A_398 = arith.addi %add3A_353, %add3A_397 : i32
      %lt3A_399 = arith.cmpi slt, %add3A_398, %select_n3A : i32
      %convert_element_type3A = arith.extui %lt3A_399 : i1 to i32
      %cond3A = arith.constant 0 : i32
      %cond3A_400 = arith.cmpi ne, %convert_element_type3A, %cond3A : i32
      scf.if %cond3A_400 {
        %add3A_527 = arith.constant 6 : i32
        %add3A_528 = arith.addi %add3A_353, %add3A_527 : i32
        %add3A_529 = arith.addi %select_n3A_8, %add3A_528 : i32
        %jit3A_530 = arith.constant 6 : i32
        %eq3A_531 = arith.constant 0 : i32
        %eq3A_532 = arith.cmpi eq, %jit3A_530, %eq3A_531 : i32
        %jit3A_533 = arith.constant 1 : i32
        %select_n3A_534 = arith.select %eq3A_532, %jit3A_533, %jit3A_530 : i32
        %rem3A_535 = arith.remsi %add3A_528, %select_n3A_534 : i32
        %ne3A_536 = arith.constant 0 : i32
        %ne3A_537 = arith.cmpi ne, %rem3A_535, %ne3A_536 : i32
        %lt3A_538 = arith.constant 0 : i32
        %lt3A_539 = arith.cmpi slt, %rem3A_535, %lt3A_538 : i32
        %lt3A_540 = arith.constant 0 : i32
        %lt3A_541 = arith.cmpi slt, %select_n3A_534, %lt3A_540 : i32
        %ne3A_542 = arith.xori %lt3A_539, %lt3A_541 : i1
        %and3A_543 = arith.andi %ne3A_542, %ne3A_537 : i1
        %add3A_544 = arith.addi %rem3A_535, %select_n3A_534 : i32
        %select_n3A_545 = arith.select %and3A_543, %add3A_544, %rem3A_535 : i32
        %dma_start3A_546 = arith.constant 0 : i32
        %dma_start3A_547 = tpu.memref_slice %arg6[%select_n3A_545, %dma_start3A_546] : memref<6x120xi32, #tpu.memory_space<vmem>> -> memref<1x120xi32, #tpu.memory_space<vmem>>
        %dma_start3A_548 = tpu.memref_squeeze %dma_start3A_547 : memref<1x120xi32, #tpu.memory_space<vmem>> -> memref<120xi32, #tpu.memory_space<vmem>>
        %dma_start3A_549 = arith.constant 0 : i32
        %dma_start3A_550 = tpu.memref_slice %arg2[%add3A_529, %dma_start3A_549] : memref<2688x120xi32, #tpu.memory_space<hbm>> -> memref<1x120xi32, #tpu.memory_space<hbm>>
        %dma_start3A_551 = tpu.memref_squeeze %dma_start3A_550 : memref<1x120xi32, #tpu.memory_space<hbm>> -> memref<120xi32, #tpu.memory_space<hbm>>
        %dma_start3A_552 = arith.constant 0 : i32
        %dma_start3A_553 = tpu.memref_slice %arg6[%select_n3A_545, %dma_start3A_552] : memref<6x120xi32, #tpu.memory_space<vmem>> -> memref<1x120xi32, #tpu.memory_space<vmem>>
        %dma_start3A_554 = tpu.memref_squeeze %dma_start3A_553 : memref<1x120xi32, #tpu.memory_space<vmem>> -> memref<120xi32, #tpu.memory_space<vmem>>
        %dma_start3A_555 = arith.constant 0 : i32
        %dma_start3A_556 = tpu.memref_slice %arg2[%add3A_529, %dma_start3A_555] : memref<2688x120xi32, #tpu.memory_space<hbm>> -> memref<1x120xi32, #tpu.memory_space<hbm>>
        %dma_start3A_557 = tpu.memref_squeeze %dma_start3A_556 : memref<1x120xi32, #tpu.memory_space<hbm>> -> memref<120xi32, #tpu.memory_space<hbm>>
        tpu.enqueue_dma source(%dma_start3A_557 : memref<120xi32, #tpu.memory_space<hbm>>) target(%dma_start3A_554 : memref<120xi32, #tpu.memory_space<vmem>>) target_semaphore(%arg13 : memref<!tpu.dma_semaphore, #tpu.memory_space<semaphore_mem>>)
        %add3A_558 = arith.addi %select_n3A_8, %add3A_528 : i32
        %jit3A_559 = arith.constant 6 : i32
        %eq3A_560 = arith.constant 0 : i32
        %eq3A_561 = arith.cmpi eq, %jit3A_559, %eq3A_560 : i32
        %jit3A_562 = arith.constant 1 : i32
        %select_n3A_563 = arith.select %eq3A_561, %jit3A_562, %jit3A_559 : i32
        %rem3A_564 = arith.remsi %add3A_528, %select_n3A_563 : i32
        %ne3A_565 = arith.constant 0 : i32
        %ne3A_566 = arith.cmpi ne, %rem3A_564, %ne3A_565 : i32
        %lt3A_567 = arith.constant 0 : i32
        %lt3A_568 = arith.cmpi slt, %rem3A_564, %lt3A_567 : i32
        %lt3A_569 = arith.constant 0 : i32
        %lt3A_570 = arith.cmpi slt, %select_n3A_563, %lt3A_569 : i32
        %ne3A_571 = arith.xori %lt3A_568, %lt3A_570 : i1
        %and3A_572 = arith.andi %ne3A_571, %ne3A_566 : i1
        %add3A_573 = arith.addi %rem3A_564, %select_n3A_563 : i32
        %select_n3A_574 = arith.select %and3A_572, %add3A_573, %rem3A_564 : i32
        %dma_start3A_575 = arith.constant 0 : i32
        %dma_start3A_576 = tpu.memref_slice %arg7[%select_n3A_574, %dma_start3A_575] : memref<6x120xi32, #tpu.memory_space<vmem>> -> memref<1x120xi32, #tpu.memory_space<vmem>>
        %dma_start3A_577 = tpu.memref_squeeze %dma_start3A_576 : memref<1x120xi32, #tpu.memory_space<vmem>> -> memref<120xi32, #tpu.memory_space<vmem>>
        %dma_start3A_578 = arith.constant 0 : i32
        %dma_start3A_579 = tpu.memref_slice %arg3[%add3A_558, %dma_start3A_578] : memref<2688x120xi32, #tpu.memory_space<hbm>> -> memref<1x120xi32, #tpu.memory_space<hbm>>
        %dma_start3A_580 = tpu.memref_squeeze %dma_start3A_579 : memref<1x120xi32, #tpu.memory_space<hbm>> -> memref<120xi32, #tpu.memory_space<hbm>>
        %dma_start3A_581 = arith.constant 0 : i32
        %dma_start3A_582 = tpu.memref_slice %arg7[%select_n3A_574, %dma_start3A_581] : memref<6x120xi32, #tpu.memory_space<vmem>> -> memref<1x120xi32, #tpu.memory_space<vmem>>
        %dma_start3A_583 = tpu.memref_squeeze %dma_start3A_582 : memref<1x120xi32, #tpu.memory_space<vmem>> -> memref<120xi32, #tpu.memory_space<vmem>>
        %dma_start3A_584 = arith.constant 0 : i32
        %dma_start3A_585 = tpu.memref_slice %arg3[%add3A_558, %dma_start3A_584] : memref<2688x120xi32, #tpu.memory_space<hbm>> -> memref<1x120xi32, #tpu.memory_space<hbm>>
        %dma_start3A_586 = tpu.memref_squeeze %dma_start3A_585 : memref<1x120xi32, #tpu.memory_space<hbm>> -> memref<120xi32, #tpu.memory_space<hbm>>
        tpu.enqueue_dma source(%dma_start3A_586 : memref<120xi32, #tpu.memory_space<hbm>>) target(%dma_start3A_583 : memref<120xi32, #tpu.memory_space<vmem>>) target_semaphore(%arg13 : memref<!tpu.dma_semaphore, #tpu.memory_space<semaphore_mem>>)
      } else {
      }
      %add3A_401 = arith.constant 3 : i32
      %add3A_402 = arith.addi %add3A_353, %add3A_401 : i32
      %lt3A_403 = arith.cmpi slt, %add3A_402, %select_n3A : i32
      %convert_element_type3A_404 = arith.extui %lt3A_403 : i1 to i32
      %cond3A_405 = arith.constant 0 : i32
      %cond3A_406 = arith.cmpi ne, %convert_element_type3A_404, %cond3A_405 : i32
      scf.if %cond3A_406 {
        %dma_wait3A_527 = arith.constant 0 : i32
        %dma_wait3A_528 = arith.constant 0 : i32
        %dma_wait3A_529 = tpu.memref_slice %arg6[%dma_wait3A_527, %dma_wait3A_528] : memref<6x120xi32, #tpu.memory_space<vmem>> -> memref<1x120xi32, #tpu.memory_space<vmem>>
        %dma_wait3A_530 = tpu.memref_squeeze %dma_wait3A_529 : memref<1x120xi32, #tpu.memory_space<vmem>> -> memref<120xi32, #tpu.memory_space<vmem>>
        %dma_wait3A_531 = arith.constant 0 : i32
        %dma_wait3A_532 = tpu.memref_slice %arg2[%select_n3A_8, %dma_wait3A_531] : memref<2688x120xi32, #tpu.memory_space<hbm>> -> memref<1x120xi32, #tpu.memory_space<hbm>>
        %dma_wait3A_533 = tpu.memref_squeeze %dma_wait3A_532 : memref<1x120xi32, #tpu.memory_space<hbm>> -> memref<120xi32, #tpu.memory_space<hbm>>
        %dma_wait3A_534 = arith.constant 0 : i32
        %dma_wait3A_535 = tpu.memref_slice %arg6[%dma_wait3A_527, %dma_wait3A_534] : memref<6x120xi32, #tpu.memory_space<vmem>> -> memref<1x120xi32, #tpu.memory_space<vmem>>
        %dma_wait3A_536 = tpu.memref_squeeze %dma_wait3A_535 : memref<1x120xi32, #tpu.memory_space<vmem>> -> memref<120xi32, #tpu.memory_space<vmem>>
        %dma_wait3A_537 = arith.constant 0 : i32
        %dma_wait3A_538 = tpu.memref_slice %arg2[%select_n3A_8, %dma_wait3A_537] : memref<2688x120xi32, #tpu.memory_space<hbm>> -> memref<1x120xi32, #tpu.memory_space<hbm>>
        %dma_wait3A_539 = tpu.memref_squeeze %dma_wait3A_538 : memref<1x120xi32, #tpu.memory_space<hbm>> -> memref<120xi32, #tpu.memory_space<hbm>>
        tpu.wait_dma2 semaphore(%arg13 : memref<!tpu.dma_semaphore, #tpu.memory_space<semaphore_mem>>) src(%dma_wait3A_539 : memref<120xi32, #tpu.memory_space<hbm>>) dst(%dma_wait3A_536 : memref<120xi32, #tpu.memory_space<vmem>>)
        %dma_wait3A_540 = arith.constant 0 : i32
        %dma_wait3A_541 = arith.constant 0 : i32
        %dma_wait3A_542 = tpu.memref_slice %arg7[%dma_wait3A_540, %dma_wait3A_541] : memref<6x120xi32, #tpu.memory_space<vmem>> -> memref<1x120xi32, #tpu.memory_space<vmem>>
        %dma_wait3A_543 = tpu.memref_squeeze %dma_wait3A_542 : memref<1x120xi32, #tpu.memory_space<vmem>> -> memref<120xi32, #tpu.memory_space<vmem>>
        %dma_wait3A_544 = arith.constant 0 : i32
        %dma_wait3A_545 = tpu.memref_slice %arg3[%select_n3A_8, %dma_wait3A_544] : memref<2688x120xi32, #tpu.memory_space<hbm>> -> memref<1x120xi32, #tpu.memory_space<hbm>>
        %dma_wait3A_546 = tpu.memref_squeeze %dma_wait3A_545 : memref<1x120xi32, #tpu.memory_space<hbm>> -> memref<120xi32, #tpu.memory_space<hbm>>
        %dma_wait3A_547 = arith.constant 0 : i32
        %dma_wait3A_548 = tpu.memref_slice %arg7[%dma_wait3A_540, %dma_wait3A_547] : memref<6x120xi32, #tpu.memory_space<vmem>> -> memref<1x120xi32, #tpu.memory_space<vmem>>
        %dma_wait3A_549 = tpu.memref_squeeze %dma_wait3A_548 : memref<1x120xi32, #tpu.memory_space<vmem>> -> memref<120xi32, #tpu.memory_space<vmem>>
        %dma_wait3A_550 = arith.constant 0 : i32
        %dma_wait3A_551 = tpu.memref_slice %arg3[%select_n3A_8, %dma_wait3A_550] : memref<2688x120xi32, #tpu.memory_space<hbm>> -> memref<1x120xi32, #tpu.memory_space<hbm>>
        %dma_wait3A_552 = tpu.memref_squeeze %dma_wait3A_551 : memref<1x120xi32, #tpu.memory_space<hbm>> -> memref<120xi32, #tpu.memory_space<hbm>>
        tpu.wait_dma2 semaphore(%arg13 : memref<!tpu.dma_semaphore, #tpu.memory_space<semaphore_mem>>) src(%dma_wait3A_552 : memref<120xi32, #tpu.memory_space<hbm>>) dst(%dma_wait3A_549 : memref<120xi32, #tpu.memory_space<vmem>>)
        %add3A_553 = arith.constant 3 : i32
        %add3A_554 = arith.addi %add3A_353, %add3A_553 : i32
        %jit3A_555 = arith.constant 6 : i32
        %eq3A_556 = arith.constant 0 : i32
        %eq3A_557 = arith.cmpi eq, %jit3A_555, %eq3A_556 : i32
        %jit3A_558 = arith.constant 1 : i32
        %select_n3A_559 = arith.select %eq3A_557, %jit3A_558, %jit3A_555 : i32
        %rem3A_560 = arith.remsi %add3A_554, %select_n3A_559 : i32
        %ne3A_561 = arith.constant 0 : i32
        %ne3A_562 = arith.cmpi ne, %rem3A_560, %ne3A_561 : i32
        %lt3A_563 = arith.constant 0 : i32
        %lt3A_564 = arith.cmpi slt, %rem3A_560, %lt3A_563 : i32
        %lt3A_565 = arith.constant 0 : i32
        %lt3A_566 = arith.cmpi slt, %select_n3A_559, %lt3A_565 : i32
        %ne3A_567 = arith.xori %lt3A_564, %lt3A_566 : i1
        %and3A_568 = arith.andi %ne3A_567, %ne3A_562 : i1
        %add3A_569 = arith.addi %rem3A_560, %select_n3A_559 : i32
        %select_n3A_570 = arith.select %and3A_568, %add3A_569, %rem3A_560 : i32
        %dma_start3A_571 = arith.constant 0 : i32
        %dma_start3A_572 = arith.constant 0 : i32
        %dma_start3A_573 = arith.constant 0 : i32
        %dma_start3A_574 = tpu.memref_slice %arg8[%dma_start3A_571, %dma_start3A_572, %dma_start3A_573] : memref<3x120x128xf32, #tpu.memory_space<vmem>> -> memref<1x120x128xf32, #tpu.memory_space<vmem>>
        %dma_start3A_575 = tpu.memref_squeeze %dma_start3A_574 : memref<1x120x128xf32, #tpu.memory_space<vmem>> -> memref<120x128xf32, #tpu.memory_space<vmem>>
        %dma_start3A_576 = arith.constant 0 : i32
        %dma_start3A_577 = tpu.memref_slice %arg6[%select_n3A_570, %dma_start3A_576] : memref<6x120xi32, #tpu.memory_space<vmem>> -> memref<1x120xi32, #tpu.memory_space<vmem>>
        %dma_start3A_578 = tpu.memref_squeeze %dma_start3A_577 : memref<1x120xi32, #tpu.memory_space<vmem>> -> memref<120xi32, #tpu.memory_space<vmem>>
        %dma_start3A_579 = arith.constant 0 : i32
        %dma_start3A_580 = arith.constant 0 : i32
        %dma_start3A_581 = tpu.memref_slice %arg4[%dma_start3A_579, %dma_start3A_580] : memref<10240x128xf32, #tpu.memory_space<hbm>> -> memref<10240x128xf32, #tpu.memory_space<hbm>>
        tpu.enqueue_indirect_dma source(%dma_start3A_581 : memref<10240x128xf32, #tpu.memory_space<hbm>>) target(%dma_start3A_575 : memref<120x128xf32, #tpu.memory_space<vmem>>) offsets(%dma_start3A_578 : memref<120xi32, #tpu.memory_space<vmem>>) semaphore(%arg10 : memref<!tpu.dma_semaphore, #tpu.memory_space<semaphore_mem>>)
      } else {
      }
      %mul3A_407 = arith.constant 3 : i32
      %mul3A_408 = arith.muli %while3A_349, %mul3A_407 : i32
      %add3A_409 = arith.constant 1 : i32
      %add3A_410 = arith.addi %mul3A_408, %add3A_409 : i32
      %jit3A_411 = arith.constant 6 : i32
      %eq3A_412 = arith.constant 0 : i32
      %eq3A_413 = arith.cmpi eq, %jit3A_411, %eq3A_412 : i32
      %jit3A_414 = arith.constant 1 : i32
      %select_n3A_415 = arith.select %eq3A_413, %jit3A_414, %jit3A_411 : i32
      %rem3A_416 = arith.remsi %add3A_410, %select_n3A_415 : i32
      %ne3A_417 = arith.constant 0 : i32
      %ne3A_418 = arith.cmpi ne, %rem3A_416, %ne3A_417 : i32
      %lt3A_419 = arith.constant 0 : i32
      %lt3A_420 = arith.cmpi slt, %rem3A_416, %lt3A_419 : i32
      %lt3A_421 = arith.constant 0 : i32
      %lt3A_422 = arith.cmpi slt, %select_n3A_415, %lt3A_421 : i32
      %ne3A_423 = arith.xori %lt3A_420, %lt3A_422 : i1
      %and3A_424 = arith.andi %ne3A_423, %ne3A_418 : i1
      %add3A_425 = arith.addi %rem3A_416, %select_n3A_415 : i32
      %select_n3A_426 = arith.select %and3A_424, %add3A_425, %rem3A_416 : i32
      %dma_wait3A_427 = arith.constant 1 : i32
      %dma_wait3A_428 = arith.constant 0 : i32
      %dma_wait3A_429 = arith.constant 0 : i32
      %dma_wait3A_430 = tpu.memref_slice %arg8[%dma_wait3A_427, %dma_wait3A_428, %dma_wait3A_429] : memref<3x120x128xf32, #tpu.memory_space<vmem>> -> memref<1x120x128xf32, #tpu.memory_space<vmem>>
      %dma_wait3A_431 = tpu.memref_squeeze %dma_wait3A_430 : memref<1x120x128xf32, #tpu.memory_space<vmem>> -> memref<120x128xf32, #tpu.memory_space<vmem>>
      %dma_wait3A_432 = arith.constant 0 : i32
      %dma_wait3A_433 = tpu.memref_slice %arg6[%select_n3A_426, %dma_wait3A_432] : memref<6x120xi32, #tpu.memory_space<vmem>> -> memref<1x120xi32, #tpu.memory_space<vmem>>
      %dma_wait3A_434 = tpu.memref_squeeze %dma_wait3A_433 : memref<1x120xi32, #tpu.memory_space<vmem>> -> memref<120xi32, #tpu.memory_space<vmem>>
      %dma_wait3A_435 = arith.constant 0 : i32
      %dma_wait3A_436 = arith.constant 0 : i32
      %dma_wait3A_437 = tpu.memref_slice %arg4[%dma_wait3A_435, %dma_wait3A_436] : memref<10240x128xf32, #tpu.memory_space<hbm>> -> memref<10240x128xf32, #tpu.memory_space<hbm>>
      tpu.wait_indirect_dma semaphore(%arg11 : memref<!tpu.dma_semaphore, #tpu.memory_space<semaphore_mem>>) src(%dma_wait3A_437 : memref<10240x128xf32, #tpu.memory_space<hbm>>) dst(%dma_wait3A_431 : memref<120x128xf32, #tpu.memory_space<vmem>>)
      %jit3A_438 = arith.constant 6 : i32
      %eq3A_439 = arith.constant 0 : i32
      %eq3A_440 = arith.cmpi eq, %jit3A_438, %eq3A_439 : i32
      %jit3A_441 = arith.constant 1 : i32
      %select_n3A_442 = arith.select %eq3A_440, %jit3A_441, %jit3A_438 : i32
      %rem3A_443 = arith.remsi %add3A_410, %select_n3A_442 : i32
      %ne3A_444 = arith.constant 0 : i32
      %ne3A_445 = arith.cmpi ne, %rem3A_443, %ne3A_444 : i32
      %lt3A_446 = arith.constant 0 : i32
      %lt3A_447 = arith.cmpi slt, %rem3A_443, %lt3A_446 : i32
      %lt3A_448 = arith.constant 0 : i32
      %lt3A_449 = arith.cmpi slt, %select_n3A_442, %lt3A_448 : i32
      %ne3A_450 = arith.xori %lt3A_447, %lt3A_449 : i1
      %and3A_451 = arith.andi %ne3A_450, %ne3A_445 : i1
      %add3A_452 = arith.addi %rem3A_443, %select_n3A_442 : i32
      %select_n3A_453 = arith.select %and3A_451, %add3A_452, %rem3A_443 : i32
      %run_scoped3A_454 = arith.constant 1 : i32
      "tpu.region"() ({
        %run_scoped3A_527 = tpu.sem_alloc : memref<!tpu.dma_semaphore, #tpu.memory_space<semaphore_mem>>
        %dma_start3A_528 = arith.constant 0 : i32
        %dma_start3A_529 = arith.constant 0 : i32
        %dma_start3A_530 = tpu.memref_slice %arg8[%run_scoped3A_454, %dma_start3A_528, %dma_start3A_529] : memref<3x120x128xf32, #tpu.memory_space<vmem>> -> memref<1x120x128xf32, #tpu.memory_space<vmem>>
        %dma_start3A_531 = tpu.memref_squeeze %dma_start3A_530 : memref<1x120x128xf32, #tpu.memory_space<vmem>> -> memref<120x128xf32, #tpu.memory_space<vmem>>
        %dma_start3A_532 = arith.constant 0 : i32
        %dma_start3A_533 = tpu.memref_slice %arg7[%select_n3A_453, %dma_start3A_532] : memref<6x120xi32, #tpu.memory_space<vmem>> -> memref<1x120xi32, #tpu.memory_space<vmem>>
        %dma_start3A_534 = tpu.memref_squeeze %dma_start3A_533 : memref<1x120xi32, #tpu.memory_space<vmem>> -> memref<120xi32, #tpu.memory_space<vmem>>
        %dma_start3A_535 = arith.constant 0 : i32
        %dma_start3A_536 = arith.constant 0 : i32
        %dma_start3A_537 = tpu.memref_slice %arg9[%dma_start3A_535, %dma_start3A_536] : memref<10240x128xf32, #tpu.memory_space<vmem_shared>> -> memref<10240x128xf32, #tpu.memory_space<vmem_shared>>
        tpu.enqueue_indirect_dma source(%dma_start3A_531 : memref<120x128xf32, #tpu.memory_space<vmem>>) target(%dma_start3A_537 : memref<10240x128xf32, #tpu.memory_space<vmem_shared>>) offsets(%dma_start3A_534 : memref<120xi32, #tpu.memory_space<vmem>>) semaphore(%run_scoped3A_527 : memref<!tpu.dma_semaphore, #tpu.memory_space<semaphore_mem>>) {add = true}
        %dma_wait3A_538 = arith.constant 0 : i32
        %dma_wait3A_539 = arith.constant 0 : i32
        %dma_wait3A_540 = tpu.memref_slice %arg8[%run_scoped3A_454, %dma_wait3A_538, %dma_wait3A_539] : memref<3x120x128xf32, #tpu.memory_space<vmem>> -> memref<1x120x128xf32, #tpu.memory_space<vmem>>
        %dma_wait3A_541 = tpu.memref_squeeze %dma_wait3A_540 : memref<1x120x128xf32, #tpu.memory_space<vmem>> -> memref<120x128xf32, #tpu.memory_space<vmem>>
        %dma_wait3A_542 = arith.constant 0 : i32
        %dma_wait3A_543 = tpu.memref_slice %arg7[%select_n3A_453, %dma_wait3A_542] : memref<6x120xi32, #tpu.memory_space<vmem>> -> memref<1x120xi32, #tpu.memory_space<vmem>>
        %dma_wait3A_544 = tpu.memref_squeeze %dma_wait3A_543 : memref<1x120xi32, #tpu.memory_space<vmem>> -> memref<120xi32, #tpu.memory_space<vmem>>
        %dma_wait3A_545 = arith.constant 0 : i32
        %dma_wait3A_546 = arith.constant 0 : i32
        %dma_wait3A_547 = tpu.memref_slice %arg9[%dma_wait3A_545, %dma_wait3A_546] : memref<10240x128xf32, #tpu.memory_space<vmem_shared>> -> memref<10240x128xf32, #tpu.memory_space<vmem_shared>>
        tpu.wait_indirect_dma semaphore(%run_scoped3A_527 : memref<!tpu.dma_semaphore, #tpu.memory_space<semaphore_mem>>) src(%dma_wait3A_541 : memref<120x128xf32, #tpu.memory_space<vmem>>) dst(%dma_wait3A_547 : memref<10240x128xf32, #tpu.memory_space<vmem_shared>>)
        tpu.yield
      }) : () -> ()
      %add3A_455 = arith.constant 6 : i32
      %add3A_456 = arith.addi %add3A_410, %add3A_455 : i32
      %lt3A_457 = arith.cmpi slt, %add3A_456, %select_n3A : i32
      %convert_element_type3A_458 = arith.extui %lt3A_457 : i1 to i32
      %cond3A_459 = arith.constant 0 : i32
      %cond3A_460 = arith.cmpi ne, %convert_element_type3A_458, %cond3A_459 : i32
      scf.if %cond3A_460 {
        %add3A_527 = arith.constant 6 : i32
        %add3A_528 = arith.addi %add3A_410, %add3A_527 : i32
        %add3A_529 = arith.addi %select_n3A_8, %add3A_528 : i32
        %jit3A_530 = arith.constant 6 : i32
        %eq3A_531 = arith.constant 0 : i32
        %eq3A_532 = arith.cmpi eq, %jit3A_530, %eq3A_531 : i32
        %jit3A_533 = arith.constant 1 : i32
        %select_n3A_534 = arith.select %eq3A_532, %jit3A_533, %jit3A_530 : i32
        %rem3A_535 = arith.remsi %add3A_528, %select_n3A_534 : i32
        %ne3A_536 = arith.constant 0 : i32
        %ne3A_537 = arith.cmpi ne, %rem3A_535, %ne3A_536 : i32
        %lt3A_538 = arith.constant 0 : i32
        %lt3A_539 = arith.cmpi slt, %rem3A_535, %lt3A_538 : i32
        %lt3A_540 = arith.constant 0 : i32
        %lt3A_541 = arith.cmpi slt, %select_n3A_534, %lt3A_540 : i32
        %ne3A_542 = arith.xori %lt3A_539, %lt3A_541 : i1
        %and3A_543 = arith.andi %ne3A_542, %ne3A_537 : i1
        %add3A_544 = arith.addi %rem3A_535, %select_n3A_534 : i32
        %select_n3A_545 = arith.select %and3A_543, %add3A_544, %rem3A_535 : i32
        %dma_start3A_546 = arith.constant 0 : i32
        %dma_start3A_547 = tpu.memref_slice %arg6[%select_n3A_545, %dma_start3A_546] : memref<6x120xi32, #tpu.memory_space<vmem>> -> memref<1x120xi32, #tpu.memory_space<vmem>>
        %dma_start3A_548 = tpu.memref_squeeze %dma_start3A_547 : memref<1x120xi32, #tpu.memory_space<vmem>> -> memref<120xi32, #tpu.memory_space<vmem>>
        %dma_start3A_549 = arith.constant 0 : i32
        %dma_start3A_550 = tpu.memref_slice %arg2[%add3A_529, %dma_start3A_549] : memref<2688x120xi32, #tpu.memory_space<hbm>> -> memref<1x120xi32, #tpu.memory_space<hbm>>
        %dma_start3A_551 = tpu.memref_squeeze %dma_start3A_550 : memref<1x120xi32, #tpu.memory_space<hbm>> -> memref<120xi32, #tpu.memory_space<hbm>>
        %dma_start3A_552 = arith.constant 0 : i32
        %dma_start3A_553 = tpu.memref_slice %arg6[%select_n3A_545, %dma_start3A_552] : memref<6x120xi32, #tpu.memory_space<vmem>> -> memref<1x120xi32, #tpu.memory_space<vmem>>
        %dma_start3A_554 = tpu.memref_squeeze %dma_start3A_553 : memref<1x120xi32, #tpu.memory_space<vmem>> -> memref<120xi32, #tpu.memory_space<vmem>>
        %dma_start3A_555 = arith.constant 0 : i32
        %dma_start3A_556 = tpu.memref_slice %arg2[%add3A_529, %dma_start3A_555] : memref<2688x120xi32, #tpu.memory_space<hbm>> -> memref<1x120xi32, #tpu.memory_space<hbm>>
        %dma_start3A_557 = tpu.memref_squeeze %dma_start3A_556 : memref<1x120xi32, #tpu.memory_space<hbm>> -> memref<120xi32, #tpu.memory_space<hbm>>
        tpu.enqueue_dma source(%dma_start3A_557 : memref<120xi32, #tpu.memory_space<hbm>>) target(%dma_start3A_554 : memref<120xi32, #tpu.memory_space<vmem>>) target_semaphore(%arg13 : memref<!tpu.dma_semaphore, #tpu.memory_space<semaphore_mem>>)
        %add3A_558 = arith.addi %select_n3A_8, %add3A_528 : i32
        %jit3A_559 = arith.constant 6 : i32
        %eq3A_560 = arith.constant 0 : i32
        %eq3A_561 = arith.cmpi eq, %jit3A_559, %eq3A_560 : i32
        %jit3A_562 = arith.constant 1 : i32
        %select_n3A_563 = arith.select %eq3A_561, %jit3A_562, %jit3A_559 : i32
        %rem3A_564 = arith.remsi %add3A_528, %select_n3A_563 : i32
        %ne3A_565 = arith.constant 0 : i32
        %ne3A_566 = arith.cmpi ne, %rem3A_564, %ne3A_565 : i32
        %lt3A_567 = arith.constant 0 : i32
        %lt3A_568 = arith.cmpi slt, %rem3A_564, %lt3A_567 : i32
        %lt3A_569 = arith.constant 0 : i32
        %lt3A_570 = arith.cmpi slt, %select_n3A_563, %lt3A_569 : i32
        %ne3A_571 = arith.xori %lt3A_568, %lt3A_570 : i1
        %and3A_572 = arith.andi %ne3A_571, %ne3A_566 : i1
        %add3A_573 = arith.addi %rem3A_564, %select_n3A_563 : i32
        %select_n3A_574 = arith.select %and3A_572, %add3A_573, %rem3A_564 : i32
        %dma_start3A_575 = arith.constant 0 : i32
        %dma_start3A_576 = tpu.memref_slice %arg7[%select_n3A_574, %dma_start3A_575] : memref<6x120xi32, #tpu.memory_space<vmem>> -> memref<1x120xi32, #tpu.memory_space<vmem>>
        %dma_start3A_577 = tpu.memref_squeeze %dma_start3A_576 : memref<1x120xi32, #tpu.memory_space<vmem>> -> memref<120xi32, #tpu.memory_space<vmem>>
        %dma_start3A_578 = arith.constant 0 : i32
        %dma_start3A_579 = tpu.memref_slice %arg3[%add3A_558, %dma_start3A_578] : memref<2688x120xi32, #tpu.memory_space<hbm>> -> memref<1x120xi32, #tpu.memory_space<hbm>>
        %dma_start3A_580 = tpu.memref_squeeze %dma_start3A_579 : memref<1x120xi32, #tpu.memory_space<hbm>> -> memref<120xi32, #tpu.memory_space<hbm>>
        %dma_start3A_581 = arith.constant 0 : i32
        %dma_start3A_582 = tpu.memref_slice %arg7[%select_n3A_574, %dma_start3A_581] : memref<6x120xi32, #tpu.memory_space<vmem>> -> memref<1x120xi32, #tpu.memory_space<vmem>>
        %dma_start3A_583 = tpu.memref_squeeze %dma_start3A_582 : memref<1x120xi32, #tpu.memory_space<vmem>> -> memref<120xi32, #tpu.memory_space<vmem>>
        %dma_start3A_584 = arith.constant 0 : i32
        %dma_start3A_585 = tpu.memref_slice %arg3[%add3A_558, %dma_start3A_584] : memref<2688x120xi32, #tpu.memory_space<hbm>> -> memref<1x120xi32, #tpu.memory_space<hbm>>
        %dma_start3A_586 = tpu.memref_squeeze %dma_start3A_585 : memref<1x120xi32, #tpu.memory_space<hbm>> -> memref<120xi32, #tpu.memory_space<hbm>>
        tpu.enqueue_dma source(%dma_start3A_586 : memref<120xi32, #tpu.memory_space<hbm>>) target(%dma_start3A_583 : memref<120xi32, #tpu.memory_space<vmem>>) target_semaphore(%arg13 : memref<!tpu.dma_semaphore, #tpu.memory_space<semaphore_mem>>)
      } else {
      }
      %add3A_461 = arith.constant 3 : i32
      %add3A_462 = arith.addi %add3A_410, %add3A_461 : i32
      %lt3A_463 = arith.cmpi slt, %add3A_462, %select_n3A : i32
      %convert_element_type3A_464 = arith.extui %lt3A_463 : i1 to i32
      %cond3A_465 = arith.constant 0 : i32
      %cond3A_466 = arith.cmpi ne, %convert_element_type3A_464, %cond3A_465 : i32
      scf.if %cond3A_466 {
        %dma_wait3A_527 = arith.constant 0 : i32
        %dma_wait3A_528 = arith.constant 0 : i32
        %dma_wait3A_529 = tpu.memref_slice %arg6[%dma_wait3A_527, %dma_wait3A_528] : memref<6x120xi32, #tpu.memory_space<vmem>> -> memref<1x120xi32, #tpu.memory_space<vmem>>
        %dma_wait3A_530 = tpu.memref_squeeze %dma_wait3A_529 : memref<1x120xi32, #tpu.memory_space<vmem>> -> memref<120xi32, #tpu.memory_space<vmem>>
        %dma_wait3A_531 = arith.constant 0 : i32
        %dma_wait3A_532 = tpu.memref_slice %arg2[%select_n3A_8, %dma_wait3A_531] : memref<2688x120xi32, #tpu.memory_space<hbm>> -> memref<1x120xi32, #tpu.memory_space<hbm>>
        %dma_wait3A_533 = tpu.memref_squeeze %dma_wait3A_532 : memref<1x120xi32, #tpu.memory_space<hbm>> -> memref<120xi32, #tpu.memory_space<hbm>>
        %dma_wait3A_534 = arith.constant 0 : i32
        %dma_wait3A_535 = tpu.memref_slice %arg6[%dma_wait3A_527, %dma_wait3A_534] : memref<6x120xi32, #tpu.memory_space<vmem>> -> memref<1x120xi32, #tpu.memory_space<vmem>>
        %dma_wait3A_536 = tpu.memref_squeeze %dma_wait3A_535 : memref<1x120xi32, #tpu.memory_space<vmem>> -> memref<120xi32, #tpu.memory_space<vmem>>
        %dma_wait3A_537 = arith.constant 0 : i32
        %dma_wait3A_538 = tpu.memref_slice %arg2[%select_n3A_8, %dma_wait3A_537] : memref<2688x120xi32, #tpu.memory_space<hbm>> -> memref<1x120xi32, #tpu.memory_space<hbm>>
        %dma_wait3A_539 = tpu.memref_squeeze %dma_wait3A_538 : memref<1x120xi32, #tpu.memory_space<hbm>> -> memref<120xi32, #tpu.memory_space<hbm>>
        tpu.wait_dma2 semaphore(%arg13 : memref<!tpu.dma_semaphore, #tpu.memory_space<semaphore_mem>>) src(%dma_wait3A_539 : memref<120xi32, #tpu.memory_space<hbm>>) dst(%dma_wait3A_536 : memref<120xi32, #tpu.memory_space<vmem>>)
        %dma_wait3A_540 = arith.constant 0 : i32
        %dma_wait3A_541 = arith.constant 0 : i32
        %dma_wait3A_542 = tpu.memref_slice %arg7[%dma_wait3A_540, %dma_wait3A_541] : memref<6x120xi32, #tpu.memory_space<vmem>> -> memref<1x120xi32, #tpu.memory_space<vmem>>
        %dma_wait3A_543 = tpu.memref_squeeze %dma_wait3A_542 : memref<1x120xi32, #tpu.memory_space<vmem>> -> memref<120xi32, #tpu.memory_space<vmem>>
        %dma_wait3A_544 = arith.constant 0 : i32
        %dma_wait3A_545 = tpu.memref_slice %arg3[%select_n3A_8, %dma_wait3A_544] : memref<2688x120xi32, #tpu.memory_space<hbm>> -> memref<1x120xi32, #tpu.memory_space<hbm>>
        %dma_wait3A_546 = tpu.memref_squeeze %dma_wait3A_545 : memref<1x120xi32, #tpu.memory_space<hbm>> -> memref<120xi32, #tpu.memory_space<hbm>>
        %dma_wait3A_547 = arith.constant 0 : i32
        %dma_wait3A_548 = tpu.memref_slice %arg7[%dma_wait3A_540, %dma_wait3A_547] : memref<6x120xi32, #tpu.memory_space<vmem>> -> memref<1x120xi32, #tpu.memory_space<vmem>>
        %dma_wait3A_549 = tpu.memref_squeeze %dma_wait3A_548 : memref<1x120xi32, #tpu.memory_space<vmem>> -> memref<120xi32, #tpu.memory_space<vmem>>
        %dma_wait3A_550 = arith.constant 0 : i32
        %dma_wait3A_551 = tpu.memref_slice %arg3[%select_n3A_8, %dma_wait3A_550] : memref<2688x120xi32, #tpu.memory_space<hbm>> -> memref<1x120xi32, #tpu.memory_space<hbm>>
        %dma_wait3A_552 = tpu.memref_squeeze %dma_wait3A_551 : memref<1x120xi32, #tpu.memory_space<hbm>> -> memref<120xi32, #tpu.memory_space<hbm>>
        tpu.wait_dma2 semaphore(%arg13 : memref<!tpu.dma_semaphore, #tpu.memory_space<semaphore_mem>>) src(%dma_wait3A_552 : memref<120xi32, #tpu.memory_space<hbm>>) dst(%dma_wait3A_549 : memref<120xi32, #tpu.memory_space<vmem>>)
        %add3A_553 = arith.constant 3 : i32
        %add3A_554 = arith.addi %add3A_410, %add3A_553 : i32
        %jit3A_555 = arith.constant 6 : i32
        %eq3A_556 = arith.constant 0 : i32
        %eq3A_557 = arith.cmpi eq, %jit3A_555, %eq3A_556 : i32
        %jit3A_558 = arith.constant 1 : i32
        %select_n3A_559 = arith.select %eq3A_557, %jit3A_558, %jit3A_555 : i32
        %rem3A_560 = arith.remsi %add3A_554, %select_n3A_559 : i32
        %ne3A_561 = arith.constant 0 : i32
        %ne3A_562 = arith.cmpi ne, %rem3A_560, %ne3A_561 : i32
        %lt3A_563 = arith.constant 0 : i32
        %lt3A_564 = arith.cmpi slt, %rem3A_560, %lt3A_563 : i32
        %lt3A_565 = arith.constant 0 : i32
        %lt3A_566 = arith.cmpi slt, %select_n3A_559, %lt3A_565 : i32
        %ne3A_567 = arith.xori %lt3A_564, %lt3A_566 : i1
        %and3A_568 = arith.andi %ne3A_567, %ne3A_562 : i1
        %add3A_569 = arith.addi %rem3A_560, %select_n3A_559 : i32
        %select_n3A_570 = arith.select %and3A_568, %add3A_569, %rem3A_560 : i32
        %dma_start3A_571 = arith.constant 1 : i32
        %dma_start3A_572 = arith.constant 0 : i32
        %dma_start3A_573 = arith.constant 0 : i32
        %dma_start3A_574 = tpu.memref_slice %arg8[%dma_start3A_571, %dma_start3A_572, %dma_start3A_573] : memref<3x120x128xf32, #tpu.memory_space<vmem>> -> memref<1x120x128xf32, #tpu.memory_space<vmem>>
        %dma_start3A_575 = tpu.memref_squeeze %dma_start3A_574 : memref<1x120x128xf32, #tpu.memory_space<vmem>> -> memref<120x128xf32, #tpu.memory_space<vmem>>
        %dma_start3A_576 = arith.constant 0 : i32
        %dma_start3A_577 = tpu.memref_slice %arg6[%select_n3A_570, %dma_start3A_576] : memref<6x120xi32, #tpu.memory_space<vmem>> -> memref<1x120xi32, #tpu.memory_space<vmem>>
        %dma_start3A_578 = tpu.memref_squeeze %dma_start3A_577 : memref<1x120xi32, #tpu.memory_space<vmem>> -> memref<120xi32, #tpu.memory_space<vmem>>
        %dma_start3A_579 = arith.constant 0 : i32
        %dma_start3A_580 = arith.constant 0 : i32
        %dma_start3A_581 = tpu.memref_slice %arg4[%dma_start3A_579, %dma_start3A_580] : memref<10240x128xf32, #tpu.memory_space<hbm>> -> memref<10240x128xf32, #tpu.memory_space<hbm>>
        tpu.enqueue_indirect_dma source(%dma_start3A_581 : memref<10240x128xf32, #tpu.memory_space<hbm>>) target(%dma_start3A_575 : memref<120x128xf32, #tpu.memory_space<vmem>>) offsets(%dma_start3A_578 : memref<120xi32, #tpu.memory_space<vmem>>) semaphore(%arg11 : memref<!tpu.dma_semaphore, #tpu.memory_space<semaphore_mem>>)
      } else {
      }
      %mul3A_467 = arith.constant 3 : i32
      %mul3A_468 = arith.muli %while3A_349, %mul3A_467 : i32
      %add3A_469 = arith.constant 2 : i32
      %add3A_470 = arith.addi %mul3A_468, %add3A_469 : i32
      %jit3A_471 = arith.constant 6 : i32
      %eq3A_472 = arith.constant 0 : i32
      %eq3A_473 = arith.cmpi eq, %jit3A_471, %eq3A_472 : i32
      %jit3A_474 = arith.constant 1 : i32
      %select_n3A_475 = arith.select %eq3A_473, %jit3A_474, %jit3A_471 : i32
      %rem3A_476 = arith.remsi %add3A_470, %select_n3A_475 : i32
      %ne3A_477 = arith.constant 0 : i32
      %ne3A_478 = arith.cmpi ne, %rem3A_476, %ne3A_477 : i32
      %lt3A_479 = arith.constant 0 : i32
      %lt3A_480 = arith.cmpi slt, %rem3A_476, %lt3A_479 : i32
      %lt3A_481 = arith.constant 0 : i32
      %lt3A_482 = arith.cmpi slt, %select_n3A_475, %lt3A_481 : i32
      %ne3A_483 = arith.xori %lt3A_480, %lt3A_482 : i1
      %and3A_484 = arith.andi %ne3A_483, %ne3A_478 : i1
      %add3A_485 = arith.addi %rem3A_476, %select_n3A_475 : i32
      %select_n3A_486 = arith.select %and3A_484, %add3A_485, %rem3A_476 : i32
      %dma_wait3A_487 = arith.constant 2 : i32
      %dma_wait3A_488 = arith.constant 0 : i32
      %dma_wait3A_489 = arith.constant 0 : i32
      %dma_wait3A_490 = tpu.memref_slice %arg8[%dma_wait3A_487, %dma_wait3A_488, %dma_wait3A_489] : memref<3x120x128xf32, #tpu.memory_space<vmem>> -> memref<1x120x128xf32, #tpu.memory_space<vmem>>
      %dma_wait3A_491 = tpu.memref_squeeze %dma_wait3A_490 : memref<1x120x128xf32, #tpu.memory_space<vmem>> -> memref<120x128xf32, #tpu.memory_space<vmem>>
      %dma_wait3A_492 = arith.constant 0 : i32
      %dma_wait3A_493 = tpu.memref_slice %arg6[%select_n3A_486, %dma_wait3A_492] : memref<6x120xi32, #tpu.memory_space<vmem>> -> memref<1x120xi32, #tpu.memory_space<vmem>>
      %dma_wait3A_494 = tpu.memref_squeeze %dma_wait3A_493 : memref<1x120xi32, #tpu.memory_space<vmem>> -> memref<120xi32, #tpu.memory_space<vmem>>
      %dma_wait3A_495 = arith.constant 0 : i32
      %dma_wait3A_496 = arith.constant 0 : i32
      %dma_wait3A_497 = tpu.memref_slice %arg4[%dma_wait3A_495, %dma_wait3A_496] : memref<10240x128xf32, #tpu.memory_space<hbm>> -> memref<10240x128xf32, #tpu.memory_space<hbm>>
      tpu.wait_indirect_dma semaphore(%arg12 : memref<!tpu.dma_semaphore, #tpu.memory_space<semaphore_mem>>) src(%dma_wait3A_497 : memref<10240x128xf32, #tpu.memory_space<hbm>>) dst(%dma_wait3A_491 : memref<120x128xf32, #tpu.memory_space<vmem>>)
      %jit3A_498 = arith.constant 6 : i32
      %eq3A_499 = arith.constant 0 : i32
      %eq3A_500 = arith.cmpi eq, %jit3A_498, %eq3A_499 : i32
      %jit3A_501 = arith.constant 1 : i32
      %select_n3A_502 = arith.select %eq3A_500, %jit3A_501, %jit3A_498 : i32
      %rem3A_503 = arith.remsi %add3A_470, %select_n3A_502 : i32
      %ne3A_504 = arith.constant 0 : i32
      %ne3A_505 = arith.cmpi ne, %rem3A_503, %ne3A_504 : i32
      %lt3A_506 = arith.constant 0 : i32
      %lt3A_507 = arith.cmpi slt, %rem3A_503, %lt3A_506 : i32
      %lt3A_508 = arith.constant 0 : i32
      %lt3A_509 = arith.cmpi slt, %select_n3A_502, %lt3A_508 : i32
      %ne3A_510 = arith.xori %lt3A_507, %lt3A_509 : i1
      %and3A_511 = arith.andi %ne3A_510, %ne3A_505 : i1
      %add3A_512 = arith.addi %rem3A_503, %select_n3A_502 : i32
      %select_n3A_513 = arith.select %and3A_511, %add3A_512, %rem3A_503 : i32
      %run_scoped3A_514 = arith.constant 2 : i32
      "tpu.region"() ({
        %run_scoped3A_527 = tpu.sem_alloc : memref<!tpu.dma_semaphore, #tpu.memory_space<semaphore_mem>>
        %dma_start3A_528 = arith.constant 0 : i32
        %dma_start3A_529 = arith.constant 0 : i32
        %dma_start3A_530 = tpu.memref_slice %arg8[%run_scoped3A_514, %dma_start3A_528, %dma_start3A_529] : memref<3x120x128xf32, #tpu.memory_space<vmem>> -> memref<1x120x128xf32, #tpu.memory_space<vmem>>
        %dma_start3A_531 = tpu.memref_squeeze %dma_start3A_530 : memref<1x120x128xf32, #tpu.memory_space<vmem>> -> memref<120x128xf32, #tpu.memory_space<vmem>>
        %dma_start3A_532 = arith.constant 0 : i32
        %dma_start3A_533 = tpu.memref_slice %arg7[%select_n3A_513, %dma_start3A_532] : memref<6x120xi32, #tpu.memory_space<vmem>> -> memref<1x120xi32, #tpu.memory_space<vmem>>
        %dma_start3A_534 = tpu.memref_squeeze %dma_start3A_533 : memref<1x120xi32, #tpu.memory_space<vmem>> -> memref<120xi32, #tpu.memory_space<vmem>>
        %dma_start3A_535 = arith.constant 0 : i32
        %dma_start3A_536 = arith.constant 0 : i32
        %dma_start3A_537 = tpu.memref_slice %arg9[%dma_start3A_535, %dma_start3A_536] : memref<10240x128xf32, #tpu.memory_space<vmem_shared>> -> memref<10240x128xf32, #tpu.memory_space<vmem_shared>>
        tpu.enqueue_indirect_dma source(%dma_start3A_531 : memref<120x128xf32, #tpu.memory_space<vmem>>) target(%dma_start3A_537 : memref<10240x128xf32, #tpu.memory_space<vmem_shared>>) offsets(%dma_start3A_534 : memref<120xi32, #tpu.memory_space<vmem>>) semaphore(%run_scoped3A_527 : memref<!tpu.dma_semaphore, #tpu.memory_space<semaphore_mem>>) {add = true}
        %dma_wait3A_538 = arith.constant 0 : i32
        %dma_wait3A_539 = arith.constant 0 : i32
        %dma_wait3A_540 = tpu.memref_slice %arg8[%run_scoped3A_514, %dma_wait3A_538, %dma_wait3A_539] : memref<3x120x128xf32, #tpu.memory_space<vmem>> -> memref<1x120x128xf32, #tpu.memory_space<vmem>>
        %dma_wait3A_541 = tpu.memref_squeeze %dma_wait3A_540 : memref<1x120x128xf32, #tpu.memory_space<vmem>> -> memref<120x128xf32, #tpu.memory_space<vmem>>
        %dma_wait3A_542 = arith.constant 0 : i32
        %dma_wait3A_543 = tpu.memref_slice %arg7[%select_n3A_513, %dma_wait3A_542] : memref<6x120xi32, #tpu.memory_space<vmem>> -> memref<1x120xi32, #tpu.memory_space<vmem>>
        %dma_wait3A_544 = tpu.memref_squeeze %dma_wait3A_543 : memref<1x120xi32, #tpu.memory_space<vmem>> -> memref<120xi32, #tpu.memory_space<vmem>>
        %dma_wait3A_545 = arith.constant 0 : i32
        %dma_wait3A_546 = arith.constant 0 : i32
        %dma_wait3A_547 = tpu.memref_slice %arg9[%dma_wait3A_545, %dma_wait3A_546] : memref<10240x128xf32, #tpu.memory_space<vmem_shared>> -> memref<10240x128xf32, #tpu.memory_space<vmem_shared>>
        tpu.wait_indirect_dma semaphore(%run_scoped3A_527 : memref<!tpu.dma_semaphore, #tpu.memory_space<semaphore_mem>>) src(%dma_wait3A_541 : memref<120x128xf32, #tpu.memory_space<vmem>>) dst(%dma_wait3A_547 : memref<10240x128xf32, #tpu.memory_space<vmem_shared>>)
        tpu.yield
      }) : () -> ()
      %add3A_515 = arith.constant 6 : i32
      %add3A_516 = arith.addi %add3A_470, %add3A_515 : i32
      %lt3A_517 = arith.cmpi slt, %add3A_516, %select_n3A : i32
      %convert_element_type3A_518 = arith.extui %lt3A_517 : i1 to i32
      %cond3A_519 = arith.constant 0 : i32
      %cond3A_520 = arith.cmpi ne, %convert_element_type3A_518, %cond3A_519 : i32
      scf.if %cond3A_520 {
        %add3A_527 = arith.constant 6 : i32
        %add3A_528 = arith.addi %add3A_470, %add3A_527 : i32
        %add3A_529 = arith.addi %select_n3A_8, %add3A_528 : i32
        %jit3A_530 = arith.constant 6 : i32
        %eq3A_531 = arith.constant 0 : i32
        %eq3A_532 = arith.cmpi eq, %jit3A_530, %eq3A_531 : i32
        %jit3A_533 = arith.constant 1 : i32
        %select_n3A_534 = arith.select %eq3A_532, %jit3A_533, %jit3A_530 : i32
        %rem3A_535 = arith.remsi %add3A_528, %select_n3A_534 : i32
        %ne3A_536 = arith.constant 0 : i32
        %ne3A_537 = arith.cmpi ne, %rem3A_535, %ne3A_536 : i32
        %lt3A_538 = arith.constant 0 : i32
        %lt3A_539 = arith.cmpi slt, %rem3A_535, %lt3A_538 : i32
        %lt3A_540 = arith.constant 0 : i32
        %lt3A_541 = arith.cmpi slt, %select_n3A_534, %lt3A_540 : i32
        %ne3A_542 = arith.xori %lt3A_539, %lt3A_541 : i1
        %and3A_543 = arith.andi %ne3A_542, %ne3A_537 : i1
        %add3A_544 = arith.addi %rem3A_535, %select_n3A_534 : i32
        %select_n3A_545 = arith.select %and3A_543, %add3A_544, %rem3A_535 : i32
        %dma_start3A_546 = arith.constant 0 : i32
        %dma_start3A_547 = tpu.memref_slice %arg6[%select_n3A_545, %dma_start3A_546] : memref<6x120xi32, #tpu.memory_space<vmem>> -> memref<1x120xi32, #tpu.memory_space<vmem>>
        %dma_start3A_548 = tpu.memref_squeeze %dma_start3A_547 : memref<1x120xi32, #tpu.memory_space<vmem>> -> memref<120xi32, #tpu.memory_space<vmem>>
        %dma_start3A_549 = arith.constant 0 : i32
        %dma_start3A_550 = tpu.memref_slice %arg2[%add3A_529, %dma_start3A_549] : memref<2688x120xi32, #tpu.memory_space<hbm>> -> memref<1x120xi32, #tpu.memory_space<hbm>>
        %dma_start3A_551 = tpu.memref_squeeze %dma_start3A_550 : memref<1x120xi32, #tpu.memory_space<hbm>> -> memref<120xi32, #tpu.memory_space<hbm>>
        %dma_start3A_552 = arith.constant 0 : i32
        %dma_start3A_553 = tpu.memref_slice %arg6[%select_n3A_545, %dma_start3A_552] : memref<6x120xi32, #tpu.memory_space<vmem>> -> memref<1x120xi32, #tpu.memory_space<vmem>>
        %dma_start3A_554 = tpu.memref_squeeze %dma_start3A_553 : memref<1x120xi32, #tpu.memory_space<vmem>> -> memref<120xi32, #tpu.memory_space<vmem>>
        %dma_start3A_555 = arith.constant 0 : i32
        %dma_start3A_556 = tpu.memref_slice %arg2[%add3A_529, %dma_start3A_555] : memref<2688x120xi32, #tpu.memory_space<hbm>> -> memref<1x120xi32, #tpu.memory_space<hbm>>
        %dma_start3A_557 = tpu.memref_squeeze %dma_start3A_556 : memref<1x120xi32, #tpu.memory_space<hbm>> -> memref<120xi32, #tpu.memory_space<hbm>>
        tpu.enqueue_dma source(%dma_start3A_557 : memref<120xi32, #tpu.memory_space<hbm>>) target(%dma_start3A_554 : memref<120xi32, #tpu.memory_space<vmem>>) target_semaphore(%arg13 : memref<!tpu.dma_semaphore, #tpu.memory_space<semaphore_mem>>)
        %add3A_558 = arith.addi %select_n3A_8, %add3A_528 : i32
        %jit3A_559 = arith.constant 6 : i32
        %eq3A_560 = arith.constant 0 : i32
        %eq3A_561 = arith.cmpi eq, %jit3A_559, %eq3A_560 : i32
        %jit3A_562 = arith.constant 1 : i32
        %select_n3A_563 = arith.select %eq3A_561, %jit3A_562, %jit3A_559 : i32
        %rem3A_564 = arith.remsi %add3A_528, %select_n3A_563 : i32
        %ne3A_565 = arith.constant 0 : i32
        %ne3A_566 = arith.cmpi ne, %rem3A_564, %ne3A_565 : i32
        %lt3A_567 = arith.constant 0 : i32
        %lt3A_568 = arith.cmpi slt, %rem3A_564, %lt3A_567 : i32
        %lt3A_569 = arith.constant 0 : i32
        %lt3A_570 = arith.cmpi slt, %select_n3A_563, %lt3A_569 : i32
        %ne3A_571 = arith.xori %lt3A_568, %lt3A_570 : i1
        %and3A_572 = arith.andi %ne3A_571, %ne3A_566 : i1
        %add3A_573 = arith.addi %rem3A_564, %select_n3A_563 : i32
        %select_n3A_574 = arith.select %and3A_572, %add3A_573, %rem3A_564 : i32
        %dma_start3A_575 = arith.constant 0 : i32
        %dma_start3A_576 = tpu.memref_slice %arg7[%select_n3A_574, %dma_start3A_575] : memref<6x120xi32, #tpu.memory_space<vmem>> -> memref<1x120xi32, #tpu.memory_space<vmem>>
        %dma_start3A_577 = tpu.memref_squeeze %dma_start3A_576 : memref<1x120xi32, #tpu.memory_space<vmem>> -> memref<120xi32, #tpu.memory_space<vmem>>
        %dma_start3A_578 = arith.constant 0 : i32
        %dma_start3A_579 = tpu.memref_slice %arg3[%add3A_558, %dma_start3A_578] : memref<2688x120xi32, #tpu.memory_space<hbm>> -> memref<1x120xi32, #tpu.memory_space<hbm>>
        %dma_start3A_580 = tpu.memref_squeeze %dma_start3A_579 : memref<1x120xi32, #tpu.memory_space<hbm>> -> memref<120xi32, #tpu.memory_space<hbm>>
        %dma_start3A_581 = arith.constant 0 : i32
        %dma_start3A_582 = tpu.memref_slice %arg7[%select_n3A_574, %dma_start3A_581] : memref<6x120xi32, #tpu.memory_space<vmem>> -> memref<1x120xi32, #tpu.memory_space<vmem>>
        %dma_start3A_583 = tpu.memref_squeeze %dma_start3A_582 : memref<1x120xi32, #tpu.memory_space<vmem>> -> memref<120xi32, #tpu.memory_space<vmem>>
        %dma_start3A_584 = arith.constant 0 : i32
        %dma_start3A_585 = tpu.memref_slice %arg3[%add3A_558, %dma_start3A_584] : memref<2688x120xi32, #tpu.memory_space<hbm>> -> memref<1x120xi32, #tpu.memory_space<hbm>>
        %dma_start3A_586 = tpu.memref_squeeze %dma_start3A_585 : memref<1x120xi32, #tpu.memory_space<hbm>> -> memref<120xi32, #tpu.memory_space<hbm>>
        tpu.enqueue_dma source(%dma_start3A_586 : memref<120xi32, #tpu.memory_space<hbm>>) target(%dma_start3A_583 : memref<120xi32, #tpu.memory_space<vmem>>) target_semaphore(%arg13 : memref<!tpu.dma_semaphore, #tpu.memory_space<semaphore_mem>>)
      } else {
      }
      %add3A_521 = arith.constant 3 : i32
      %add3A_522 = arith.addi %add3A_470, %add3A_521 : i32
      %lt3A_523 = arith.cmpi slt, %add3A_522, %select_n3A : i32
      %convert_element_type3A_524 = arith.extui %lt3A_523 : i1 to i32
      %cond3A_525 = arith.constant 0 : i32
      %cond3A_526 = arith.cmpi ne, %convert_element_type3A_524, %cond3A_525 : i32
      scf.if %cond3A_526 {
        %dma_wait3A_527 = arith.constant 0 : i32
        %dma_wait3A_528 = arith.constant 0 : i32
        %dma_wait3A_529 = tpu.memref_slice %arg6[%dma_wait3A_527, %dma_wait3A_528] : memref<6x120xi32, #tpu.memory_space<vmem>> -> memref<1x120xi32, #tpu.memory_space<vmem>>
        %dma_wait3A_530 = tpu.memref_squeeze %dma_wait3A_529 : memref<1x120xi32, #tpu.memory_space<vmem>> -> memref<120xi32, #tpu.memory_space<vmem>>
        %dma_wait3A_531 = arith.constant 0 : i32
        %dma_wait3A_532 = tpu.memref_slice %arg2[%select_n3A_8, %dma_wait3A_531] : memref<2688x120xi32, #tpu.memory_space<hbm>> -> memref<1x120xi32, #tpu.memory_space<hbm>>
        %dma_wait3A_533 = tpu.memref_squeeze %dma_wait3A_532 : memref<1x120xi32, #tpu.memory_space<hbm>> -> memref<120xi32, #tpu.memory_space<hbm>>
        %dma_wait3A_534 = arith.constant 0 : i32
        %dma_wait3A_535 = tpu.memref_slice %arg6[%dma_wait3A_527, %dma_wait3A_534] : memref<6x120xi32, #tpu.memory_space<vmem>> -> memref<1x120xi32, #tpu.memory_space<vmem>>
        %dma_wait3A_536 = tpu.memref_squeeze %dma_wait3A_535 : memref<1x120xi32, #tpu.memory_space<vmem>> -> memref<120xi32, #tpu.memory_space<vmem>>
        %dma_wait3A_537 = arith.constant 0 : i32
        %dma_wait3A_538 = tpu.memref_slice %arg2[%select_n3A_8, %dma_wait3A_537] : memref<2688x120xi32, #tpu.memory_space<hbm>> -> memref<1x120xi32, #tpu.memory_space<hbm>>
        %dma_wait3A_539 = tpu.memref_squeeze %dma_wait3A_538 : memref<1x120xi32, #tpu.memory_space<hbm>> -> memref<120xi32, #tpu.memory_space<hbm>>
        tpu.wait_dma2 semaphore(%arg13 : memref<!tpu.dma_semaphore, #tpu.memory_space<semaphore_mem>>) src(%dma_wait3A_539 : memref<120xi32, #tpu.memory_space<hbm>>) dst(%dma_wait3A_536 : memref<120xi32, #tpu.memory_space<vmem>>)
        %dma_wait3A_540 = arith.constant 0 : i32
        %dma_wait3A_541 = arith.constant 0 : i32
        %dma_wait3A_542 = tpu.memref_slice %arg7[%dma_wait3A_540, %dma_wait3A_541] : memref<6x120xi32, #tpu.memory_space<vmem>> -> memref<1x120xi32, #tpu.memory_space<vmem>>
        %dma_wait3A_543 = tpu.memref_squeeze %dma_wait3A_542 : memref<1x120xi32, #tpu.memory_space<vmem>> -> memref<120xi32, #tpu.memory_space<vmem>>
        %dma_wait3A_544 = arith.constant 0 : i32
        %dma_wait3A_545 = tpu.memref_slice %arg3[%select_n3A_8, %dma_wait3A_544] : memref<2688x120xi32, #tpu.memory_space<hbm>> -> memref<1x120xi32, #tpu.memory_space<hbm>>
        %dma_wait3A_546 = tpu.memref_squeeze %dma_wait3A_545 : memref<1x120xi32, #tpu.memory_space<hbm>> -> memref<120xi32, #tpu.memory_space<hbm>>
        %dma_wait3A_547 = arith.constant 0 : i32
        %dma_wait3A_548 = tpu.memref_slice %arg7[%dma_wait3A_540, %dma_wait3A_547] : memref<6x120xi32, #tpu.memory_space<vmem>> -> memref<1x120xi32, #tpu.memory_space<vmem>>
        %dma_wait3A_549 = tpu.memref_squeeze %dma_wait3A_548 : memref<1x120xi32, #tpu.memory_space<vmem>> -> memref<120xi32, #tpu.memory_space<vmem>>
        %dma_wait3A_550 = arith.constant 0 : i32
        %dma_wait3A_551 = tpu.memref_slice %arg3[%select_n3A_8, %dma_wait3A_550] : memref<2688x120xi32, #tpu.memory_space<hbm>> -> memref<1x120xi32, #tpu.memory_space<hbm>>
        %dma_wait3A_552 = tpu.memref_squeeze %dma_wait3A_551 : memref<1x120xi32, #tpu.memory_space<hbm>> -> memref<120xi32, #tpu.memory_space<hbm>>
        tpu.wait_dma2 semaphore(%arg13 : memref<!tpu.dma_semaphore, #tpu.memory_space<semaphore_mem>>) src(%dma_wait3A_552 : memref<120xi32, #tpu.memory_space<hbm>>) dst(%dma_wait3A_549 : memref<120xi32, #tpu.memory_space<vmem>>)
        %add3A_553 = arith.constant 3 : i32
        %add3A_554 = arith.addi %add3A_470, %add3A_553 : i32
        %jit3A_555 = arith.constant 6 : i32
        %eq3A_556 = arith.constant 0 : i32
        %eq3A_557 = arith.cmpi eq, %jit3A_555, %eq3A_556 : i32
        %jit3A_558 = arith.constant 1 : i32
        %select_n3A_559 = arith.select %eq3A_557, %jit3A_558, %jit3A_555 : i32
        %rem3A_560 = arith.remsi %add3A_554, %select_n3A_559 : i32
        %ne3A_561 = arith.constant 0 : i32
        %ne3A_562 = arith.cmpi ne, %rem3A_560, %ne3A_561 : i32
        %lt3A_563 = arith.constant 0 : i32
        %lt3A_564 = arith.cmpi slt, %rem3A_560, %lt3A_563 : i32
        %lt3A_565 = arith.constant 0 : i32
        %lt3A_566 = arith.cmpi slt, %select_n3A_559, %lt3A_565 : i32
        %ne3A_567 = arith.xori %lt3A_564, %lt3A_566 : i1
        %and3A_568 = arith.andi %ne3A_567, %ne3A_562 : i1
        %add3A_569 = arith.addi %rem3A_560, %select_n3A_559 : i32
        %select_n3A_570 = arith.select %and3A_568, %add3A_569, %rem3A_560 : i32
        %dma_start3A_571 = arith.constant 2 : i32
        %dma_start3A_572 = arith.constant 0 : i32
        %dma_start3A_573 = arith.constant 0 : i32
        %dma_start3A_574 = tpu.memref_slice %arg8[%dma_start3A_571, %dma_start3A_572, %dma_start3A_573] : memref<3x120x128xf32, #tpu.memory_space<vmem>> -> memref<1x120x128xf32, #tpu.memory_space<vmem>>
        %dma_start3A_575 = tpu.memref_squeeze %dma_start3A_574 : memref<1x120x128xf32, #tpu.memory_space<vmem>> -> memref<120x128xf32, #tpu.memory_space<vmem>>
        %dma_start3A_576 = arith.constant 0 : i32
        %dma_start3A_577 = tpu.memref_slice %arg6[%select_n3A_570, %dma_start3A_576] : memref<6x120xi32, #tpu.memory_space<vmem>> -> memref<1x120xi32, #tpu.memory_space<vmem>>
        %dma_start3A_578 = tpu.memref_squeeze %dma_start3A_577 : memref<1x120xi32, #tpu.memory_space<vmem>> -> memref<120xi32, #tpu.memory_space<vmem>>
        %dma_start3A_579 = arith.constant 0 : i32
        %dma_start3A_580 = arith.constant 0 : i32
        %dma_start3A_581 = tpu.memref_slice %arg4[%dma_start3A_579, %dma_start3A_580] : memref<10240x128xf32, #tpu.memory_space<hbm>> -> memref<10240x128xf32, #tpu.memory_space<hbm>>
        tpu.enqueue_indirect_dma source(%dma_start3A_581 : memref<10240x128xf32, #tpu.memory_space<hbm>>) target(%dma_start3A_575 : memref<120x128xf32, #tpu.memory_space<vmem>>) offsets(%dma_start3A_578 : memref<120xi32, #tpu.memory_space<vmem>>) semaphore(%arg12 : memref<!tpu.dma_semaphore, #tpu.memory_space<semaphore_mem>>)
      } else {
      }
    }
    %barrier3A_344 = arith.constant 0 : index
    tpu.barrier barrier_id(%barrier3A_344)
    %mul3A_345 = arith.constant 640 : i32
    %mul3A_346 = arith.muli %arg1, %mul3A_345 : i32
    %mul3A_347 = arith.constant 640 : i32
    %mul3A_348 = arith.muli %arg1, %mul3A_347 : i32
    "tpu.region"() ({
      %run_scoped3A_349 = tpu.sem_alloc : memref<!tpu.dma_semaphore, #tpu.memory_space<semaphore_mem>>
      %dma_start3A_350 = arith.constant 0 : i32
      %dma_start3A_351 = tpu.memref_slice %arg5[%arg0, %mul3A_348, %dma_start3A_350] : memref<2x10240x128xf32, #tpu.memory_space<hbm>> -> memref<1x640x128xf32, #tpu.memory_space<hbm>>
      %dma_start3A_352 = tpu.memref_squeeze %dma_start3A_351 : memref<1x640x128xf32, #tpu.memory_space<hbm>> -> memref<640x128xf32, #tpu.memory_space<hbm>>
      %dma_start3A_353 = arith.constant 0 : i32
      %dma_start3A_354 = tpu.memref_slice %arg9[%mul3A_346, %dma_start3A_353] : memref<10240x128xf32, #tpu.memory_space<vmem_shared>> -> memref<640x128xf32, #tpu.memory_space<vmem_shared>>
      tpu.enqueue_dma source(%dma_start3A_354 : memref<640x128xf32, #tpu.memory_space<vmem_shared>>) target(%dma_start3A_352 : memref<640x128xf32, #tpu.memory_space<hbm>>) target_semaphore(%run_scoped3A_349 : memref<!tpu.dma_semaphore, #tpu.memory_space<semaphore_mem>>)
      %dma_wait3A_355 = arith.constant 0 : i32
      %dma_wait3A_356 = tpu.memref_slice %arg5[%arg0, %mul3A_348, %dma_wait3A_355] : memref<2x10240x128xf32, #tpu.memory_space<hbm>> -> memref<1x640x128xf32, #tpu.memory_space<hbm>>
      %dma_wait3A_357 = tpu.memref_squeeze %dma_wait3A_356 : memref<1x640x128xf32, #tpu.memory_space<hbm>> -> memref<640x128xf32, #tpu.memory_space<hbm>>
      %dma_wait3A_358 = arith.constant 0 : i32
      %dma_wait3A_359 = tpu.memref_slice %arg9[%mul3A_346, %dma_wait3A_358] : memref<10240x128xf32, #tpu.memory_space<vmem_shared>> -> memref<640x128xf32, #tpu.memory_space<vmem_shared>>
      tpu.wait_dma2 semaphore(%run_scoped3A_349 : memref<!tpu.dma_semaphore, #tpu.memory_space<semaphore_mem>>) src(%dma_wait3A_359 : memref<640x128xf32, #tpu.memory_space<vmem_shared>>) dst(%dma_wait3A_357 : memref<640x128xf32, #tpu.memory_space<hbm>>)
      tpu.yield
    }) : () -> ()
    return
  }
}

module attributes {stable_mosaic.version = 14 : i64} {
  func.func @_g_kernel_body(%arg0: i32, %arg1: memref<2048x128xf32, #tpu.memory_space<vmem>>, %arg2: memref<128x128xf32, #tpu.memory_space<vmem>>, %arg3: memref<32x2048xf32, #tpu.memory_space<vmem>>, %arg4: memref<2048x128xf32, #tpu.memory_space<vmem>>) attributes {dimension_semantics = [#tpu.dimension_semantics<arbitrary>], iteration_bounds = array<i64: 5>, scalar_prefetch = 0 : i64, scratch_operands = 0 : i64, tpu.core_type = #tpu.core_type<tc>, window_params = [{transform_indices = @transform_0, window_bounds = array<i64: 2048, 128>}, {pipeline_mode = #tpu.pipeline_mode<synchronous>, transform_indices = @transform_1, window_bounds = array<i64: 128, 128>}, {transform_indices = @transform_2, window_bounds = array<i64: 32, 2048>}, {transform_indices = @transform_3, window_bounds = array<i64: 2048, 128>}]} {
    %get3A = arith.constant 0 : index
    %get3A_0 = arith.constant 0 : index
    %get3A_1 = vector.load %arg3[%get3A, %get3A_0] : memref<32x2048xf32, #tpu.memory_space<vmem>>, vector<32x2048xf32>
    %reduce_sum3A = arith.constant dense<0.000000e+00> : vector<2048xf32>
    %reduce_sum3A_2 = vector.multi_reduction <add>, %get3A_1, %reduce_sum3A [0] : vector<32x2048xf32> to vector<2048xf32>
    %add3A = arith.constant 1.000000e+00 : f32
    %add3A_3 = vector.broadcast %add3A : f32 to vector<2048xf32>
    %add3A_4 = arith.addf %reduce_sum3A_2, %add3A_3 : vector<2048xf32>
    %rsqrt3A = math.rsqrt %add3A_4 : vector<2048xf32>
    %get3A_5 = arith.constant 0 : index
    %get3A_6 = arith.constant 0 : index
    %get3A_7 = vector.load %arg1[%get3A_5, %get3A_6] : memref<2048x128xf32, #tpu.memory_space<vmem>>, vector<2048x128xf32>
    %get3A_8 = arith.constant 0 : index
    %get3A_9 = arith.constant 0 : index
    %get3A_10 = vector.load %arg2[%get3A_8, %get3A_9] : memref<128x128xf32, #tpu.memory_space<vmem>>, vector<128x128xf32>
    %dot_general3A = arith.constant dense<0.000000e+00> : vector<2048x128xf32>
    %dot_general3A_11 = tpu.matmul %get3A_7, %get3A_10, %dot_general3A {dimension_numbers = #tpu.dot_dimension_numbers<[1], [0], [0], [1], [0, 0, 1, 1], [], []>, transpose_lhs_hint = false} : vector<2048x128xf32>, vector<128x128xf32>, vector<2048x128xf32> -> vector<2048x128xf32>
    %broadcast_in_dim3A = vector.shape_cast %rsqrt3A : vector<2048xf32> to vector<2048x1xf32>
    %mul3A = vector.broadcast %broadcast_in_dim3A : vector<2048x1xf32> to vector<2048x128xf32>
    %mul3A_12 = arith.mulf %dot_general3A_11, %mul3A : vector<2048x128xf32>
    %swap3A = arith.constant 0 : index
    %swap3A_13 = arith.constant 0 : index
    %swap3A_14 = vector.load %arg4[%swap3A, %swap3A_13] : memref<2048x128xf32, #tpu.memory_space<vmem>>, vector<2048x128xf32>
    tpu.vector_store %arg4[%swap3A, %swap3A_13], %mul3A_12 {strides = array<i32>} : memref<2048x128xf32, #tpu.memory_space<vmem>>, vector<2048x128xf32>,
    return
  }
  func.func @transform_0(%arg0: i32) -> (i32, i32) {
    %c0_i32 = arith.constant 0 : i32
    %c0_i32_0 = arith.constant 0 : i32
    return %arg0, %c0_i32 : i32, i32
  }
  func.func @transform_1(%arg0: i32) -> (i32, i32) {
    %c0_i32 = arith.constant 0 : i32
    %c0_i32_0 = arith.constant 0 : i32
    %c0_i32_1 = arith.constant 0 : i32
    return %c0_i32, %c0_i32_0 : i32, i32
  }
  func.func @transform_2(%arg0: i32) -> (i32, i32) {
    %c0_i32 = arith.constant 0 : i32
    %c0_i32_0 = arith.constant 0 : i32
    return %c0_i32, %arg0 : i32, i32
  }
  func.func @transform_3(%arg0: i32) -> (i32, i32) {
    %c0_i32 = arith.constant 0 : i32
    %c0_i32_0 = arith.constant 0 : i32
    return %arg0, %c0_i32 : i32, i32
  }
}

module attributes {stable_mosaic.version = 14 : i64} {
  func.func @_out_kernel_body(%arg0: i32, %arg1: memref<2x2048x128xf32, #tpu.memory_space<vmem>>, %arg2: memref<2048x128xf32, #tpu.memory_space<vmem>>, %arg3: memref<32x2048xf32, #tpu.memory_space<vmem>>, %arg4: memref<1x128xf32, #tpu.memory_space<vmem>>, %arg5: memref<2048x128xf32, #tpu.memory_space<vmem>>) attributes {dimension_semantics = [#tpu.dimension_semantics<arbitrary>], iteration_bounds = array<i64: 5>, scalar_prefetch = 0 : i64, scratch_operands = 0 : i64, tpu.core_type = #tpu.core_type<tc>, window_params = [{transform_indices = @transform_0, window_bounds = array<i64: 2, 2048, 128>}, {transform_indices = @transform_1, window_bounds = array<i64: 2048, 128>}, {transform_indices = @transform_2, window_bounds = array<i64: 32, 2048>}, {pipeline_mode = #tpu.pipeline_mode<synchronous>, transform_indices = @transform_3, window_bounds = array<i64: 1, 128>}, {transform_indices = @transform_4, window_bounds = array<i64: 2048, 128>}]} {
    %get3A = arith.constant 0 : index
    %get3A_0 = arith.constant 0 : index
    %get3A_1 = vector.load %arg3[%get3A, %get3A_0] : memref<32x2048xf32, #tpu.memory_space<vmem>>, vector<32x2048xf32>
    %reduce_sum3A = arith.constant dense<0.000000e+00> : vector<2048xf32>
    %reduce_sum3A_2 = vector.multi_reduction <add>, %get3A_1, %reduce_sum3A [0] : vector<32x2048xf32> to vector<2048xf32>
    %add3A = arith.constant 1.000000e+00 : f32
    %add3A_3 = vector.broadcast %add3A : f32 to vector<2048xf32>
    %add3A_4 = arith.addf %reduce_sum3A_2, %add3A_3 : vector<2048xf32>
    %rsqrt3A = math.rsqrt %add3A_4 : vector<2048xf32>
    %get3A_5 = arith.constant 0 : index
    %get3A_6 = arith.constant 0 : index
    %get3A_7 = arith.constant 0 : index
    %get3A_8 = vector.load %arg1[%get3A_5, %get3A_6, %get3A_7] : memref<2x2048x128xf32, #tpu.memory_space<vmem>>, vector<1x2048x128xf32>
    %get3A_9 = vector.shape_cast %get3A_8 : vector<1x2048x128xf32> to vector<2048x128xf32>
    %get3A_10 = arith.constant 1 : index
    %get3A_11 = arith.constant 0 : index
    %get3A_12 = arith.constant 0 : index
    %get3A_13 = vector.load %arg1[%get3A_10, %get3A_11, %get3A_12] : memref<2x2048x128xf32, #tpu.memory_space<vmem>>, vector<1x2048x128xf32>
    %get3A_14 = vector.shape_cast %get3A_13 : vector<1x2048x128xf32> to vector<2048x128xf32>
    %add3A_15 = arith.addf %get3A_9, %get3A_14 : vector<2048x128xf32>
    %get3A_16 = arith.constant 0 : index
    %get3A_17 = arith.constant 0 : index
    %get3A_18 = vector.load %arg2[%get3A_16, %get3A_17] : memref<2048x128xf32, #tpu.memory_space<vmem>>, vector<2048x128xf32>
    %add3A_19 = arith.addf %add3A_15, %get3A_18 : vector<2048x128xf32>
    %broadcast_in_dim3A = vector.shape_cast %rsqrt3A : vector<2048xf32> to vector<2048x1xf32>
    %mul3A = vector.broadcast %broadcast_in_dim3A : vector<2048x1xf32> to vector<2048x128xf32>
    %mul3A_20 = arith.mulf %add3A_19, %mul3A : vector<2048x128xf32>
    %get3A_21 = arith.constant 0 : index
    %get3A_22 = arith.constant 0 : index
    %get3A_23 = vector.load %arg4[%get3A_21, %get3A_22] : memref<1x128xf32, #tpu.memory_space<vmem>>, vector<1x128xf32>
    %add3A_24 = vector.broadcast %get3A_23 : vector<1x128xf32> to vector<2048x128xf32>
    %add3A_25 = arith.addf %mul3A_20, %add3A_24 : vector<2048x128xf32>
    %swap3A = arith.constant 0 : index
    %swap3A_26 = arith.constant 0 : index
    %swap3A_27 = vector.load %arg5[%swap3A, %swap3A_26] : memref<2048x128xf32, #tpu.memory_space<vmem>>, vector<2048x128xf32>
    tpu.vector_store %arg5[%swap3A, %swap3A_26], %add3A_25 {strides = array<i32>} : memref<2048x128xf32, #tpu.memory_space<vmem>>, vector<2048x128xf32>,
    return
  }
  func.func @transform_0(%arg0: i32) -> (i32, i32, i32) {
    %c0_i32 = arith.constant 0 : i32
    %c0_i32_0 = arith.constant 0 : i32
    %c0_i32_1 = arith.constant 0 : i32
    return %c0_i32, %arg0, %c0_i32_0 : i32, i32, i32
  }
  func.func @transform_1(%arg0: i32) -> (i32, i32) {
    %c0_i32 = arith.constant 0 : i32
    %c0_i32_0 = arith.constant 0 : i32
    return %arg0, %c0_i32 : i32, i32
  }
  func.func @transform_2(%arg0: i32) -> (i32, i32) {
    %c0_i32 = arith.constant 0 : i32
    %c0_i32_0 = arith.constant 0 : i32
    return %c0_i32, %arg0 : i32, i32
  }
  func.func @transform_3(%arg0: i32) -> (i32, i32) {
    %c0_i32 = arith.constant 0 : i32
    %c0_i32_0 = arith.constant 0 : i32
    %c0_i32_1 = arith.constant 0 : i32
    return %c0_i32, %c0_i32_0 : i32, i32
  }
  func.func @transform_4(%arg0: i32) -> (i32, i32) {
    %c0_i32 = arith.constant 0 : i32
    %c0_i32_0 = arith.constant 0 : i32
    return %arg0, %c0_i32 : i32, i32
  }
}

</mosaic_0001>

<sc_bundles>
// kernel: kernel.6.cloned.1.call-start
scs
__scs_entry_jumppad:
0x0: {  	(pc) =	sbr.rel $0x88, $3  }
0x1: {  	(tag) =	ssettag $0x0;
	lr =	simm.s32 $0x1  }
0x2: {  	[smem:$0x3F9D] =	sst lr;
	_ =	strace $0xD0000000  }
0x3: {  	_ = 	snop  }
0x4: {  	_ = 	snop  }
0x5: {  	_ = 	snop  }
0x6: {  	_ = 	snop  }
0x7: {  	_ = 	snop  }
__scs_overlays_trampoline_lowered:
0x8: {  	[smem:$0x3FAC] =	sst s0  }
0x9: {  	[smem:$0x3FAD] =	sst s1  }
0xa: {  	[smem:$0x3FAE] =	sst s2  }
0xb: {  	[smem:$0x3FAF] =	sst s3  }
0xc: {  	[smem:$0x3FB0] =	sst s4  }
0xd: {  	[smem:$0x3FB1] =	sst s5  }
0xe: {  	[smem:$0x3FB2] =	sst s6  }
0xf: {  	[smem:$0x3FB3] =	sst s7  }
0x10: {  	[smem:$0x3FB4] =	sst s8  }
0x11: {  	[smem:$0x3FB5] =	sst s9;
	s0 =	simm.s32 @!p0 $0x0  }
0x12: {  	s1 =	sld [smem:$0x3F9B];
	s0 =	simm.s32 @p0 $0x1  }
0x13: {  	[smem:$0x3FB6] =	sst s0;
	s0 =	simm.s32 @!p1 $0x0  }
0x14: {  	s2 =	sld [smem:$0x3F9A];
	s0 =	simm.s32 @p1 $0x1  }
0x15: {  	[smem:$0x3FB7] =	sst s0;
	s0 =	simm.s32 @!p2 $0x0  }
0x16: {  	s3 =	sld [smem:$0x3FDB];
	s0 =	simm.s32 @p2 $0x1  }
0x17: {  	s4 =	simm.s32 $0x1BF5;
	[smem:$0x3FB9] =	sst s0  }
0x18: {  	s0 =	sld [smem:$0x3F9C];
	_ =	swait.ge [sflag:s4], $0x0  }
0x19: {  	s7 =	sld [smem:$0x3F9D]  }
0x1a: {  	s8 =	sadd.s32 $0xFFFFE003, lr  }
0x1b: {  	s9 =	sadd.s32 $0xFFFFFEF7, lr;
	s5 =	simm.s32 $0xFFFFFFFF;
	p2 =	slt.u32 s8, $0xFFFFF086  }
0x1c: {  	p1 =	slt.u32 s9, $0xF7A;
	s5 =	simm.s32 @!p2 $0x0  }
0x1d: {  	s5 =	simm.s32 @p1 $0x1;
	p0 =	seq.s32 s7, s2  }
0x1e: {  	s7 =	smul.u32 @!p0 $0xF7A, s2;
	p2 =	seq.s32 @!p0 s5, $0x0  }
0x1f: {  	s9 =	smul.u32 $0xF7A, s1;
	s8 =	simm.s32 @!p0 $0x1BF5;
	p2 =	por !p2, p0  }
0x20: {  	[sflag:s8] =	ssyncset.s32 @!p0 $0xFFFFF086;
	s6 =	sadd.s32 @!p0 s3, s7;
	s7 =	simm.s32 @!p0 $0x108  }
0x21: {  	s3 =	sadd.s32 s3, s9;
	s6 =	sadd.s32 @!p0 $0x88, s6;
	s7 =	simm.s32 @p2 $0x1082  }
0x22: {  	[simem:s7], [sflag:s8] =	dma.local @!p0 [hbm:s6], $0xF7A  }
0x23: {  	s9 =	sor.u32 $0xD0000000, s2;
	s6 =	simm.s32 $0x108;
	_ =	swait.ge @!p0 [sflag:s8], $0x0  }
0x24: {  	s3 =	sadd.s32 $0x88, s3;
	s6 =	simm.s32 @!p1 $0x1082;
	[sflag:s4] =	ssyncset.s32 $0xFFFFF086  }
0x25: {  	[simem:s6], [sflag:s4] =	dma.local [hbm:s3], $0xF7A  }
0x26: {  	[smem:$0x3F9D] =	sst s1;
	(tag) =	ssettag s2;
	_ =	strace s9  }
0x27: {  	s1 =	sld [smem:$0x3FAD]  }
0x28: {  	s2 =	sld [smem:$0x3FAE]  }
0x29: {  	s4 =	sld [smem:$0x3FB0]  }
0x2a: {  	p0 =	seq.s32 s5, $0x0;
	s5 =	sld [smem:$0x3FB1]  }
0x2b: {  	s6 =	sld [smem:$0x3FB2]  }
0x2c: {  	s7 =	sld [smem:$0x3FB3]  }
0x2d: {  	s3 =	simm.s32 $0x108;
	s8 =	sld [smem:$0x3FB4]  }
0x2e: {  	s3 =	simm.s32 @!p0 $0x1082;
	s9 =	sld [smem:$0x3FB5]  }
0x2f: {  	lr =	sadd.s32 s0, s3;
	s0 =	sld [smem:$0x3FAC]  }
0x30: {  	s3 =	sld [smem:$0x3FAF]  }
0x31: {  	[smem:$0x3FB8] =	sst s10  }
0x32: {  	s10 =	sld [smem:$0x3FB6];
	_ =	sdelay $0x3  }
0x33: {  	p0 =	seq.s32 s10, $0x1;
	s10 =	sld [smem:$0x3FB8];
	_ =	sdelay $0x3  }
0x34: {  	[smem:$0x3FB8] =	sst s10  }
0x35: {  	s10 =	sld [smem:$0x3FB7];
	_ =	sdelay $0x3  }
0x36: {  	p1 =	seq.s32 s10, $0x1;
	s10 =	sld [smem:$0x3FB8];
	_ =	sdelay $0x3  }
0x37: {  	[smem:$0x3FB8] =	sst s10  }
0x38: {  	s10 =	sld [smem:$0x3FB9]  }
0x39: {  	_ = 	snop;
	(pc) =	sbr.ind lr, $3  }
0x3a: {  	_ = 	snop  }
0x3b: {  	_ = 	snop  }
0x3c: {  	p2 =	seq.s32 s10, $0x1;
	s10 =	sld [smem:$0x3FB8]  }
0x3d: {  	_ =	shalt  }
0x3e: {  	_ =	shalt  }
0x3f: {  	_ =	shalt  }
0x40: {  	_ =	shalt  }
0x41: {  	_ =	shalt  }
0x42: {  	_ =	shalt  }
0x43: {  	_ =	shalt  }
0x44: {  	_ =	shalt  }
0x45: {  	_ =	shalt  }
0x46: {  	_ =	shalt  }
0x47: {  	_ =	shalt  }
0x48: {  	_ =	shalt  }
0x49: {  	_ =	shalt  }
0x4a: {  	_ =	shalt  }
0x4b: {  	_ =	shalt  }
0x4c: {  	_ =	shalt  }
0x4d: {  	_ =	shalt  }
0x4e: {  	_ =	shalt  }
0x4f: {  	_ =	shalt  }
0x50: {  	_ =	shalt  }
0x51: {  	_ =	shalt  }
0x52: {  	_ =	shalt  }
0x53: {  	_ =	shalt  }
0x54: {  	_ =	shalt  }
0x55: {  	_ =	shalt  }
0x56: {  	_ =	shalt  }
0x57: {  	_ =	shalt  }
0x58: {  	_ =	shalt  }
0x59: {  	_ =	shalt  }
0x5a: {  	_ =	shalt  }
0x5b: {  	_ =	shalt  }
0x5c: {  	_ =	shalt  }
0x5d: {  	_ =	shalt  }
0x5e: {  	_ =	shalt  }
0x5f: {  	_ =	shalt  }
0x60: {  	_ =	shalt  }
0x61: {  	_ =	shalt  }
0x62: {  	_ =	shalt  }
0x63: {  	_ =	shalt  }
0x64: {  	_ =	shalt  }
0x65: {  	_ =	shalt  }
0x66: {  	_ =	shalt  }
0x67: {  	_ =	shalt  }
0x68: {  	_ =	shalt  }
0x69: {  	_ =	shalt  }
0x6a: {  	_ =	shalt  }
0x6b: {  	_ =	shalt  }
0x6c: {  	_ =	shalt  }
0x6d: {  	_ =	shalt  }
0x6e: {  	_ =	shalt  }
0x6f: {  	_ =	shalt  }
0x70: {  	_ =	shalt  }
0x71: {  	_ =	shalt  }
0x72: {  	_ =	shalt  }
0x73: {  	_ =	shalt  }
0x74: {  	_ =	shalt  }
0x75: {  	_ =	shalt  }
0x76: {  	_ =	shalt  }
0x77: {  	_ =	shalt  }
0x78: {  	_ =	shalt  }
0x79: {  	_ =	shalt  }
0x7a: {  	_ =	shalt  }
0x7b: {  	_ =	shalt  }
0x7c: {  	_ =	shalt  }
0x7d: {  	_ =	shalt  }
0x7e: {  	_ =	shalt  }
0x7f: {  	_ =	shalt  }
0x80: {  	_ =	shalt  }
0x81: {  	_ =	shalt  }
0x82: {  	_ =	shalt  }
0x83: {  	_ =	shalt  }
0x84: {  	_ =	shalt  }
0x85: {  	_ =	shalt  }
0x86: {  	_ =	shalt  }
0x87: {  	_ =	shalt  }
.Lfunc_end0:
.L_simem_size_0:
called_computation_lowered:
.L_overlay_start_0:
0x88: {  	s2 =	sld [smem:$0x3FD9]  }
0x89: {  	s3 =	sld [smem:$0x3FFE];
	_ =	sdelay $0x1  }
0x8a: {  	s1 =	srdreg.scid  }
0x8b: {  	s0 =	sand.u32 $0x1, s1  }
0x8c: {  	s16 =	sshll.u32 s0, $0xA;
	s2 =	sadd.s32 s3, s2  }
0x8d: {  	s2 =	sadd.s32 s2, s16  }
0x8e: {  	[smem:$0x3FC4] =	sst s2  }
0x8f: {  	_ = 	snop  }
0x90: {  	(tm) =	ssettm $0x1  }
0x91: {  	s17 =	sld [smem:$0x3FFB];
	_ =	sdelay $0x3  }
0x92: {  	_ =	strace s17  }
0x93: {  	s2 =	sld [smem:$0x3FFC];
	_ =	sdelay $0x3  }
0x94: {  	_ =	strace s2  }
0x95: {  	s2 =	sld [smem:$0x3FFD];
	_ =	sdelay $0x3  }
0x96: {  	_ =	strace s2  }
0x97: {  	_ =	strace $0x8FFFFFFF  }
0x98: {  	s18 =	sld [smem:$0x3FDB];
	_ =	sdelay $0x1  }
0x99: {  	s19 =	simm.s32 $_scs_section_size  }
0x9a: {  	s4 =	simm.s32 $_size__tile_overlayer_lowered;
	s5 =	simm.s32 $_tile_overlayer_lowered  }
0x9b: {  	s22 =	simm.s32 $0x1BFF;
	s21 =	sshll.u32 s5, $0x1;
	s2 =	sadd.s32 s19, s18  }
0x9c: {  	s6 =	simm.s32 $0x0;
	s20 =	sshll.u32 s4, $0x1;
	s4 =	sadd.s32 s21, s2  }
0x9d: {  	[timem:s6], [sflag:s22] =	dma.local [hbm:s4], s20  }
0x9e: {  	_ =	swait.ge [sflag:s22], s20  }
0x9f: {  	s3 =	ssub.s32 $0x0, s20;
	[sflag:s22] =	ssyncset.done $0x0  }
0xa0: {  	[sflag:s22] =	ssyncadd.s32 s3;
	_ =	sdelay $0x1  }
0xa1: {  	s23 =	simm.s32 $0x1B8B  }
0xa2: {  	_ =	swait.ge [sflag:s23], $0x1  }
0xa3: {  	[sflag:s23] =	ssyncset.done $0x0  }
0xa4: {  	s25 =	simm.s32 $0x1B8E;
	s24 =	sld [smem:$0x3FFE];
	[sflag:s23] =	ssyncadd.s32 $0xFFFFFFFF  }
0xa5: {  	s26 =	simm.s32 $execute0_lowered;
	[smem:$0x3FD2] =	sst s25  }
0xa6: {  	s4 =	sshll.u32 s26, $0x1;
	_ =	strace $0x80000046;
	[dreg:$0x1] =	wrdreg $0xFFFFFFFF  }
0xa7: {  	s28 =	simm.s32 $_size_execute0_lowered;
	s2 =	sadd.s32 s2, s4;
	[dreg:$0x0] =	wrdreg $0x0  }
0xa8: {  	s4 =	sshll.u32 s28, $0x1;
	[dreg:$0x2] =	wrdreg s2  }
0xa9: {  	[dreg:$0x3] =	wrdreg s4  }
0xaa: {  	[dreg:$0x4] =	wrdreg $0xC0  }
0xab: {  	_ =	task [dreg:s6], $0x5FFFF  }
0xac: {  	[dreg:$0x1] =	wrdreg $0xFFFFFFFF  }
0xad: {  	[dreg:$0x0] =	wrdreg $0x60  }
0xae: {  	[dreg:$0x2] =	wrdreg s24  }
0xaf: {  	[dreg:$0x3] =	wrdreg $0x9  }
0xb0: {  	_ =	task.clear_ibuf [dreg:s6], $0x4FFFF;
	_ =	strace $0x90000046  }
0xb1: {  	s29 =	simm.s32 $0x9;
	_ =	strace $0x80000048  }
0xb2: {  	_ =	swait.ge [sflag:s29], $0x1  }
0xb3: {  	[sflag:s29] =	ssyncadd.s32 $0xFFFFFFFF  }
0xb4: {  	_ =	strace $0x90000048  }
0xb5: {  	_ =	sfence  }
0xb6: {  	s30 =	sld [smem:$0x0];
	_ =	sdelay $0x2  }
0xb7: {  	s31 =	sshll.u32 s1, $0xD;
	s1 =	sshrl.u32 s1, $0x2  }
0xb8: {  	s3 =	sand.u32 $0x4000, s31;
	s1 =	sadd.s32 s1, s30  }
0xb9: {  	s0 =	sor.u32 s3, s0;
	s1 =	sshll.u32 s1, $0x11  }
0xba: {  	s0 =	sor.u32 s1, s0  }
0xbb: {  	s0 =	sadd.s32 $0x8F2B, s0  }
0xbc: {  	[sflag:s0] =	ssyncadd.remote.s32 $0x1  }
0xbd: {  	_ =	sfence.sel $0xFFFF  }
0xbe: {  	[dreg:$0x0] =	wrdreg $0xFFFFFFFF;
	(pc) =	sbr.abs _section_cstart, $3  }
0xbf: {  	[dreg:$0x1] =	wrdreg $0xFFFFFFFF  }
0xc0: {  	_ =	task.clear_ibuf [dreg:s6], $0x2FFFF;
	_ =	strace $0x9FFFFFFF  }
0xc1: {  	(tm) =	ssettm $0x7FFFFFFF  }
tec
execute0_lowered:
.L_overlay_start_1:
0x0: {  	(tag) =	ssettag $0x1  }
0x1: {  	s3 =	rddreg [dreg:$0x0]  }
0x2: {  	s0 =	rddreg [dreg:$0x1]  }
0x3: {  	s1 =	stileid.u32;
	s2 =	simm.s32 $0x0;
	s4 =	srdreg.scid  }
0x4: {  	s9 =	simm.s32 $0x2780;
	s10 =	simm.s32 $0x0;
	s5 =	sshrl.u32 s1, $0x2  }
0x5: {  	s4 =	sand.u32 $0x1, s4;
	s6 =	sshll.u32 s1, $0x8;
	[smem:$0x7FF] =	sst s2  }
0x6: {  	s7 =	smul.u32 $0x13C00, s5;
	s8 =	sshll.u32 s4, $0x7;
	s6 =	sand.u32 $0x300, s6  }
0x7: {  	s5 =	smul.u32 $0x14000, s5;
	s4 =	ssub.s32 $0x2, s4;
	s6 =	sor.u32 s8, s6  }
0x8: {  	_ =	strace $0x80000047;
	s30 =	sshrl.u32 s4, $0x1;
	s7 =	sor.u32 s7, s6  }
0x9: {  	s8 =	simm.s32 $0x1;
	s5 =	sor.u32 s5, s6;
	s29 =	sshrl.u32 s7, $0x3  }
0xa: {  	s31 =	ssub.s32 s4, s30;
	s5 =	sshrl.u32 s5, $0x3;
	s6 =	sadd.s32 s29, s3  }
0xb: {  	s7 =	simm.s32 $0x400;
	s5 =	sadd.s32 s5, s3;
	s3 =	sadd.s32 $0x1400, s6  }
0xc: {  	v0 =	vimm.f32 $0.0e+00;
	v1 =	vimm.f32 $1.000000000e+00;
	s4 =	sadd.s32 $0xB200, s5;
	s5 =	smax.u32 s31, $0x1;
	s6 =	simm.s32 $0x80  }
.LBB2_1:
0xd: {  	[tilespmem:s2], [sflag:$0x1] =	stream.strided.gather [hbm4b:s3+s6], $0x2780, s7, s6, $0x38;
	[tilespmem:$0x4F80] =	vst v63  }
0xe: {  	_ =	swait.ge [sflag:s8], $0x2780  }
0xf: {  	[sflag:s8] =	ssyncset.done $0x0  }
0x10: {  	s11 =	simm.s32 $0x0;
	[sflag:s8] =	ssyncadd.s32 $0xFFFFD880  }
.LBB2_2:
0x11: {  	p0 =	sne.s32 s11, $0x9FC0  }
.Ltmp0:
0x12: {  	_ = 	snop;
	(pc) =	sbr.rel @p0 .LBB2_2-.Ltmp0, $3  }
0x13: {  	_ =	sdelay $0x1  }
0x14: {  	s12 =	sshra.s32 s11, $0x2  }
0x15: {  	s11 =	sadd.s32 $0x40, s11;
	[tilespmem:s12+$0x2780] =	vst v0  }
0x16: {  	s12 =	simm.s32 $0x0;
	s11 =	simm.s32 $0x40  }
.LBB2_4:
0x17: {  	p0 =	sne.s32 s11, $0x9D40;
	v2 =	vld [tilespmem:s12+$0x0];
	_ =	sdelay $0x3  }
.Ltmp1:
0x18: {  	(pc) =	sbr.rel @p0 .LBB2_4-.Ltmp1, $2  }
0x19: {  	_ =	sdelay $0x2  }
0x1a: {  	s12 =	sshra.s32 s11, $0x2;
	s11 =	sadd.s32 $0x40, s11;
	[tilespmem:v2+s9+$0x0] =	vst.idx.add.f32.msk $0xffff, v1  }
0x1b: {  	v2 =	vld [tilespmem:s12+$0x0];
	_ =	sdelay $0x5  }
0x1c: {  	s10 =	sadd.s32 $0x1, s10  }
0x1d: {  	p0 =	sne.s32 s10, s5  }
.Ltmp2:
0x1e: {  	[tilespmem:v2+s9+$0x0] =	vst.idx.add.f32.msk $0xffff, v1;
	(pc) =	sbr.rel @p0 .LBB2_1-.Ltmp2, $4  }
0x1f: {  	[hbm4b:s4+s6] =	stream.strided.scatter [tilespmem:s9], [sflag:$0x1], $0x2800, s7, s6, $0x38;
	[tilespmem:$0x4F80] =	vst v63  }
0x20: {  	_ =	swait.ge [sflag:s8], $0x2800  }
0x21: {  	[sflag:s8] =	ssyncset.done $0x0  }
0x22: {  	[sflag:s8] =	ssyncadd.s32 $0xFFFFD800  }
0x23: {  	_ =	sfence.sel $0x180000  }
0x24: {  	[bflag:$0x0] =	sbarrier.arrive $0xFFFF  }
0x25: {  	p0 =	sne.s32 s1, $0x0;
	_ =	strace $0x90000047  }
0x26: {  	s0 =	sadd.s32 @!p0 $0x100000, s0;
	[bflag:$0x2] =	sbarrier.arrive $0xFFFF  }
0x27: {  	[sflag:s0] =	ssyncadd.tile.s32 @!p0 $0x1;
	_ =	shalt  }
.Lfunc_end2:
_tile_overlayer_lowered:
.L_overlay_start_2:
0x28: {  	(tag) =	ssettag $0x2  }
0x29: {  	s0 =	rddreg [dreg:$0x0];
	s2 =	stileid.u32  }
0x2a: {  	s1 =	rddreg [dreg:$0x1];
	p0 =	sne.s32 s2, $0x0  }
0x2b: {  	s3 =	rddreg [dreg:$0x2];
	[bflag:$0x3] =	sbarrier.arrive $0xFFFF;
	s2 =	simm.s32 @!p0 $0x1C01  }
0x2c: {  	[timem:s3], [sflag:s2] =	dma.local @!p0 [hbm:s0], s1  }
0x2d: {  	s0 =	simm.s32 @!p0 $0x1  }
0x2e: {  	_ =	swait.ge @!p0 [sflag:s0], s1  }
0x2f: {  	s1 =	ssub.s32 @!p0 $0x0, s1;
	[sflag:s0] =	ssyncset.done @!p0 $0x0  }
0x30: {  	[sflag:s0] =	ssyncadd.s32 @!p0 s1  }
0x31: {  	[bflag:$0x3] =	sbarrier.arrive $0xFFFF  }
0x32: {  	_ =	shalt  }

// kernel: kernel.9.cloned.1.call-start
scs
__scs_entry_jumppad:
0x0: {  	(pc) =	sbr.rel $0x88, $3  }
0x1: {  	(tag) =	ssettag $0x0;
	lr =	simm.s32 $0x1  }
0x2: {  	[smem:$0x3F9D] =	sst lr;
	_ =	strace $0xD0000000  }
0x3: {  	_ = 	snop  }
0x4: {  	_ = 	snop  }
0x5: {  	_ = 	snop  }
0x6: {  	_ = 	snop  }
0x7: {  	_ = 	snop  }
__scs_overlays_trampoline_lowered:
0x8: {  	[smem:$0x3FAC] =	sst s0  }
0x9: {  	[smem:$0x3FAD] =	sst s1  }
0xa: {  	[smem:$0x3FAE] =	sst s2  }
0xb: {  	[smem:$0x3FAF] =	sst s3  }
0xc: {  	[smem:$0x3FB0] =	sst s4  }
0xd: {  	[smem:$0x3FB1] =	sst s5  }
0xe: {  	[smem:$0x3FB2] =	sst s6  }
0xf: {  	[smem:$0x3FB3] =	sst s7  }
0x10: {  	[smem:$0x3FB4] =	sst s8  }
0x11: {  	[smem:$0x3FB5] =	sst s9;
	s0 =	simm.s32 @!p0 $0x0  }
0x12: {  	s1 =	sld [smem:$0x3F9B];
	s0 =	simm.s32 @p0 $0x1  }
0x13: {  	[smem:$0x3FB6] =	sst s0;
	s0 =	simm.s32 @!p1 $0x0  }
0x14: {  	s2 =	sld [smem:$0x3F9A];
	s0 =	simm.s32 @p1 $0x1  }
0x15: {  	[smem:$0x3FB7] =	sst s0;
	s0 =	simm.s32 @!p2 $0x0  }
0x16: {  	s3 =	sld [smem:$0x3FDB];
	s0 =	simm.s32 @p2 $0x1  }
0x17: {  	s4 =	simm.s32 $0x1BF5;
	[smem:$0x3FB9] =	sst s0  }
0x18: {  	s0 =	sld [smem:$0x3F9C];
	_ =	swait.ge [sflag:s4], $0x0  }
0x19: {  	s7 =	sld [smem:$0x3F9D]  }
0x1a: {  	s8 =	sadd.s32 $0xFFFFE003, lr  }
0x1b: {  	s9 =	sadd.s32 $0xFFFFFEF7, lr;
	s5 =	simm.s32 $0xFFFFFFFF;
	p2 =	slt.u32 s8, $0xFFFFF086  }
0x1c: {  	p1 =	slt.u32 s9, $0xF7A;
	s5 =	simm.s32 @!p2 $0x0  }
0x1d: {  	s5 =	simm.s32 @p1 $0x1;
	p0 =	seq.s32 s7, s2  }
0x1e: {  	s7 =	smul.u32 @!p0 $0xF7A, s2;
	p2 =	seq.s32 @!p0 s5, $0x0  }
0x1f: {  	s9 =	smul.u32 $0xF7A, s1;
	s8 =	simm.s32 @!p0 $0x1BF5;
	p2 =	por !p2, p0  }
0x20: {  	[sflag:s8] =	ssyncset.s32 @!p0 $0xFFFFF086;
	s6 =	sadd.s32 @!p0 s3, s7;
	s7 =	simm.s32 @!p0 $0x108  }
0x21: {  	s3 =	sadd.s32 s3, s9;
	s6 =	sadd.s32 @!p0 $0x88, s6;
	s7 =	simm.s32 @p2 $0x1082  }
0x22: {  	[simem:s7], [sflag:s8] =	dma.local @!p0 [hbm:s6], $0xF7A  }
0x23: {  	s9 =	sor.u32 $0xD0000000, s2;
	s6 =	simm.s32 $0x108;
	_ =	swait.ge @!p0 [sflag:s8], $0x0  }
0x24: {  	s3 =	sadd.s32 $0x88, s3;
	s6 =	simm.s32 @!p1 $0x1082;
	[sflag:s4] =	ssyncset.s32 $0xFFFFF086  }
0x25: {  	[simem:s6], [sflag:s4] =	dma.local [hbm:s3], $0xF7A  }
0x26: {  	[smem:$0x3F9D] =	sst s1;
	(tag) =	ssettag s2;
	_ =	strace s9  }
0x27: {  	s1 =	sld [smem:$0x3FAD]  }
0x28: {  	s2 =	sld [smem:$0x3FAE]  }
0x29: {  	s4 =	sld [smem:$0x3FB0]  }
0x2a: {  	p0 =	seq.s32 s5, $0x0;
	s5 =	sld [smem:$0x3FB1]  }
0x2b: {  	s6 =	sld [smem:$0x3FB2]  }
0x2c: {  	s7 =	sld [smem:$0x3FB3]  }
0x2d: {  	s3 =	simm.s32 $0x108;
	s8 =	sld [smem:$0x3FB4]  }
0x2e: {  	s3 =	simm.s32 @!p0 $0x1082;
	s9 =	sld [smem:$0x3FB5]  }
0x2f: {  	lr =	sadd.s32 s0, s3;
	s0 =	sld [smem:$0x3FAC]  }
0x30: {  	s3 =	sld [smem:$0x3FAF]  }
0x31: {  	[smem:$0x3FB8] =	sst s10  }
0x32: {  	s10 =	sld [smem:$0x3FB6];
	_ =	sdelay $0x3  }
0x33: {  	p0 =	seq.s32 s10, $0x1;
	s10 =	sld [smem:$0x3FB8];
	_ =	sdelay $0x3  }
0x34: {  	[smem:$0x3FB8] =	sst s10  }
0x35: {  	s10 =	sld [smem:$0x3FB7];
	_ =	sdelay $0x3  }
0x36: {  	p1 =	seq.s32 s10, $0x1;
	s10 =	sld [smem:$0x3FB8];
	_ =	sdelay $0x3  }
0x37: {  	[smem:$0x3FB8] =	sst s10  }
0x38: {  	s10 =	sld [smem:$0x3FB9]  }
0x39: {  	_ = 	snop;
	(pc) =	sbr.ind lr, $3  }
0x3a: {  	_ = 	snop  }
0x3b: {  	_ = 	snop  }
0x3c: {  	p2 =	seq.s32 s10, $0x1;
	s10 =	sld [smem:$0x3FB8]  }
0x3d: {  	_ =	shalt  }
0x3e: {  	_ =	shalt  }
0x3f: {  	_ =	shalt  }
0x40: {  	_ =	shalt  }
0x41: {  	_ =	shalt  }
0x42: {  	_ =	shalt  }
0x43: {  	_ =	shalt  }
0x44: {  	_ =	shalt  }
0x45: {  	_ =	shalt  }
0x46: {  	_ =	shalt  }
0x47: {  	_ =	shalt  }
0x48: {  	_ =	shalt  }
0x49: {  	_ =	shalt  }
0x4a: {  	_ =	shalt  }
0x4b: {  	_ =	shalt  }
0x4c: {  	_ =	shalt  }
0x4d: {  	_ =	shalt  }
0x4e: {  	_ =	shalt  }
0x4f: {  	_ =	shalt  }
0x50: {  	_ =	shalt  }
0x51: {  	_ =	shalt  }
0x52: {  	_ =	shalt  }
0x53: {  	_ =	shalt  }
0x54: {  	_ =	shalt  }
0x55: {  	_ =	shalt  }
0x56: {  	_ =	shalt  }
0x57: {  	_ =	shalt  }
0x58: {  	_ =	shalt  }
0x59: {  	_ =	shalt  }
0x5a: {  	_ =	shalt  }
0x5b: {  	_ =	shalt  }
0x5c: {  	_ =	shalt  }
0x5d: {  	_ =	shalt  }
0x5e: {  	_ =	shalt  }
0x5f: {  	_ =	shalt  }
0x60: {  	_ =	shalt  }
0x61: {  	_ =	shalt  }
0x62: {  	_ =	shalt  }
0x63: {  	_ =	shalt  }
0x64: {  	_ =	shalt  }
0x65: {  	_ =	shalt  }
0x66: {  	_ =	shalt  }
0x67: {  	_ =	shalt  }
0x68: {  	_ =	shalt  }
0x69: {  	_ =	shalt  }
0x6a: {  	_ =	shalt  }
0x6b: {  	_ =	shalt  }
0x6c: {  	_ =	shalt  }
0x6d: {  	_ =	shalt  }
0x6e: {  	_ =	shalt  }
0x6f: {  	_ =	shalt  }
0x70: {  	_ =	shalt  }
0x71: {  	_ =	shalt  }
0x72: {  	_ =	shalt  }
0x73: {  	_ =	shalt  }
0x74: {  	_ =	shalt  }
0x75: {  	_ =	shalt  }
0x76: {  	_ =	shalt  }
0x77: {  	_ =	shalt  }
0x78: {  	_ =	shalt  }
0x79: {  	_ =	shalt  }
0x7a: {  	_ =	shalt  }
0x7b: {  	_ =	shalt  }
0x7c: {  	_ =	shalt  }
0x7d: {  	_ =	shalt  }
0x7e: {  	_ =	shalt  }
0x7f: {  	_ =	shalt  }
0x80: {  	_ =	shalt  }
0x81: {  	_ =	shalt  }
0x82: {  	_ =	shalt  }
0x83: {  	_ =	shalt  }
0x84: {  	_ =	shalt  }
0x85: {  	_ =	shalt  }
0x86: {  	_ =	shalt  }
0x87: {  	_ =	shalt  }
.Lfunc_end0:
.L_simem_size_0:
called_computation.1_lowered:
.L_overlay_start_0:
0x88: {  	s2 =	sld [smem:$0x3FD9]  }
0x89: {  	s3 =	sld [smem:$0x3FFE];
	_ =	sdelay $0x1  }
0x8a: {  	s1 =	srdreg.scid  }
0x8b: {  	s0 =	sand.u32 $0x1, s1  }
0x8c: {  	s17 =	sshll.u32 s0, $0xA;
	s2 =	sadd.s32 s3, s2  }
0x8d: {  	s2 =	sadd.s32 s2, s17  }
0x8e: {  	[smem:$0x3FC4] =	sst s2  }
0x8f: {  	_ = 	snop  }
0x90: {  	s2 =	sld [smem:$0x3FD0];
	(tm) =	ssettm $0x1  }
0x91: {  	s18 =	sld [smem:$0x3FFB];
	_ =	sdelay $0x3  }
0x92: {  	_ =	strace s18  }
0x93: {  	s3 =	sld [smem:$0x3FFC];
	_ =	sdelay $0x3  }
0x94: {  	_ =	strace s3  }
0x95: {  	s3 =	sld [smem:$0x3FFD];
	_ =	sdelay $0x3  }
0x96: {  	_ =	strace s3  }
0x97: {  	_ =	strace $0x8FFFFFFF  }
0x98: {  	s19 =	sld [smem:$0x3FDB];
	_ =	sdelay $0x1  }
0x99: {  	s4 =	simm.s32 $_scs_section_size  }
0x9a: {  	s5 =	simm.s32 $_size__tile_overlayer_lowered;
	s6 =	simm.s32 $_tile_overlayer_lowered  }
0x9b: {  	s22 =	simm.s32 $0x1BFF;
	s21 =	sshll.u32 s6, $0x1;
	s3 =	sadd.s32 s4, s19  }
0x9c: {  	s7 =	simm.s32 $0x0;
	s20 =	sshll.u32 s5, $0x1;
	s5 =	sadd.s32 s21, s3  }
0x9d: {  	[timem:s7], [sflag:s22] =	dma.local [hbm:s5], s20  }
0x9e: {  	_ =	swait.ge [sflag:s22], s20  }
0x9f: {  	s4 =	ssub.s32 $0x0, s20;
	[sflag:s22] =	ssyncset.done $0x0  }
0xa0: {  	[sflag:s22] =	ssyncadd.s32 s4;
	_ =	sdelay $0x1  }
0xa1: {  	s23 =	simm.s32 $0x1B8B  }
0xa2: {  	_ =	swait.ge [sflag:s23], $0x1  }
0xa3: {  	[sflag:s23] =	ssyncset.done $0x0  }
0xa4: {  	s25 =	simm.s32 $0x1B8E;
	s24 =	sld [smem:$0x3FFE];
	[sflag:s23] =	ssyncadd.s32 $0xFFFFFFFF  }
0xa5: {  	s26 =	simm.s32 $execute0_lowered;
	[smem:$0x3FD2] =	sst s25  }
0xa6: {  	s5 =	sshll.u32 s26, $0x1;
	_ =	strace $0x80000049;
	[dreg:$0x1] =	wrdreg $0xFFFFFFFF  }
0xa7: {  	s28 =	simm.s32 $_size_execute0_lowered;
	s3 =	sadd.s32 s3, s5;
	[dreg:$0x0] =	wrdreg $0x0  }
0xa8: {  	s5 =	sshll.u32 s28, $0x1;
	[dreg:$0x2] =	wrdreg s3  }
0xa9: {  	[dreg:$0x3] =	wrdreg s5  }
0xaa: {  	[dreg:$0x4] =	wrdreg $0xC0  }
0xab: {  	_ =	task [dreg:s7], $0x5FFFF  }
0xac: {  	[dreg:$0x1] =	wrdreg $0xFFFFFFFF  }
0xad: {  	[dreg:$0x0] =	wrdreg $0x60  }
0xae: {  	[dreg:$0x2] =	wrdreg s2  }
0xaf: {  	[dreg:$0x3] =	wrdreg s24  }
0xb0: {  	[dreg:$0x4] =	wrdreg $0xBC000  }
0xb1: {  	[dreg:$0x5] =	wrdreg $0x9  }
0xb2: {  	_ =	task.clear_ibuf [dreg:s7], $0x6FFFF;
	_ =	strace $0x90000049  }
0xb3: {  	s29 =	simm.s32 $0x9;
	_ =	strace $0x8000004B  }
0xb4: {  	_ =	swait.ge [sflag:s29], $0x1  }
0xb5: {  	[sflag:s29] =	ssyncadd.s32 $0xFFFFFFFF  }
0xb6: {  	_ =	strace $0x9000004B  }
0xb7: {  	_ =	sfence  }
0xb8: {  	s30 =	sld [smem:$0x0];
	_ =	sdelay $0x2  }
0xb9: {  	s31 =	sshll.u32 s1, $0xD;
	s1 =	sshrl.u32 s1, $0x2  }
0xba: {  	s3 =	sand.u32 $0x4000, s31;
	s1 =	sadd.s32 s1, s30  }
0xbb: {  	s0 =	sor.u32 s3, s0;
	s1 =	sshll.u32 s1, $0x11  }
0xbc: {  	s0 =	sor.u32 s1, s0  }
0xbd: {  	s0 =	sadd.s32 $0x8F2B, s0  }
0xbe: {  	[sflag:s0] =	ssyncadd.remote.s32 $0x1  }
0xbf: {  	_ =	sfence.sel $0xFFFF  }
0xc0: {  	[dreg:$0x0] =	wrdreg $0xFFFFFFFF;
	(pc) =	sbr.abs _section_cstart, $3  }
0xc1: {  	[dreg:$0x1] =	wrdreg $0xFFFFFFFF  }
0xc2: {  	_ =	task.clear_ibuf [dreg:s7], $0x2FFFF;
	_ =	strace $0x9FFFFFFF  }
0xc3: {  	(tm) =	ssettm $0x7FFFFFFF  }
tec
execute0_lowered:
.L_overlay_start_1:
0x0: {  	(tag) =	ssettag $0x1  }
0x1: {  	s9 =	rddreg [dreg:$0x0]  }
0x2: {  	s0 =	rddreg [dreg:$0x1]  }
0x3: {  	s2 =	rddreg [dreg:$0x2];
	s10 =	stileid.u32  }
0x4: {  	s1 =	srdreg.scid;
	s24 =	smul.u32 $0x14000, s10  }
0x5: {  	s4 =	simm.s32 $0x0;
	s30 =	simm.s32 $0x800;
	s5 =	smul.u32 $0x12, s10  }
0x6: {  	s31 =	simm.s32 $0x5;
	s1 =	sand.u32 $0x1, s1;
	s8 =	smul.u32 $0x50000, s10  }
0x7: {  	[smem:$0x7FF] =	sst s4;
	s21 =	sadd.s32 $0x15200, s0;
	s4 =	smul.u32 $0x96, s10  }
0x8: {  	s6 =	sadd.s32 $0x1FA00, s0;
	s3 =	smul.u32 $0x140000, s1;
	_ =	strace $0x8000004A  }
0x9: {  	s25 =	ssub.s32 $0x2, s1;
	p0 =	seq.s32 s1, $0x0;
	s28 =	sshrl.u32 s8, $0x2  }
0xa: {  	s7 =	sshrl.u32 s25, $0x1;
	s1 =	sadd.s32 $0x960, s5;
	s8 =	sadd.s32 s28, s2  }
0xb: {  	s3 =	sadd.s32 s24, s3;
	s26 =	ssub.s32 s25, s7;
	s29 =	sadd.s32 $0x12C00, s8  }
0xc: {  	s7 =	simm.s32 $0x96;
	s24 =	smax.u32 s26, $0x1;
	[dreg:$0x5] =	wrdreg s29  }
0xd: {  	s1 =	smov.u32 @p0 s4;
	s25 =	sadd.s32 $0x3C00, s8;
	[dreg:$0x13] =	wrdreg s24  }
0xe: {  	s3 =	sshrl.u32 s3, $0x3;
	s26 =	sadd.s32 $0x7800, s8;
	[dreg:$0x14] =	wrdreg s25  }
0xf: {  	s10 =	sshll.u32 s1, $0x4;
	s28 =	sadd.s32 $0xB400, s8;
	[dreg:$0x15] =	wrdreg s26  }
0x10: {  	s7 =	simm.s32 @!p0 $0x12;
	s1 =	sadd.s32 s9, s10;
	[dreg:$0x16] =	wrdreg s28  }
0x11: {  	s0 =	sadd.s32 s3, s0;
	s5 =	sadd.s32 s21, s10;
	[dreg:$0x6] =	wrdreg s1  }
0x12: {  	s11 =	sor.u32 $0x10, s10;
	s29 =	sadd.s32 $0xF000, s8;
	[dreg:$0x7] =	wrdreg s5  }
0x13: {  	s13 =	sadd.s32 $0x20, s10;
	s12 =	sadd.s32 s9, s11;
	[dreg:$0x17] =	wrdreg s29  }
0x14: {  	s15 =	sadd.s32 $0x30, s10;
	s1 =	sadd.s32 s21, s11;
	[dreg:$0x8] =	wrdreg s12  }
0x15: {  	s16 =	smul.u32 $0xAB, s7;
	s14 =	sadd.s32 s9, s13;
	[dreg:$0x9] =	wrdreg s1  }
0x16: {  	s18 =	sadd.s32 $0x40, s10;
	s17 =	sadd.s32 s9, s15;
	[dreg:$0xa] =	wrdreg s14  }
0x17: {  	s22 =	sadd.s32 $0x50, s10;
	s4 =	sadd.s32 s21, s15;
	[dreg:$0xc] =	wrdreg s17  }
0x18: {  	s19 =	sadd.s32 s9, s18;
	s23 =	sadd.s32 s9, s22;
	[dreg:$0xd] =	wrdreg s4  }
0x19: {  	s0 =	sadd.s32 $0x47A00, s0;
	s9 =	simm.s32 $0x4400;
	[dreg:$0xe] =	wrdreg s19  }
0x1a: {  	s11 =	simm.s32 $0x8000;
	s15 =	simm.s32 $0x0;
	[dreg:$0x10] =	wrdreg s23  }
0x1b: {  	s1 =	sadd.s32 s21, s13;
	s20 =	sshrl.u32 s16, $0x9;
	[dreg:$0x12] =	wrdreg s0  }
0x1c: {  	s12 =	simm.s32 $0x1;
	[dreg:$0xb] =	wrdreg s1;
	s1 =	sadd.s32 s21, s18  }
0x1d: {  	s4 =	smul.u32 $0x600, s20;
	[dreg:$0xf] =	wrdreg s1;
	s1 =	sadd.s32 s21, s22  }
0x1e: {  	s13 =	simm.s32 $0x2;
	s14 =	simm.s32 $0x3;
	[dreg:$0x11] =	wrdreg s1  }
0x1f: {  	v0 =	vimm.f32 $0.0e+00;
	[dreg:$0x4] =	wrdreg s4;
	s1 =	simm.s32 $0x4;
	s4 =	simm.s32 $0x78  }
.LBB2_1:
0x20: {  	s0 =	simm.s32 $0x0  }
0x21: {  	s5 =	sand.u32 $0xFE00, s0  }
0x22: {  	s16 =	sand.u32 $0x70, s0;
	s17 =	sshrl.u32 s5, $0x2  }
0x23: {  	s5 =	simm.s32 $0x40;
	s17 =	sor.u32 s16, s17;
	s16 =	simm.s32 $0x0  }
.LBB2_2:
0x24: {  	p0 =	sne.s32 s5, $0xEFC0  }
0x25: {  	[tilespmem:s17+$0x800] =	vst v0;
	s16 =	sadd.s32 $0x10, s16;
	s17 =	smov.u32 s5;
	s5 =	sadd.s32 $0x40, s5  }
.Ltmp0:
0x26: {  	(pc) =	sbr.rel @p0 .LBB2_2-.Ltmp0, $4  }
0x27: {  	_ = 	snop  }
0x28: {  	s17 =	sand.u32 $0xFE00, s17  }
0x29: {  	s18 =	sand.u32 $0x70, s16;
	s17 =	sshrl.u32 s17, $0x2  }
0x2a: {  	s17 =	sor.u32 s18, s17  }
0x2b: {  	[tilespmem:s17+$0x800] =	vst v0  }
0x2c: {  	[spmem:s8] =	stream.linear.scatter [tilespmem:s30], [sflag:$0x5], $0x3C00, $0x38;
	[tilespmem:$0x1FC00] =	vst v63  }
0x2d: {  	_ =	swait.ge [sflag:s31], $0x3C00  }
0x2e: {  	[sflag:s31] =	ssyncset.done $0x0  }
0x2f: {  	s0 =	rddreg [dreg:$0x14];
	[sflag:s31] =	ssyncadd.s32 $0xFFFFC400  }
0x30: {  	[spmem:s0] =	stream.linear.scatter [tilespmem:s30], [sflag:$0x5], $0x3C00, $0x38;
	[tilespmem:$0x1FC00] =	vst v63  }
0x31: {  	_ =	swait.ge [sflag:s31], $0x3C00  }
0x32: {  	[sflag:s31] =	ssyncset.done $0x0  }
0x33: {  	s5 =	rddreg [dreg:$0x15];
	[sflag:s31] =	ssyncadd.s32 $0xFFFFC400  }
0x34: {  	[spmem:s5] =	stream.linear.scatter [tilespmem:s30], [sflag:$0x5], $0x3C00, $0x38;
	[tilespmem:$0x1FC00] =	vst v63  }
0x35: {  	_ =	swait.ge [sflag:s31], $0x3C00  }
0x36: {  	[sflag:s31] =	ssyncset.done $0x0  }
0x37: {  	s16 =	rddreg [dreg:$0x16];
	[sflag:s31] =	ssyncadd.s32 $0xFFFFC400  }
0x38: {  	[spmem:s16] =	stream.linear.scatter [tilespmem:s30], [sflag:$0x5], $0x3C00, $0x38;
	[tilespmem:$0x1FC00] =	vst v63  }
0x39: {  	_ =	swait.ge [sflag:s31], $0x3C00  }
0x3a: {  	[sflag:s31] =	ssyncset.done $0x0  }
0x3b: {  	s17 =	rddreg [dreg:$0x17];
	[sflag:s31] =	ssyncadd.s32 $0xFFFFC400  }
0x3c: {  	[spmem:s17] =	stream.linear.scatter [tilespmem:s30], [sflag:$0x5], $0x3C00, $0x38;
	[tilespmem:$0x1FC00] =	vst v63  }
0x3d: {  	_ =	swait.ge [sflag:s31], $0x3C00  }
0x3e: {  	[sflag:s31] =	ssyncset.done $0x0  }
0x3f: {  	s18 =	rddreg [dreg:$0x5];
	[sflag:s31] =	ssyncadd.s32 $0xFFFFC400  }
0x40: {  	[spmem:s18] =	stream.linear.scatter [tilespmem:s30], [sflag:$0x5], $0x1400, $0x38;
	[tilespmem:$0x1FC00] =	vst v63  }
0x41: {  	_ =	swait.ge [sflag:s31], $0x1400  }
0x42: {  	[sflag:s31] =	ssyncset.done $0x0  }
0x43: {  	[sflag:s31] =	ssyncadd.s32 $0xFFFFEC00  }
0x44: {  	[bflag:$0x0] =	sbarrier.arrive $0xFFFF  }
0x45: {  	s16 =	simm.s32 $0x0;
	s19 =	rddreg [dreg:$0x6]  }
0x46: {  	[tilespmem:s16], [sflag:$0x4] =	stream.linear.gather [hbm4b:s19+s16], $0x80, $0x38;
	[tilespmem:$0x1FC00] =	vst v63  }
0x47: {  	s3 =	simm.s32 $0x400;
	s20 =	rddreg [dreg:$0x7]  }
0x48: {  	[tilespmem:s3], [sflag:$0x4] =	stream.linear.gather [hbm4b:s20+s16], $0x80, $0x38;
	[tilespmem:$0x1FC00] =	vst v63  }
0x49: {  	s22 =	rddreg [dreg:$0x8];
	s3 =	simm.s32 $0x80  }
0x4a: {  	[tilespmem:s3], [sflag:$0x4] =	stream.linear.gather [hbm4b:s22+s16], $0x80, $0x38;
	[tilespmem:$0x1FC00] =	vst v63  }
0x4b: {  	s5 =	simm.s32 $0x480;
	s23 =	rddreg [dreg:$0x9]  }
0x4c: {  	[tilespmem:s5], [sflag:$0x4] =	stream.linear.gather [hbm4b:s23+s16], $0x80, $0x38;
	[tilespmem:$0x1FC00] =	vst v63  }
0x4d: {  	s24 =	rddreg [dreg:$0xa];
	s5 =	simm.s32 $0x100  }
0x4e: {  	[tilespmem:s5], [sflag:$0x4] =	stream.linear.gather [hbm4b:s24+s16], $0x80, $0x38;
	[tilespmem:$0x1FC00] =	vst v63  }
0x4f: {  	s26 =	simm.s32 $0x500;
	s25 =	rddreg [dreg:$0xb]  }
0x50: {  	[tilespmem:s26], [sflag:$0x4] =	stream.linear.gather [hbm4b:s25+s16], $0x80, $0x38;
	[tilespmem:$0x1FC00] =	vst v63  }
0x51: {  	s29 =	simm.s32 $0x180;
	s28 =	rddreg [dreg:$0xc]  }
0x52: {  	[tilespmem:s29], [sflag:$0x4] =	stream.linear.gather [hbm4b:s28+s16], $0x80, $0x38;
	[tilespmem:$0x1FC00] =	vst v63  }
0x53: {  	s18 =	rddreg [dreg:$0xd];
	s19 =	simm.s32 $0x580  }
0x54: {  	[tilespmem:s19], [sflag:$0x4] =	stream.linear.gather [hbm4b:s18+s16], $0x80, $0x38;
	[tilespmem:$0x1FC00] =	vst v63  }
0x55: {  	s20 =	rddreg [dreg:$0xe];
	s22 =	simm.s32 $0x200  }
0x56: {  	[tilespmem:s22], [sflag:$0x4] =	stream.linear.gather [hbm4b:s20+s16], $0x80, $0x38;
	[tilespmem:$0x1FC00] =	vst v63  }
0x57: {  	s23 =	rddreg [dreg:$0xf];
	s24 =	simm.s32 $0x600  }
0x58: {  	[tilespmem:s24], [sflag:$0x4] =	stream.linear.gather [hbm4b:s23+s16], $0x80, $0x38;
	[tilespmem:$0x1FC00] =	vst v63  }
0x59: {  	s25 =	rddreg [dreg:$0x10];
	s26 =	simm.s32 $0x280  }
0x5a: {  	[tilespmem:s26], [sflag:$0x4] =	stream.linear.gather [hbm4b:s25+s16], $0x80, $0x38;
	[tilespmem:$0x1FC00] =	vst v63  }
0x5b: {  	s28 =	rddreg [dreg:$0x11];
	s29 =	simm.s32 $0x680  }
0x5c: {  	[tilespmem:s29], [sflag:$0x4] =	stream.linear.gather [hbm4b:s28+s16], $0x80, $0x38;
	[tilespmem:$0x1FC00] =	vst v63  }
0x5d: {  	_ =	swait.ge [sflag:s1], $0x80  }
0x5e: {  	[sflag:s1] =	ssyncset.done $0x0  }
0x5f: {  	[sflag:s1] =	ssyncadd.s32 $0xFFFFFF80  }
0x60: {  	_ =	swait.ge [sflag:s1], $0x80  }
0x61: {  	[sflag:s1] =	ssyncset.done $0x0  }
0x62: {  	[sflag:s1] =	ssyncadd.s32 $0xFFFFFF80  }
0x63: {  	[tilespmem:s30], [sflag:$0x1] =	stream.indirect.gather [hbm4b:s6+s4], $0x80, s16, s4, $0xb8;
	[tilespmem:$0x1FC00] =	vst v63  }
0x64: {  	_ =	swait.ge [sflag:s1], $0x80  }
0x65: {  	[sflag:s1] =	ssyncset.done $0x0  }
0x66: {  	[sflag:s1] =	ssyncadd.s32 $0xFFFFFF80  }
0x67: {  	_ =	swait.ge [sflag:s1], $0x80  }
0x68: {  	[sflag:s1] =	ssyncset.done $0x0  }
0x69: {  	[sflag:s1] =	ssyncadd.s32 $0xFFFFFF80  }
0x6a: {  	[tilespmem:s9], [sflag:$0x2] =	stream.indirect.gather [hbm4b:s6+s4], $0x80, s3, s4, $0xb8;
	[tilespmem:$0x1FC00] =	vst v63  }
0x6b: {  	_ =	swait.ge [sflag:s1], $0x80  }
0x6c: {  	[sflag:s1] =	ssyncset.done $0x0  }
0x6d: {  	[sflag:s1] =	ssyncadd.s32 $0xFFFFFF80  }
0x6e: {  	_ =	swait.ge [sflag:s1], $0x80  }
0x6f: {  	s17 =	simm.s32 $0x3;
	[sflag:s1] =	ssyncset.done $0x0  }
0x70: {  	s18 =	simm.s32 $0x8;
	s19 =	simm.s32 $0x6;
	[sflag:s1] =	ssyncadd.s32 $0xFFFFFF80  }
0x71: {  	[tilespmem:s11], [sflag:$0x3] =	stream.indirect.gather [hbm4b:s6+s4], $0x80, s5, s4, $0xb8;
	[tilespmem:$0x1FC00] =	vst v63  }
0x72: {  	s22 =	simm.s32 $0x0;
	s20 =	rddreg [dreg:$0x0];
	s5 =	smov.u32 s21  }
.LBB2_4:
0x73: {  	s23 =	smulhi.u32 $0xAAAAAAAB, s16;
	_ =	sdelay $0x1  }
0x74: {  	s24 =	smulhi.u32 $0xAAAAAAAB, s19;
	s23 =	sshrl.u32 s23, $0x2  }
0x75: {  	_ =	swait.ge [sflag:s12], $0x3C00;
	s23 =	smul.u32 $0xFFFFF400, s23  }
0x76: {  	s25 =	sshra.s32 s22, $0x2;
	s29 =	sadd.s32 $0xFFFFFFFE, s18;
	[sflag:s12] =	ssyncset.done $0x0  }
0x77: {  	p0 =	sge.u32 s29, s7;
	s24 =	sshrl.u32 s24, $0x2;
	s23 =	sshra.s32 s23, $0x2  }
0x78: {  	[sflag:s12] =	ssyncadd.s32 $0xFFFFC400;
	s26 =	sshra.s32 @!p0 s22, $0x2;
	s23 =	sadd.s32 $0x400, s23  }
0x79: {  	s3 =	sadd.s32 @!p0 s20, s10;
	s24 =	smul.u32 $0xFFFFF400, s24;
	s25 =	sadd.s32 s25, s23  }
0x7a: {  	[spmem:s2] =	stream.indirect.scatter.add.f32 [tilespmem:s30], [sflag:$0x5], $0x80, s25, s4, $0xb8;
	[tilespmem:$0x1FC00] =	vst v63  }
0x7b: {  	s29 =	simm.s32 @!p0 $0x0;
	s24 =	sshra.s32 s24, $0x2;
	_ =	swait.ge [sflag:s31], $0x3C00  }
0x7c: {  	s3 =	sadd.s32 @!p0 $0x60, s3;
	s28 =	sadd.s32 @!p0 s26, s24;
	[sflag:s31] =	ssyncset.done $0x0  }
0x7d: {  	s23 =	sadd.s32 $0x400, s24;
	s28 =	sadd.s32 @!p0 $0x300, s28;
	[sflag:s31] =	ssyncadd.s32 $0xFFFFC400  }
0x7e: {  	[tilespmem:s28], [sflag:$0x4] =	stream.linear.gather @!p0 [hbm4b:s3+s29], $0x80, $0x38;
	[tilespmem:$0x1FC00] =	vst v63  }
0x7f: {  	s3 =	sadd.s32 @!p0 s26, s23;
	s26 =	sadd.s32 @!p0 s5, s10  }
0x80: {  	s0 =	sadd.s32 $0xFFFFFFFB, s18;
	s3 =	sadd.s32 @!p0 $0x300, s3;
	s26 =	sadd.s32 @!p0 $0x60, s26  }
0x81: {  	[tilespmem:s3], [sflag:$0x4] =	stream.linear.gather @!p0 [hbm4b:s26+s29], $0x80, $0x38;
	[tilespmem:$0x1FC00] =	vst v63  }
0x82: {  	p0 =	sge.u32 s0, s7;
	s26 =	smulhi.u32 $0xAAAAAAAB, s17  }
0x83: {  	s28 =	simm.s32 @!p0 $0x4  }
0x84: {  	_ =	swait.ge @!p0 [sflag:s28], $0x80;
	s3 =	sshrl.u32 s26, $0x2  }
0x85: {  	[sflag:s28] =	ssyncset.done @!p0 $0x0;
	s3 =	smul.u32 $0xFFFFF400, s3  }
0x86: {  	[sflag:s28] =	ssyncadd.s32 @!p0 $0xFFFFFF80  }
0x87: {  	_ =	swait.ge @!p0 [sflag:s28], $0x80;
	s26 =	sshra.s32 s3, $0x2;
	s3 =	sshra.s32 @!p0 s22, $0x2  }
0x88: {  	s29 =	simm.s32 @!p0 $0x800;
	[sflag:s28] =	ssyncset.done @!p0 $0x0;
	s3 =	sadd.s32 @!p0 s3, s26  }
0x89: {  	[sflag:s28] =	ssyncadd.s32 @!p0 $0xFFFFFF80;
	s3 =	sadd.s32 @!p0 $0x180, s3;
	s28 =	simm.s32 @!p0 $0x78  }
0x8a: {  	[tilespmem:s29], [sflag:$0x1] =	stream.indirect.gather @!p0 [hbm4b:s6+s28], $0x80, s3, s28, $0xb8;
	[tilespmem:$0x1FC00] =	vst v63  }
0x8b: {  	_ =	swait.ge [sflag:s13], $0x3C00  }
0x8c: {  	s0 =	sadd.s32 $0xFFFFFFFF, s18;
	[sflag:s13] =	ssyncset.done $0x0  }
0x8d: {  	s29 =	sadd.s32 $0x80, s25;
	p0 =	sge.u32 s0, s7;
	[sflag:s13] =	ssyncadd.s32 $0xFFFFC400  }
0x8e: {  	[spmem:s2] =	stream.indirect.scatter.add.f32 [tilespmem:s9], [sflag:$0x5], $0x80, s29, s4, $0xb8;
	[tilespmem:$0x1FC00] =	vst v63  }
0x8f: {  	s3 =	sshra.s32 @!p0 s22, $0x2;
	s0 =	simm.s32 @!p0 $0x0;
	_ =	swait.ge [sflag:s31], $0x3C00  }
0x90: {  	s28 =	sadd.s32 @!p0 s3, s24;
	s29 =	sadd.s32 @!p0 s20, s10;
	[sflag:s31] =	ssyncset.done $0x0  }
0x91: {  	s28 =	sadd.s32 @!p0 $0x380, s28;
	s29 =	sadd.s32 @!p0 $0x70, s29;
	[sflag:s31] =	ssyncadd.s32 $0xFFFFC400  }
0x92: {  	[tilespmem:s28], [sflag:$0x4] =	stream.linear.gather @!p0 [hbm4b:s29+s0], $0x80, $0x38;
	[tilespmem:$0x1FC00] =	vst v63  }
0x93: {  	s3 =	sadd.s32 @!p0 s3, s23;
	s28 =	sadd.s32 @!p0 s5, s10  }
0x94: {  	s3 =	sadd.s32 @!p0 $0x380, s3;
	s28 =	sadd.s32 @!p0 $0x70, s28  }
0x95: {  	[tilespmem:s3], [sflag:$0x4] =	stream.linear.gather @!p0 [hbm4b:s28+s0], $0x80, $0x38;
	[tilespmem:$0x1FC00] =	vst v63  }
0x96: {  	s3 =	sadd.s32 $0xFFFFFFFC, s18  }
0x97: {  	p0 =	sge.u32 s3, s7  }
0x98: {  	s0 =	simm.s32 @!p0 $0x4  }
0x99: {  	_ =	swait.ge @!p0 [sflag:s0], $0x80  }
0x9a: {  	[sflag:s0] =	ssyncset.done @!p0 $0x0  }
0x9b: {  	[sflag:s0] =	ssyncadd.s32 @!p0 $0xFFFFFF80  }
0x9c: {  	_ =	swait.ge @!p0 [sflag:s0], $0x80  }
0x9d: {  	s3 =	sshra.s32 @!p0 s22, $0x2;
	[sflag:s0] =	ssyncset.done @!p0 $0x0  }
0x9e: {  	[sflag:s0] =	ssyncadd.s32 @!p0 $0xFFFFFF80;
	s0 =	sadd.s32 @!p0 s3, s26  }
0x9f: {  	s28 =	simm.s32 @!p0 $0x4400;
	s3 =	simm.s32 @!p0 $0x78;
	s0 =	sadd.s32 @!p0 $0x200, s0  }
0xa0: {  	[tilespmem:s28], [sflag:$0x2] =	stream.indirect.gather @!p0 [hbm4b:s6+s3], $0x80, s0, s3, $0xb8;
	[tilespmem:$0x1FC00] =	vst v63  }
0xa1: {  	_ =	swait.ge [sflag:s14], $0x3C00  }
0xa2: {  	p0 =	sge.u32 s18, s7;
	[sflag:s14] =	ssyncset.done $0x0  }
0xa3: {  	s25 =	sadd.s32 $0x100, s25;
	s0 =	sshra.s32 @!p0 s22, $0x2;
	[sflag:s14] =	ssyncadd.s32 $0xFFFFC400  }
0xa4: {  	[spmem:s2] =	stream.indirect.scatter.add.f32 [tilespmem:s11], [sflag:$0x5], $0x80, s25, s4, $0xb8;
	[tilespmem:$0x1FC00] =	vst v63  }
0xa5: {  	s3 =	sadd.s32 @!p0 s0, s24;
	_ =	swait.ge [sflag:s31], $0x3C00  }
0xa6: {  	s24 =	sadd.s32 @!p0 s20, s10;
	s3 =	sadd.s32 @!p0 $0x400, s3;
	[sflag:s31] =	ssyncset.done $0x0  }
0xa7: {  	s24 =	sadd.s32 @!p0 $0x80, s24;
	s25 =	simm.s32 @!p0 $0x0;
	[sflag:s31] =	ssyncadd.s32 $0xFFFFC400  }
0xa8: {  	[tilespmem:s3], [sflag:$0x4] =	stream.linear.gather @!p0 [hbm4b:s24+s25], $0x80, $0x38;
	[tilespmem:$0x1FC00] =	vst v63  }
0xa9: {  	s0 =	sadd.s32 @!p0 s0, s23;
	s3 =	sadd.s32 @!p0 s5, s10  }
0xaa: {  	s28 =	sadd.s32 $0xFFFFFFFD, s18;
	s0 =	sadd.s32 @!p0 $0x400, s0;
	s3 =	sadd.s32 @!p0 $0x80, s3  }
0xab: {  	[tilespmem:s0], [sflag:$0x4] =	stream.linear.gather @!p0 [hbm4b:s3+s25], $0x80, $0x38;
	[tilespmem:$0x1FC00] =	vst v63  }
0xac: {  	p0 =	sge.u32 s28, s7  }
0xad: {  	s0 =	simm.s32 @!p0 $0x4  }
0xae: {  	_ =	swait.ge @!p0 [sflag:s0], $0x80  }
0xaf: {  	[sflag:s0] =	ssyncset.done @!p0 $0x0  }
0xb0: {  	s3 =	sshra.s32 @!p0 s22, $0x2;
	[sflag:s0] =	ssyncadd.s32 @!p0 $0xFFFFFF80  }
0xb1: {  	s23 =	simm.s32 @!p0 $0x8000;
	s22 =	sadd.s32 $0x600, s22;
	_ =	swait.ge @!p0 [sflag:s0], $0x80  }
0xb2: {  	s3 =	sadd.s32 @!p0 s3, s26;
	[sflag:s0] =	ssyncset.done @!p0 $0x0;
	s29 =	rddreg [dreg:$0x4]  }
0xb3: {  	[sflag:s0] =	ssyncadd.s32 @!p0 $0xFFFFFF80;
	s0 =	sadd.s32 @!p0 $0x280, s3;
	s3 =	simm.s32 @!p0 $0x78  }
0xb4: {  	[tilespmem:s23], [sflag:$0x3] =	stream.indirect.gather @!p0 [hbm4b:s6+s3], $0x80, s0, s3, $0xb8;
	[tilespmem:$0x1FC00] =	vst v63  }
0xb5: {  	p0 =	sne.s32 s29, s22  }
.Ltmp1:
0xb6: {  	_ = 	snop;
	(pc) =	sbr.rel @p0 .LBB2_4-.Ltmp1, $3  }
0xb7: {  	_ =	sdelay $0x1  }
0xb8: {  	s16 =	sadd.s32 $0x3, s16;
	s19 =	sadd.s32 $0x3, s19;
	s17 =	sadd.s32 $0x3, s17  }
0xb9: {  	s18 =	sadd.s32 $0x3, s18;
	s20 =	sadd.s32 $0x30, s20;
	s5 =	sadd.s32 $0x30, s5  }
0xba: {  	s0 =	stileid.u32  }
0xbb: {  	[bflag:$0x0] =	sbarrier.arrive $0xFFFF;
	s0 =	sshll.u32 s0, $0x6  }
0xbc: {  	s3 =	sshrl.u32 s8, $0x3;
	s5 =	rddreg [dreg:$0x12];
	s0 =	sor.u32 $0x1C05, s0  }
0xbd: {  	[hbm:s5], [sflag:s0] =	dma.local [spmem:s3], $0x2800  }
0xbe: {  	_ =	swait.ge [sflag:s31], $0x2800  }
0xbf: {  	s15 =	sadd.s32 $0x1, s15;
	s29 =	rddreg [dreg:$0x13]  }
0xc0: {  	p0 =	sne.s32 s15, s29  }
.Ltmp2:
0xc1: {  	_ = 	snop;
	(pc) =	sbr.rel @p0 .LBB2_1-.Ltmp2, $3  }
0xc2: {  	_ =	sdelay $0x1  }
0xc3: {  	[sflag:s31] =	ssyncset.done $0x0  }
0xc4: {  	[sflag:s31] =	ssyncadd.s32 $0xFFFFD800  }
0xc5: {  	_ =	sfence.sel $0x180000  }
0xc6: {  	[bflag:$0x0] =	sbarrier.arrive $0xFFFF  }
0xc7: {  	_ =	strace $0x9000004A  }
0xc8: {  	s0 =	stileid.u32;
	[bflag:$0x2] =	sbarrier.arrive $0xFFFF  }
0xc9: {  	p0 =	sne.s32 s0, $0x0;
	s0 =	rddreg [dreg:$0x3]  }
0xca: {  	s0 =	sadd.s32 @!p0 $0x100000, s0  }
0xcb: {  	[sflag:s0] =	ssyncadd.tile.s32 @!p0 $0x1;
	_ =	shalt  }
.Lfunc_end2:
_tile_overlayer_lowered:
.L_overlay_start_2:
0xcc: {  	(tag) =	ssettag $0x2  }
0xcd: {  	s0 =	rddreg [dreg:$0x0];
	s2 =	stileid.u32  }
0xce: {  	s1 =	rddreg [dreg:$0x1];
	p0 =	sne.s32 s2, $0x0  }
0xcf: {  	s3 =	rddreg [dreg:$0x2];
	[bflag:$0x3] =	sbarrier.arrive $0xFFFF;
	s2 =	simm.s32 @!p0 $0x1C05  }
0xd0: {  	[timem:s3], [sflag:s2] =	dma.local @!p0 [hbm:s0], s1  }
0xd1: {  	s0 =	simm.s32 @!p0 $0x5  }
0xd2: {  	_ =	swait.ge @!p0 [sflag:s0], s1  }
0xd3: {  	s1 =	ssub.s32 @!p0 $0x0, s1;
	[sflag:s0] =	ssyncset.done @!p0 $0x0  }
0xd4: {  	[sflag:s0] =	ssyncadd.s32 @!p0 s1  }
0xd5: {  	[bflag:$0x3] =	sbarrier.arrive $0xFFFF  }
0xd6: {  	_ =	shalt  }

</sc_bundles>
